<compile_context>
chip_gen: v7x
topology: tpu7x:2x2x1
jax: 0.10.2.dev20260603
libtpu: 0.0.44.dev20260713+nightly
codegen_flags: <defaults>
</compile_context>

<pallas_src>
import jax
import jax.numpy as jnp
from jax import lax
from jax.experimental import pallas as pl
from jax.experimental.pallas import tpu as pltpu
from jax.experimental.pallas import tpu_sc as plsc

N = 10000
E = 320000
NC = 2
NS = 16
CHUNK = 128
NCH = E // CHUNK
PK_SH = 14
PK_MASK = (1 << PK_SH) - 1
RNG = 5120
AROWS = 5248
WB = RNG // NS
ZSPAN = AROWS // NS
PROWS = 5008
PSPAN = PROWS // NS

_vector_mesh = plsc.VectorSubcoreMesh(
    core_axis_name="c", subcore_axis_name="s", num_cores=NC, num_subcores=NS)


def _hist_body(pk_hbm, zero_hbm, ones_hbm, out_hbm, ones_v, idx_p0, idx_p1,
               idx_b0, idx_b1, cnt_sp, sem0, sem1):
    c = lax.axis_index("c")
    s = lax.axis_index("s")
    pltpu.sync_copy(ones_hbm, ones_v)
    half = NCH // NC

    def stage(p, t, idx_p, idx_b, sem):
        r = s + t * NS

        @pl.when(r < half)
        def _():
            ch = c * half + r
            pltpu.sync_copy(pk_hbm.at[pl.ds(ch * CHUNK, CHUNK)], idx_p)
            dumpv = RNG + lax.iota(jnp.int32, 16)
            for k in range(CHUNK // 16):
                v = idx_p[pl.ds(16 * k, 16)]
                loc = (v & PK_MASK) - p * RNG
                ok = (loc >= 0) & (loc < RNG)
                idx_b[pl.ds(16 * k, 16)] = jnp.where(ok, loc, dumpv)
            pltpu.async_copy(ones_v, cnt_sp.at[idx_b], sem, add=True)

        return r

    for p in range(2):
        pltpu.sync_copy(zero_hbm, cnt_sp.at[pl.ds(s * ZSPAN, ZSPAN)])
        plsc.subcore_barrier()

        half_jj = (half // NS + 2) // 2

        @pl.loop(0, half_jj)
        def _loop(j):
            rp0 = s + (2 * j - 2) * NS

            @pl.when((j > 0) & (rp0 < half))
            def _():
                pltpu.make_async_copy(ones_v, cnt_sp.at[idx_b0], sem0).wait()

            stage(p, 2 * j, idx_p0, idx_b0, sem0)
            rp1 = s + (2 * j - 1) * NS

            @pl.when((j > 0) & (rp1 < half))
            def _():
                pltpu.make_async_copy(ones_v, cnt_sp.at[idx_b1], sem1).wait()

            stage(p, 2 * j + 1, idx_p1, idx_b1, sem1)

        rl0 = s + (2 * half_jj - 2) * NS
        rl1 = s + (2 * half_jj - 1) * NS

        @pl.when(rl0 < half)
        def _():
            pltpu.make_async_copy(ones_v, cnt_sp.at[idx_b0], sem0).wait()

        @pl.when(rl1 < half)
        def _():
            pltpu.make_async_copy(ones_v, cnt_sp.at[idx_b1], sem1).wait()

        plsc.subcore_barrier()
        pltpu.sync_copy(cnt_sp.at[pl.ds(s * WB, WB)],
                        out_hbm.at[(c * 2 + p) * NS + s])
        plsc.subcore_barrier()


def _degree_partials(packed, zero128, ones128):
    kfn = pl.kernel(
        _hist_body,
        out_type=jax.ShapeDtypeStruct((NC * 2 * NS, WB, 128), jnp.float32),
        mesh=_vector_mesh,
        scratch_types=[
            pltpu.VMEM((CHUNK, 128), jnp.float32),
            pltpu.VMEM((CHUNK,), jnp.int32),
            pltpu.VMEM((CHUNK,), jnp.int32),
            pltpu.VMEM((CHUNK,), jnp.int32),
            pltpu.VMEM((CHUNK,), jnp.int32),
            pltpu.VMEM_SHARED((AROWS, 128), jnp.float32),
            pltpu.SemaphoreType.DMA,
            pltpu.SemaphoreType.DMA,
        ],
    )
    return kfn(packed, zero128, ones128)


def _seg_body(pk_hbm, zero_hbm, u_hbm, out_hbm, ip0, ip1, ip2, ip3, ia0,
              ia1, ia2, ia3, ib0, ib1, ib2, ib3, rw0, rw1, rw2, rw3, acc_sp,
              sg0, sg1, sg2, sg3, ss0, ss1, ss2, ss3):
    idx_ps = [ip0, ip1, ip2, ip3]
    idx_as = [ia0, ia1, ia2, ia3]
    idx_bs = [ib0, ib1, ib2, ib3]
    rowss = [rw0, rw1, rw2, rw3]
    semgs = [sg0, sg1, sg2, sg3]
    semss = [ss0, ss1, ss2, ss3]
    c = lax.axis_index("c")
    s = lax.axis_index("s")

    def load_unpack_gather(t, idx_p, idx_a, idx_b, rows_v, semg):
        r = s + t * NS

        @pl.when(r < NCH)
        def _():
            pltpu.sync_copy(pk_hbm.at[pl.ds(r * CHUNK, CHUNK)], idx_p)
            for k in range(CHUNK // 16):
                v = idx_p[pl.ds(16 * k, 16)]
                d = v >> PK_SH
                idx_a[pl.ds(16 * k, 16)] = ((v & PK_MASK) + c * N
                                            + (d & 1) * (2 * N))
                idx_b[pl.ds(16 * k, 16)] = d >> 1
            pltpu.async_copy(u_hbm.at[idx_a], rows_v, semg)

        return r

    def scatter(r, idx_a, idx_b, rows_v, semg, sems):
        @pl.when(r < NCH)
        def _():
            pltpu.make_async_copy(u_hbm.at[idx_a], rows_v, semg).wait()
            pltpu.async_copy(rows_v, acc_sp.at[idx_b], sems, add=True)

    def scatter_wait(r, idx_b, rows_v, sems):
        @pl.when(r < NCH)
        def _():
            pltpu.make_async_copy(rows_v, acc_sp.at[idx_b], sems).wait()

    pltpu.sync_copy(zero_hbm, acc_sp.at[pl.ds(s * PSPAN, PSPAN)])
    plsc.subcore_barrier()

    NB = 4
    JJ = (NCH // NS + NB) // NB

    @pl.loop(0, JJ)
    def _loop(j):
        for k in range(NB):
            rp = s + (NB * (j - 1) + k) * NS

            @pl.when((j > 0) & (rp < NCH))
            def _():
                pltpu.make_async_copy(rowss[k], acc_sp.at[idx_bs[k]],
                                      semss[k]).wait()

            load_unpack_gather(NB * j + k, idx_ps[k], idx_as[k], idx_bs[k],
                               rowss[k], semgs[k])
        for k in range(NB):
            r = s + (NB * j + k) * NS
            scatter(r, idx_as[k], idx_bs[k], rowss[k], semgs[k], semss[k])

    for k in range(NB):
        rl = s + (NB * (JJ - 1) + k) * NS
        scatter_wait(rl, idx_bs[k], rowss[k], semss[k])

    plsc.subcore_barrier()
    pltpu.sync_copy(acc_sp.at[pl.ds(s * PSPAN, PSPAN)],
                    out_hbm.at[c * NS + s])


def _segment_sum(packed, zerop, u):
    kfn = pl.kernel(
        _seg_body,
        out_type=jax.ShapeDtypeStruct((NC * NS, PSPAN, 128), jnp.float32),
        mesh=_vector_mesh,
        scratch_types=(
            [pltpu.VMEM((CHUNK,), jnp.int32)] * 12
            + [pltpu.VMEM((CHUNK, 128), jnp.float32)] * 4
            + [pltpu.VMEM_SHARED((PROWS, 128), jnp.float32)]
            + [pltpu.SemaphoreType.DMA] * 8
        ),
    )
    return kfn(packed, zerop, u)


def _mm_body(x_ref, w_ref, y_ref):
    y_ref[...] = jnp.dot(x_ref[0], w_ref[...],
                         preferred_element_type=jnp.float32)


def _project(xt, wcat):
    return pl.pallas_call(
        _mm_body,
        grid=(2,),
        in_specs=[
            pl.BlockSpec((1, N, 128), lambda b: (b, 0, 0)),
            pl.BlockSpec((128, 128), lambda b: (0, 0)),
        ],
        out_specs=pl.BlockSpec((N, 128), lambda b: (b, 0)),
        out_shape=jax.ShapeDtypeStruct((2 * N, 128), jnp.float32),
    )(xt, wcat)


def _scale_body(y_ref, hp_ref, u_ref):
    arr = pl.program_id(0) // 2
    deg = hp_ref[0][:, 0:1] + hp_ref[1][:, 0:1]
    dinv = jnp.where(deg > 0, lax.rsqrt(deg), 0.0)
    u64 = y_ref[:, 64:128] * dinv
    u_ref[:, 0:64] = jnp.where(arr == 0, u64, 0.0)
    u_ref[:, 64:128] = jnp.where(arr == 0, 0.0, u64)


def _scale(y, hp):
    return pl.pallas_call(
        _scale_body,
        grid=(4,),
        in_specs=[
            pl.BlockSpec((N, 128), lambda g: (g % 2, 0)),
            pl.BlockSpec((2, N, 16), lambda g: (0, 0, 0)),
        ],
        out_specs=pl.BlockSpec((N, 128), lambda g: (g, 0)),
        out_shape=jax.ShapeDtypeStruct((4 * N, 128), jnp.float32),
    )(y, hp)


def _comb_body(y_ref, s_ref, hp_ref, bz_ref, bh_ref, wl_ref, bl_ref, o_ref):
    deg = hp_ref[0][:, 0:1] + hp_ref[1][:, 0:1]
    dinv = jnp.where(deg > 0, lax.rsqrt(deg), 0.0)
    a = -dinv * s_ref[...]
    z = jax.nn.sigmoid(y_ref[:, 0:32] + a[:, 0:32] + bz_ref[...])
    ht = jnp.tanh(y_ref[:, 32:64] + a[:, 32:64] + bh_ref[...])
    h = (1.0 - z) * ht
    m = jnp.sum(h, axis=0, keepdims=True) * (1.0 / N)
    b = pl.program_id(0)
    o_ref[pl.ds(b, 1), :] = jax.nn.relu(m) @ wl_ref[...] + bl_ref[...]


def _combine(y, sagg, hp, bz, bh, wlin, blin):
    return pl.pallas_call(
        _comb_body,
        grid=(2,),
        in_specs=[
            pl.BlockSpec((N, 128), lambda b: (b, 0)),
            pl.BlockSpec((N, 64), lambda b: (b, 0)),
            pl.BlockSpec((2, N, 16), lambda b: (0, 0, 0)),
            pl.BlockSpec((1, 32), lambda b: (0, 0)),
            pl.BlockSpec((1, 32), lambda b: (0, 0)),
            pl.BlockSpec((32, 8), lambda b: (0, 0)),
            pl.BlockSpec((1, 8), lambda b: (0, 0)),
        ],
        out_specs=pl.BlockSpec((2, 8), lambda b: (0, 0)),
        out_shape=jax.ShapeDtypeStruct((2, 8), jnp.float32),
    )(y, sagg, hp, bz, bh, wlin, blin)


def _unsplit(o):
    o = o.reshape(NC, 2, RNG, 128)
    return jnp.concatenate([o[:, 0], o[:, 1, :N - RNG]], axis=1)


def _unpair(o):
    o = o.reshape(NC, PROWS, 128)[:, :N // 2]
    s = jnp.stack([o[:, :, 0:64], o[:, :, 64:128]], axis=2)
    return s.reshape(NC * N, 64)


@jax.jit
def _run(x, edge_index, Wxz0, Wxz1, bxz, bhz, Wxh0, Wxh1, bxh, bhh, Wlin,
         blin):
    xt = x[:, -1]
    wcat = jnp.concatenate([Wxz0, Wxh0, Wxz1, Wxh1], axis=1)
    src = edge_index[0]
    dst = edge_index[1]
    packed = (dst << PK_SH) | src
    zero128 = jnp.zeros((ZSPAN, 128), jnp.float32)
    zerop = jnp.zeros((PSPAN, 128), jnp.float32)
    ones128 = jnp.ones((CHUNK, 128), jnp.float32)

    hpo = _degree_partials(packed, zero128, ones128)
    hp = _unsplit(hpo)[:, :, 0:16]
    y = _project(xt, wcat)
    u = _scale(y, hp)
    sagg = _unpair(_segment_sum(packed, zerop, u))
    bz = (bxz + bhz).reshape(1, 32)
    bh = (bxh + bhh).reshape(1, 32)
    return _combine(y, sagg, hp, bz, bh, Wlin, blin.reshape(1, 8))


def kernel(x, edge_index, Wxz0, Wxz1, bxz, Whz0, Whz1, bhz, Wxr0, Wxr1, bxr,
           Whr0, Whr1, bhr, Wxh0, Wxh1, bxh, Whh0, Whh1, bhh, Wlin, blin):
    return _run(x, edge_index, Wxz0, Wxz1, bxz, bhz, Wxh0, Wxh1, bxh, bhh,
                Wlin, blin)

# --- scband reference (transcript-rebuilt; emitter-appended) ---
"""Pipeline reference for scband-temporal-gnn-9809705304183 (READ-ONLY COPY).

The authoritative reference and input builder live on the scoring server;
editing this copy changes nothing except your own understanding.
"""

import jax, jax.numpy as jnp
import numpy as np

N_NODES = 10000
N_EDGES = 320000
D_IN = 128
D_H = 32
D_OUT = 8
BATCH = 2
TIME = 4


def setup_inputs(seed: int = 0) -> dict:
    key = jax.random.key(seed)
    ks = jax.random.split(key, 24)
    inp = {}
    inp["x"] = jax.random.normal(ks[0], (BATCH, TIME, N_NODES, D_IN), dtype=jnp.float32)
    inp["edge_index"] = jax.random.randint(ks[1], (2, N_EDGES), 0, N_NODES, dtype=jnp.int32)
    def lin(k, i, o):
        return (jax.random.normal(k, (i, o), dtype=jnp.float32) / np.sqrt(i)).astype(jnp.float32)
    idx = 2
    for nm in ["xz", "hz", "xr", "hr", "xh", "hh"]:
        din = D_IN if nm[0] == "x" else D_H
        inp["W" + nm + "0"] = lin(ks[idx], din, D_H); idx += 1
        inp["W" + nm + "1"] = lin(ks[idx], din, D_H); idx += 1
        inp["b" + nm] = jnp.zeros((D_H,), dtype=jnp.float32)
    inp["Wlin"] = lin(ks[idx], D_H, D_OUT)
    inp["blin"] = jnp.zeros((D_OUT,), dtype=jnp.float32)
    return inp


def _cheb(x, src, dst, norm, n, W0, W1, b):
    # ChebConv, K=2, sym normalization, lambda_max=2.0 -> T0 = x, T1 = L_hat x = -A_norm x
    out = x @ W0
    tx1 = jax.ops.segment_sum(x[src] * norm[:, None], dst, num_segments=n)
    return out + tx1 @ W1 + b


def reference(x, edge_index, Wxz0, Wxz1, bxz, Whz0, Whz1, bhz, Wxr0, Wxr1, bxr, Whr0, Whr1, bhr, Wxh0, Wxh1, bxh, Whh0, Whh1, bhh, Wlin, blin):
    batch, time, n, feats = x.shape
    src = edge_index[0]
    dst = edge_index[1]
    ones = jnp.ones((src.shape[0],), dtype=x.dtype)
    deg = jax.ops.segment_sum(ones, src, num_segments=n)
    dinv = jnp.where(deg > 0, deg ** -0.5, 0.0)
    norm = -dinv[src] * dinv[dst]
    d_h = Wxz0.shape[1]

    def gru_cell(xt):
        # GConvGRU called with H=None each time -> hidden state starts at zeros
        H = jnp.zeros((n, d_h), dtype=x.dtype)
        Z = jax.nn.sigmoid(_cheb(xt, src, dst, norm, n, Wxz0, Wxz1, bxz) + _cheb(H, src, dst, norm, n, Whz0, Whz1, bhz))
        R = jax.nn.sigmoid(_cheb(xt, src, dst, norm, n, Wxr0, Wxr1, bxr) + _cheb(H, src, dst, norm, n, Whr0, Whr1, bhr))
        H_tilde = jnp.tanh(_cheb(xt, src, dst, norm, n, Wxh0, Wxh1, bxh) + _cheb(H * R, src, dst, norm, n, Whh0, Whh1, bhh))
        return Z * H + (1.0 - Z) * H_tilde

    h_seq = []
    for t in range(time):
        hb = [gru_cell(x[b, t]) for b in range(batch)]
        h = jnp.stack(hb)            # [batch, n, d_h]
        h_seq.append(h.mean(axis=1)) # mean over nodes
    hs = jnp.stack(h_seq, axis=1)    # [batch, time, d_h]
    out = jax.nn.relu(hs[:, -1, :]) @ Wlin + blin
    return out

if __name__ == "__main__":
    import jax
    _d = setup_inputs()
    print(jax.jit(kernel)(*tuple(_d.values())))

</pallas_src>

<mosaic_0001>
#map = affine_map<(d0, d1) -> (0)>
#map1 = affine_map<(d0, d1) -> (0, 0)>
#map2 = affine_map<(d0, d1) -> (0, 0, 0)>
module attributes {stable_mosaic.version = 14 : i64} {
  func.func @_hist_body(%arg0: i32, %arg1: i32, %arg2: memref<320000xi32, #tpu.memory_space<hbm>>, %arg3: memref<328x128xf32, #tpu.memory_space<hbm>>, %arg4: memref<128x128xf32, #tpu.memory_space<hbm>>, %arg5: memref<64x320x128xf32, #tpu.memory_space<hbm>>, %arg6: memref<128x128xf32, #tpu.memory_space<vmem>>, %arg7: memref<128xi32, #tpu.memory_space<vmem>>, %arg8: memref<128xi32, #tpu.memory_space<vmem>>, %arg9: memref<128xi32, #tpu.memory_space<vmem>>, %arg10: memref<128xi32, #tpu.memory_space<vmem>>, %arg11: memref<5248x128xf32, #tpu.memory_space<vmem_shared>>, %arg12: memref<!tpu.dma_semaphore, #tpu.memory_space<semaphore_mem>>, %arg13: memref<!tpu.dma_semaphore, #tpu.memory_space<semaphore_mem>>) attributes {dimension_semantics = [#tpu.dimension_semantics<core_parallel>, #tpu.dimension_semantics<subcore_parallel>], iteration_bounds = array<i64: 2, 16>, scalar_prefetch = 0 : i64, scratch_operands = 8 : i64, tpu.core_type = #tpu.core_type<sc_vector_subcore>, window_params = [{transform_indices = #map}, {transform_indices = #map1}, {transform_indices = #map1}, {transform_indices = #map2}]} {
    "tpu.region"() ({
      %run_scoped3A = tpu.sem_alloc : memref<!tpu.dma_semaphore, #tpu.memory_space<semaphore_mem>>
      tpu.enqueue_dma source(%arg4 : memref<128x128xf32, #tpu.memory_space<hbm>>) target(%arg6 : memref<128x128xf32, #tpu.memory_space<vmem>>) target_semaphore(%run_scoped3A : memref<!tpu.dma_semaphore, #tpu.memory_space<semaphore_mem>>)
      tpu.wait_dma2 semaphore(%run_scoped3A : memref<!tpu.dma_semaphore, #tpu.memory_space<semaphore_mem>>) src(%arg4 : memref<128x128xf32, #tpu.memory_space<hbm>>) dst(%arg6 : memref<128x128xf32, #tpu.memory_space<vmem>>)
      tpu.yield
    }) : () -> ()
    %mul3A = arith.constant 328 : i32
    %mul3A_0 = arith.muli %arg1, %mul3A : i32
    "tpu.region"() ({
      %run_scoped3A = tpu.sem_alloc : memref<!tpu.dma_semaphore, #tpu.memory_space<semaphore_mem>>
      %dma_start3A = arith.constant 0 : i32
      %dma_start3A_59 = tpu.memref_slice %arg11[%mul3A_0, %dma_start3A] : memref<5248x128xf32, #tpu.memory_space<vmem_shared>> -> memref<328x128xf32, #tpu.memory_space<vmem_shared>>
      tpu.enqueue_dma source(%arg3 : memref<328x128xf32, #tpu.memory_space<hbm>>) target(%dma_start3A_59 : memref<328x128xf32, #tpu.memory_space<vmem_shared>>) target_semaphore(%run_scoped3A : memref<!tpu.dma_semaphore, #tpu.memory_space<semaphore_mem>>)
      %dma_wait3A = arith.constant 0 : i32
      %dma_wait3A_60 = tpu.memref_slice %arg11[%mul3A_0, %dma_wait3A] : memref<5248x128xf32, #tpu.memory_space<vmem_shared>> -> memref<328x128xf32, #tpu.memory_space<vmem_shared>>
      tpu.wait_dma2 semaphore(%run_scoped3A : memref<!tpu.dma_semaphore, #tpu.memory_space<semaphore_mem>>) src(%arg3 : memref<328x128xf32, #tpu.memory_space<hbm>>) dst(%dma_wait3A_60 : memref<328x128xf32, #tpu.memory_space<vmem_shared>>)
      tpu.yield
    }) : () -> ()
    %barrier3A = arith.constant 0 : index
    tpu.barrier barrier_id(%barrier3A)
    %scan3A = arith.constant 0 : i32
    %scan3A_1 = arith.constant 40 : i32
    %scan3A_2 = arith.addi %scan3A, %scan3A_1 : i32
    %scan3A_3 = arith.constant 1 : i32
    scf.for %scan3A_59 = %scan3A to %scan3A_2 step %scan3A_3  : i32 {
      %mul3A_60 = arith.constant 1 : i32
      %mul3A_61 = arith.muli %scan3A_59, %mul3A_60 : i32
      %add3A_62 = arith.constant 0 : i32
      %add3A_63 = arith.addi %add3A_62, %mul3A_61 : i32
      %mul3A_64 = arith.constant 2 : i32
      %mul3A_65 = arith.muli %mul3A_64, %add3A_63 : i32
      %sub3A = arith.constant 2 : i32
      %sub3A_66 = arith.subi %mul3A_65, %sub3A : i32
      %mul3A_67 = arith.constant 16 : i32
      %mul3A_68 = arith.muli %sub3A_66, %mul3A_67 : i32
      %add3A_69 = arith.addi %arg1, %mul3A_68 : i32
      %gt3A = arith.constant 0 : i32
      %gt3A_70 = arith.cmpi sgt, %add3A_63, %gt3A : i32
      %lt3A_71 = arith.constant 1250 : i32
      %lt3A_72 = arith.cmpi slt, %add3A_69, %lt3A_71 : i32
      %and3A = arith.andi %gt3A_70, %lt3A_72 : i1
      %convert_element_type3A_73 = arith.extui %and3A : i1 to i32
      %cond3A_74 = arith.constant 0 : i32
      %cond3A_75 = arith.cmpi ne, %convert_element_type3A_73, %cond3A_74 : i32
      scf.if %cond3A_75 {
        %dma_wait3A = arith.constant 0 : i32
        %dma_wait3A_113 = arith.constant 0 : i32
        %dma_wait3A_114 = tpu.memref_slice %arg11[%dma_wait3A, %dma_wait3A_113] : memref<5248x128xf32, #tpu.memory_space<vmem_shared>> -> memref<5248x128xf32, #tpu.memory_space<vmem_shared>>
        tpu.wait_indirect_dma semaphore(%arg12 : memref<!tpu.dma_semaphore, #tpu.memory_space<semaphore_mem>>) src(%arg6 : memref<128x128xf32, #tpu.memory_space<vmem>>) dst(%dma_wait3A_114 : memref<5248x128xf32, #tpu.memory_space<vmem_shared>>)
      } else {
      }
      %mul3A_76 = arith.constant 2 : i32
      %mul3A_77 = arith.muli %mul3A_76, %add3A_63 : i32
      %mul3A_78 = arith.constant 16 : i32
      %mul3A_79 = arith.muli %mul3A_77, %mul3A_78 : i32
      %add3A_80 = arith.addi %arg1, %mul3A_79 : i32
      %lt3A_81 = arith.constant 1250 : i32
      %lt3A_82 = arith.cmpi slt, %add3A_80, %lt3A_81 : i32
      %convert_element_type3A_83 = arith.extui %lt3A_82 : i1 to i32
      %cond3A_84 = arith.constant 0 : i32
      %cond3A_85 = arith.cmpi ne, %convert_element_type3A_83, %cond3A_84 : i32
      scf.if %cond3A_85 {
        %mul3A_113 = arith.constant 1250 : i32
        %mul3A_114 = arith.muli %arg0, %mul3A_113 : i32
        %add3A_115 = arith.addi %mul3A_114, %add3A_80 : i32
        %mul3A_116 = arith.constant 128 : i32
        %mul3A_117 = arith.muli %add3A_115, %mul3A_116 : i32
        "tpu.region"() ({
          %run_scoped3A = tpu.sem_alloc : memref<!tpu.dma_semaphore, #tpu.memory_space<semaphore_mem>>
          %dma_start3A_287 = tpu.memref_slice %arg2[%mul3A_117] : memref<320000xi32, #tpu.memory_space<hbm>> -> memref<128xi32, #tpu.memory_space<hbm>>
          %dma_start3A_288 = tpu.memref_slice %arg2[%mul3A_117] : memref<320000xi32, #tpu.memory_space<hbm>> -> memref<128xi32, #tpu.memory_space<hbm>>
          tpu.enqueue_dma source(%dma_start3A_288 : memref<128xi32, #tpu.memory_space<hbm>>) target(%arg7 : memref<128xi32, #tpu.memory_space<vmem>>) target_semaphore(%run_scoped3A : memref<!tpu.dma_semaphore, #tpu.memory_space<semaphore_mem>>)
          %dma_wait3A = tpu.memref_slice %arg2[%mul3A_117] : memref<320000xi32, #tpu.memory_space<hbm>> -> memref<128xi32, #tpu.memory_space<hbm>>
          %dma_wait3A_289 = tpu.memref_slice %arg2[%mul3A_117] : memref<320000xi32, #tpu.memory_space<hbm>> -> memref<128xi32, #tpu.memory_space<hbm>>
          tpu.wait_dma2 semaphore(%run_scoped3A : memref<!tpu.dma_semaphore, #tpu.memory_space<semaphore_mem>>) src(%dma_wait3A_289 : memref<128xi32, #tpu.memory_space<hbm>>) dst(%arg7 : memref<128xi32, #tpu.memory_space<vmem>>)
          tpu.yield
        }) : () -> ()
        %iota3A = tpu.iota {dimensions = array<i32: 0>} : vector<16xi32>
        %add3A_118 = arith.constant 5120 : i32
        %add3A_119 = vector.broadcast %add3A_118 : i32 to vector<16xi32>
        %add3A_120 = arith.addi %add3A_119, %iota3A : vector<16xi32>
        %get3A = arith.constant 0 : index
        %get3A_121 = tpu.vector_load %arg7[%get3A] {strides = array<i32>} : memref<128xi32, #tpu.memory_space<vmem>>, vector<16xi32>,
        %get3A_122 = vector.shape_cast %get3A_121 : vector<16xi32> to vector<16xi32>
        %and3A_123 = arith.constant 16383 : i32
        %and3A_124 = vector.broadcast %and3A_123 : i32 to vector<16xi32>
        %and3A_125 = arith.andi %get3A_122, %and3A_124 : vector<16xi32>
        %sub3A_126 = arith.constant 0 : i32
        %sub3A_127 = vector.broadcast %sub3A_126 : i32 to vector<16xi32>
        %sub3A_128 = arith.subi %and3A_125, %sub3A_127 : vector<16xi32>
        %ge3A = arith.constant 0 : i32
        %ge3A_129 = vector.broadcast %ge3A : i32 to vector<16xi32>
        %ge3A_130 = arith.cmpi sge, %sub3A_128, %ge3A_129 : vector<16xi32>
        %lt3A_131 = arith.constant 5120 : i32
        %lt3A_132 = vector.broadcast %lt3A_131 : i32 to vector<16xi32>
        %lt3A_133 = arith.cmpi slt, %sub3A_128, %lt3A_132 : vector<16xi32>
        %and3A_134 = arith.andi %ge3A_130, %lt3A_133 : vector<16xi1>
        %select_n3A = arith.select %and3A_134, %sub3A_128, %add3A_120 : vector<16xi1>, vector<16xi32>
        %swap3A = arith.constant 0 : index
        %swap3A_135 = tpu.vector_load %arg9[%swap3A] {strides = array<i32>} : memref<128xi32, #tpu.memory_space<vmem>>, vector<16xi32>,
        %swap3A_136 = vector.shape_cast %swap3A_135 : vector<16xi32> to vector<16xi32>
        %swap3A_137 = vector.shape_cast %select_n3A : vector<16xi32> to vector<16xi32>
        tpu.vector_store %arg9[%swap3A], %swap3A_137 {strides = array<i32>} : memref<128xi32, #tpu.memory_space<vmem>>, vector<16xi32>,
        %get3A_138 = arith.constant 16 : index
        %get3A_139 = tpu.vector_load %arg7[%get3A_138] {strides = array<i32>} : memref<128xi32, #tpu.memory_space<vmem>>, vector<16xi32>,
        %get3A_140 = vector.shape_cast %get3A_139 : vector<16xi32> to vector<16xi32>
        %and3A_141 = arith.constant 16383 : i32
        %and3A_142 = vector.broadcast %and3A_141 : i32 to vector<16xi32>
        %and3A_143 = arith.andi %get3A_140, %and3A_142 : vector<16xi32>
        %sub3A_144 = arith.constant 0 : i32
        %sub3A_145 = vector.broadcast %sub3A_144 : i32 to vector<16xi32>
        %sub3A_146 = arith.subi %and3A_143, %sub3A_145 : vector<16xi32>
        %ge3A_147 = arith.constant 0 : i32
        %ge3A_148 = vector.broadcast %ge3A_147 : i32 to vector<16xi32>
        %ge3A_149 = arith.cmpi sge, %sub3A_146, %ge3A_148 : vector<16xi32>
        %lt3A_150 = arith.constant 5120 : i32
        %lt3A_151 = vector.broadcast %lt3A_150 : i32 to vector<16xi32>
        %lt3A_152 = arith.cmpi slt, %sub3A_146, %lt3A_151 : vector<16xi32>
        %and3A_153 = arith.andi %ge3A_149, %lt3A_152 : vector<16xi1>
        %select_n3A_154 = arith.select %and3A_153, %sub3A_146, %add3A_120 : vector<16xi1>, vector<16xi32>
        %swap3A_155 = arith.constant 16 : index
        %swap3A_156 = tpu.vector_load %arg9[%swap3A_155] {strides = array<i32>} : memref<128xi32, #tpu.memory_space<vmem>>, vector<16xi32>,
        %swap3A_157 = vector.shape_cast %swap3A_156 : vector<16xi32> to vector<16xi32>
        %swap3A_158 = vector.shape_cast %select_n3A_154 : vector<16xi32> to vector<16xi32>
        tpu.vector_store %arg9[%swap3A_155], %swap3A_158 {strides = array<i32>} : memref<128xi32, #tpu.memory_space<vmem>>, vector<16xi32>,
        %get3A_159 = arith.constant 32 : index
        %get3A_160 = tpu.vector_load %arg7[%get3A_159] {strides = array<i32>} : memref<128xi32, #tpu.memory_space<vmem>>, vector<16xi32>,
        %get3A_161 = vector.shape_cast %get3A_160 : vector<16xi32> to vector<16xi32>
        %and3A_162 = arith.constant 16383 : i32
        %and3A_163 = vector.broadcast %and3A_162 : i32 to vector<16xi32>
        %and3A_164 = arith.andi %get3A_161, %and3A_163 : vector<16xi32>
        %sub3A_165 = arith.constant 0 : i32
        %sub3A_166 = vector.broadcast %sub3A_165 : i32 to vector<16xi32>
        %sub3A_167 = arith.subi %and3A_164, %sub3A_166 : vector<16xi32>
        %ge3A_168 = arith.constant 0 : i32
        %ge3A_169 = vector.broadcast %ge3A_168 : i32 to vector<16xi32>
        %ge3A_170 = arith.cmpi sge, %sub3A_167, %ge3A_169 : vector<16xi32>
        %lt3A_171 = arith.constant 5120 : i32
        %lt3A_172 = vector.broadcast %lt3A_171 : i32 to vector<16xi32>
        %lt3A_173 = arith.cmpi slt, %sub3A_167, %lt3A_172 : vector<16xi32>
        %and3A_174 = arith.andi %ge3A_170, %lt3A_173 : vector<16xi1>
        %select_n3A_175 = arith.select %and3A_174, %sub3A_167, %add3A_120 : vector<16xi1>, vector<16xi32>
        %swap3A_176 = arith.constant 32 : index
        %swap3A_177 = tpu.vector_load %arg9[%swap3A_176] {strides = array<i32>} : memref<128xi32, #tpu.memory_space<vmem>>, vector<16xi32>,
        %swap3A_178 = vector.shape_cast %swap3A_177 : vector<16xi32> to vector<16xi32>
        %swap3A_179 = vector.shape_cast %select_n3A_175 : vector<16xi32> to vector<16xi32>
        tpu.vector_store %arg9[%swap3A_176], %swap3A_179 {strides = array<i32>} : memref<128xi32, #tpu.memory_space<vmem>>, vector<16xi32>,
        %get3A_180 = arith.constant 48 : index
        %get3A_181 = tpu.vector_load %arg7[%get3A_180] {strides = array<i32>} : memref<128xi32, #tpu.memory_space<vmem>>, vector<16xi32>,
        %get3A_182 = vector.shape_cast %get3A_181 : vector<16xi32> to vector<16xi32>
        %and3A_183 = arith.constant 16383 : i32
        %and3A_184 = vector.broadcast %and3A_183 : i32 to vector<16xi32>
        %and3A_185 = arith.andi %get3A_182, %and3A_184 : vector<16xi32>
        %sub3A_186 = arith.constant 0 : i32
        %sub3A_187 = vector.broadcast %sub3A_186 : i32 to vector<16xi32>
        %sub3A_188 = arith.subi %and3A_185, %sub3A_187 : vector<16xi32>
        %ge3A_189 = arith.constant 0 : i32
        %ge3A_190 = vector.broadcast %ge3A_189 : i32 to vector<16xi32>
        %ge3A_191 = arith.cmpi sge, %sub3A_188, %ge3A_190 : vector<16xi32>
        %lt3A_192 = arith.constant 5120 : i32
        %lt3A_193 = vector.broadcast %lt3A_192 : i32 to vector<16xi32>
        %lt3A_194 = arith.cmpi slt, %sub3A_188, %lt3A_193 : vector<16xi32>
        %and3A_195 = arith.andi %ge3A_191, %lt3A_194 : vector<16xi1>
        %select_n3A_196 = arith.select %and3A_195, %sub3A_188, %add3A_120 : vector<16xi1>, vector<16xi32>
        %swap3A_197 = arith.constant 48 : index
        %swap3A_198 = tpu.vector_load %arg9[%swap3A_197] {strides = array<i32>} : memref<128xi32, #tpu.memory_space<vmem>>, vector<16xi32>,
        %swap3A_199 = vector.shape_cast %swap3A_198 : vector<16xi32> to vector<16xi32>
        %swap3A_200 = vector.shape_cast %select_n3A_196 : vector<16xi32> to vector<16xi32>
        tpu.vector_store %arg9[%swap3A_197], %swap3A_200 {strides = array<i32>} : memref<128xi32, #tpu.memory_space<vmem>>, vector<16xi32>,
        %get3A_201 = arith.constant 64 : index
        %get3A_202 = tpu.vector_load %arg7[%get3A_201] {strides = array<i32>} : memref<128xi32, #tpu.memory_space<vmem>>, vector<16xi32>,
        %get3A_203 = vector.shape_cast %get3A_202 : vector<16xi32> to vector<16xi32>
        %and3A_204 = arith.constant 16383 : i32
        %and3A_205 = vector.broadcast %and3A_204 : i32 to vector<16xi32>
        %and3A_206 = arith.andi %get3A_203, %and3A_205 : vector<16xi32>
        %sub3A_207 = arith.constant 0 : i32
        %sub3A_208 = vector.broadcast %sub3A_207 : i32 to vector<16xi32>
        %sub3A_209 = arith.subi %and3A_206, %sub3A_208 : vector<16xi32>
        %ge3A_210 = arith.constant 0 : i32
        %ge3A_211 = vector.broadcast %ge3A_210 : i32 to vector<16xi32>
        %ge3A_212 = arith.cmpi sge, %sub3A_209, %ge3A_211 : vector<16xi32>
        %lt3A_213 = arith.constant 5120 : i32
        %lt3A_214 = vector.broadcast %lt3A_213 : i32 to vector<16xi32>
        %lt3A_215 = arith.cmpi slt, %sub3A_209, %lt3A_214 : vector<16xi32>
        %and3A_216 = arith.andi %ge3A_212, %lt3A_215 : vector<16xi1>
        %select_n3A_217 = arith.select %and3A_216, %sub3A_209, %add3A_120 : vector<16xi1>, vector<16xi32>
        %swap3A_218 = arith.constant 64 : index
        %swap3A_219 = tpu.vector_load %arg9[%swap3A_218] {strides = array<i32>} : memref<128xi32, #tpu.memory_space<vmem>>, vector<16xi32>,
        %swap3A_220 = vector.shape_cast %swap3A_219 : vector<16xi32> to vector<16xi32>
        %swap3A_221 = vector.shape_cast %select_n3A_217 : vector<16xi32> to vector<16xi32>
        tpu.vector_store %arg9[%swap3A_218], %swap3A_221 {strides = array<i32>} : memref<128xi32, #tpu.memory_space<vmem>>, vector<16xi32>,
        %get3A_222 = arith.constant 80 : index
        %get3A_223 = tpu.vector_load %arg7[%get3A_222] {strides = array<i32>} : memref<128xi32, #tpu.memory_space<vmem>>, vector<16xi32>,
        %get3A_224 = vector.shape_cast %get3A_223 : vector<16xi32> to vector<16xi32>
        %and3A_225 = arith.constant 16383 : i32
        %and3A_226 = vector.broadcast %and3A_225 : i32 to vector<16xi32>
        %and3A_227 = arith.andi %get3A_224, %and3A_226 : vector<16xi32>
        %sub3A_228 = arith.constant 0 : i32
        %sub3A_229 = vector.broadcast %sub3A_228 : i32 to vector<16xi32>
        %sub3A_230 = arith.subi %and3A_227, %sub3A_229 : vector<16xi32>
        %ge3A_231 = arith.constant 0 : i32
        %ge3A_232 = vector.broadcast %ge3A_231 : i32 to vector<16xi32>
        %ge3A_233 = arith.cmpi sge, %sub3A_230, %ge3A_232 : vector<16xi32>
        %lt3A_234 = arith.constant 5120 : i32
        %lt3A_235 = vector.broadcast %lt3A_234 : i32 to vector<16xi32>
        %lt3A_236 = arith.cmpi slt, %sub3A_230, %lt3A_235 : vector<16xi32>
        %and3A_237 = arith.andi %ge3A_233, %lt3A_236 : vector<16xi1>
        %select_n3A_238 = arith.select %and3A_237, %sub3A_230, %add3A_120 : vector<16xi1>, vector<16xi32>
        %swap3A_239 = arith.constant 80 : index
        %swap3A_240 = tpu.vector_load %arg9[%swap3A_239] {strides = array<i32>} : memref<128xi32, #tpu.memory_space<vmem>>, vector<16xi32>,
        %swap3A_241 = vector.shape_cast %swap3A_240 : vector<16xi32> to vector<16xi32>
        %swap3A_242 = vector.shape_cast %select_n3A_238 : vector<16xi32> to vector<16xi32>
        tpu.vector_store %arg9[%swap3A_239], %swap3A_242 {strides = array<i32>} : memref<128xi32, #tpu.memory_space<vmem>>, vector<16xi32>,
        %get3A_243 = arith.constant 96 : index
        %get3A_244 = tpu.vector_load %arg7[%get3A_243] {strides = array<i32>} : memref<128xi32, #tpu.memory_space<vmem>>, vector<16xi32>,
        %get3A_245 = vector.shape_cast %get3A_244 : vector<16xi32> to vector<16xi32>
        %and3A_246 = arith.constant 16383 : i32
        %and3A_247 = vector.broadcast %and3A_246 : i32 to vector<16xi32>
        %and3A_248 = arith.andi %get3A_245, %and3A_247 : vector<16xi32>
        %sub3A_249 = arith.constant 0 : i32
        %sub3A_250 = vector.broadcast %sub3A_249 : i32 to vector<16xi32>
        %sub3A_251 = arith.subi %and3A_248, %sub3A_250 : vector<16xi32>
        %ge3A_252 = arith.constant 0 : i32
        %ge3A_253 = vector.broadcast %ge3A_252 : i32 to vector<16xi32>
        %ge3A_254 = arith.cmpi sge, %sub3A_251, %ge3A_253 : vector<16xi32>
        %lt3A_255 = arith.constant 5120 : i32
        %lt3A_256 = vector.broadcast %lt3A_255 : i32 to vector<16xi32>
        %lt3A_257 = arith.cmpi slt, %sub3A_251, %lt3A_256 : vector<16xi32>
        %and3A_258 = arith.andi %ge3A_254, %lt3A_257 : vector<16xi1>
        %select_n3A_259 = arith.select %and3A_258, %sub3A_251, %add3A_120 : vector<16xi1>, vector<16xi32>
        %swap3A_260 = arith.constant 96 : index
        %swap3A_261 = tpu.vector_load %arg9[%swap3A_260] {strides = array<i32>} : memref<128xi32, #tpu.memory_space<vmem>>, vector<16xi32>,
        %swap3A_262 = vector.shape_cast %swap3A_261 : vector<16xi32> to vector<16xi32>
        %swap3A_263 = vector.shape_cast %select_n3A_259 : vector<16xi32> to vector<16xi32>
        tpu.vector_store %arg9[%swap3A_260], %swap3A_263 {strides = array<i32>} : memref<128xi32, #tpu.memory_space<vmem>>, vector<16xi32>,
        %get3A_264 = arith.constant 112 : index
        %get3A_265 = tpu.vector_load %arg7[%get3A_264] {strides = array<i32>} : memref<128xi32, #tpu.memory_space<vmem>>, vector<16xi32>,
        %get3A_266 = vector.shape_cast %get3A_265 : vector<16xi32> to vector<16xi32>
        %and3A_267 = arith.constant 16383 : i32
        %and3A_268 = vector.broadcast %and3A_267 : i32 to vector<16xi32>
        %and3A_269 = arith.andi %get3A_266, %and3A_268 : vector<16xi32>
        %sub3A_270 = arith.constant 0 : i32
        %sub3A_271 = vector.broadcast %sub3A_270 : i32 to vector<16xi32>
        %sub3A_272 = arith.subi %and3A_269, %sub3A_271 : vector<16xi32>
        %ge3A_273 = arith.constant 0 : i32
        %ge3A_274 = vector.broadcast %ge3A_273 : i32 to vector<16xi32>
        %ge3A_275 = arith.cmpi sge, %sub3A_272, %ge3A_274 : vector<16xi32>
        %lt3A_276 = arith.constant 5120 : i32
        %lt3A_277 = vector.broadcast %lt3A_276 : i32 to vector<16xi32>
        %lt3A_278 = arith.cmpi slt, %sub3A_272, %lt3A_277 : vector<16xi32>
        %and3A_279 = arith.andi %ge3A_275, %lt3A_278 : vector<16xi1>
        %select_n3A_280 = arith.select %and3A_279, %sub3A_272, %add3A_120 : vector<16xi1>, vector<16xi32>
        %swap3A_281 = arith.constant 112 : index
        %swap3A_282 = tpu.vector_load %arg9[%swap3A_281] {strides = array<i32>} : memref<128xi32, #tpu.memory_space<vmem>>, vector<16xi32>,
        %swap3A_283 = vector.shape_cast %swap3A_282 : vector<16xi32> to vector<16xi32>
        %swap3A_284 = vector.shape_cast %select_n3A_280 : vector<16xi32> to vector<16xi32>
        tpu.vector_store %arg9[%swap3A_281], %swap3A_284 {strides = array<i32>} : memref<128xi32, #tpu.memory_space<vmem>>, vector<16xi32>,
        %dma_start3A = arith.constant 0 : i32
        %dma_start3A_285 = arith.constant 0 : i32
        %dma_start3A_286 = tpu.memref_slice %arg11[%dma_start3A, %dma_start3A_285] : memref<5248x128xf32, #tpu.memory_space<vmem_shared>> -> memref<5248x128xf32, #tpu.memory_space<vmem_shared>>
        tpu.enqueue_indirect_dma source(%arg6 : memref<128x128xf32, #tpu.memory_space<vmem>>) target(%dma_start3A_286 : memref<5248x128xf32, #tpu.memory_space<vmem_shared>>) offsets(%arg9 : memref<128xi32, #tpu.memory_space<vmem>>) semaphore(%arg12 : memref<!tpu.dma_semaphore, #tpu.memory_space<semaphore_mem>>) {add = true}
      } else {
      }
      %mul3A_86 = arith.constant 2 : i32
      %mul3A_87 = arith.muli %mul3A_86, %add3A_63 : i32
      %sub3A_88 = arith.constant 1 : i32
      %sub3A_89 = arith.subi %mul3A_87, %sub3A_88 : i32
      %mul3A_90 = arith.constant 16 : i32
      %mul3A_91 = arith.muli %sub3A_89, %mul3A_90 : i32
      %add3A_92 = arith.addi %arg1, %mul3A_91 : i32
      %gt3A_93 = arith.constant 0 : i32
      %gt3A_94 = arith.cmpi sgt, %add3A_63, %gt3A_93 : i32
      %lt3A_95 = arith.constant 1250 : i32
      %lt3A_96 = arith.cmpi slt, %add3A_92, %lt3A_95 : i32
      %and3A_97 = arith.andi %gt3A_94, %lt3A_96 : i1
      %convert_element_type3A_98 = arith.extui %and3A_97 : i1 to i32
      %cond3A_99 = arith.constant 0 : i32
      %cond3A_100 = arith.cmpi ne, %convert_element_type3A_98, %cond3A_99 : i32
      scf.if %cond3A_100 {
        %dma_wait3A = arith.constant 0 : i32
        %dma_wait3A_113 = arith.constant 0 : i32
        %dma_wait3A_114 = tpu.memref_slice %arg11[%dma_wait3A, %dma_wait3A_113] : memref<5248x128xf32, #tpu.memory_space<vmem_shared>> -> memref<5248x128xf32, #tpu.memory_space<vmem_shared>>
        tpu.wait_indirect_dma semaphore(%arg13 : memref<!tpu.dma_semaphore, #tpu.memory_space<semaphore_mem>>) src(%arg6 : memref<128x128xf32, #tpu.memory_space<vmem>>) dst(%dma_wait3A_114 : memref<5248x128xf32, #tpu.memory_space<vmem_shared>>)
      } else {
      }
      %mul3A_101 = arith.constant 2 : i32
      %mul3A_102 = arith.muli %mul3A_101, %add3A_63 : i32
      %add3A_103 = arith.constant 1 : i32
      %add3A_104 = arith.addi %mul3A_102, %add3A_103 : i32
      %mul3A_105 = arith.constant 16 : i32
      %mul3A_106 = arith.muli %add3A_104, %mul3A_105 : i32
      %add3A_107 = arith.addi %arg1, %mul3A_106 : i32
      %lt3A_108 = arith.constant 1250 : i32
      %lt3A_109 = arith.cmpi slt, %add3A_107, %lt3A_108 : i32
      %convert_element_type3A_110 = arith.extui %lt3A_109 : i1 to i32
      %cond3A_111 = arith.constant 0 : i32
      %cond3A_112 = arith.cmpi ne, %convert_element_type3A_110, %cond3A_111 : i32
      scf.if %cond3A_112 {
        %mul3A_113 = arith.constant 1250 : i32
        %mul3A_114 = arith.muli %arg0, %mul3A_113 : i32
        %add3A_115 = arith.addi %mul3A_114, %add3A_107 : i32
        %mul3A_116 = arith.constant 128 : i32
        %mul3A_117 = arith.muli %add3A_115, %mul3A_116 : i32
        "tpu.region"() ({
          %run_scoped3A = tpu.sem_alloc : memref<!tpu.dma_semaphore, #tpu.memory_space<semaphore_mem>>
          %dma_start3A_287 = tpu.memref_slice %arg2[%mul3A_117] : memref<320000xi32, #tpu.memory_space<hbm>> -> memref<128xi32, #tpu.memory_space<hbm>>
          %dma_start3A_288 = tpu.memref_slice %arg2[%mul3A_117] : memref<320000xi32, #tpu.memory_space<hbm>> -> memref<128xi32, #tpu.memory_space<hbm>>
          tpu.enqueue_dma source(%dma_start3A_288 : memref<128xi32, #tpu.memory_space<hbm>>) target(%arg8 : memref<128xi32, #tpu.memory_space<vmem>>) target_semaphore(%run_scoped3A : memref<!tpu.dma_semaphore, #tpu.memory_space<semaphore_mem>>)
          %dma_wait3A = tpu.memref_slice %arg2[%mul3A_117] : memref<320000xi32, #tpu.memory_space<hbm>> -> memref<128xi32, #tpu.memory_space<hbm>>
          %dma_wait3A_289 = tpu.memref_slice %arg2[%mul3A_117] : memref<320000xi32, #tpu.memory_space<hbm>> -> memref<128xi32, #tpu.memory_space<hbm>>
          tpu.wait_dma2 semaphore(%run_scoped3A : memref<!tpu.dma_semaphore, #tpu.memory_space<semaphore_mem>>) src(%dma_wait3A_289 : memref<128xi32, #tpu.memory_space<hbm>>) dst(%arg8 : memref<128xi32, #tpu.memory_space<vmem>>)
          tpu.yield
        }) : () -> ()
        %iota3A = tpu.iota {dimensions = array<i32: 0>} : vector<16xi32>
        %add3A_118 = arith.constant 5120 : i32
        %add3A_119 = vector.broadcast %add3A_118 : i32 to vector<16xi32>
        %add3A_120 = arith.addi %add3A_119, %iota3A : vector<16xi32>
        %get3A = arith.constant 0 : index
        %get3A_121 = tpu.vector_load %arg8[%get3A] {strides = array<i32>} : memref<128xi32, #tpu.memory_space<vmem>>, vector<16xi32>,
        %get3A_122 = vector.shape_cast %get3A_121 : vector<16xi32> to vector<16xi32>
        %and3A_123 = arith.constant 16383 : i32
        %and3A_124 = vector.broadcast %and3A_123 : i32 to vector<16xi32>
        %and3A_125 = arith.andi %get3A_122, %and3A_124 : vector<16xi32>
        %sub3A_126 = arith.constant 0 : i32
        %sub3A_127 = vector.broadcast %sub3A_126 : i32 to vector<16xi32>
        %sub3A_128 = arith.subi %and3A_125, %sub3A_127 : vector<16xi32>
        %ge3A = arith.constant 0 : i32
        %ge3A_129 = vector.broadcast %ge3A : i32 to vector<16xi32>
        %ge3A_130 = arith.cmpi sge, %sub3A_128, %ge3A_129 : vector<16xi32>
        %lt3A_131 = arith.constant 5120 : i32
        %lt3A_132 = vector.broadcast %lt3A_131 : i32 to vector<16xi32>
        %lt3A_133 = arith.cmpi slt, %sub3A_128, %lt3A_132 : vector<16xi32>
        %and3A_134 = arith.andi %ge3A_130, %lt3A_133 : vector<16xi1>
        %select_n3A = arith.select %and3A_134, %sub3A_128, %add3A_120 : vector<16xi1>, vector<16xi32>
        %swap3A = arith.constant 0 : index
        %swap3A_135 = tpu.vector_load %arg10[%swap3A] {strides = array<i32>} : memref<128xi32, #tpu.memory_space<vmem>>, vector<16xi32>,
        %swap3A_136 = vector.shape_cast %swap3A_135 : vector<16xi32> to vector<16xi32>
        %swap3A_137 = vector.shape_cast %select_n3A : vector<16xi32> to vector<16xi32>
        tpu.vector_store %arg10[%swap3A], %swap3A_137 {strides = array<i32>} : memref<128xi32, #tpu.memory_space<vmem>>, vector<16xi32>,
        %get3A_138 = arith.constant 16 : index
        %get3A_139 = tpu.vector_load %arg8[%get3A_138] {strides = array<i32>} : memref<128xi32, #tpu.memory_space<vmem>>, vector<16xi32>,
        %get3A_140 = vector.shape_cast %get3A_139 : vector<16xi32> to vector<16xi32>
        %and3A_141 = arith.constant 16383 : i32
        %and3A_142 = vector.broadcast %and3A_141 : i32 to vector<16xi32>
        %and3A_143 = arith.andi %get3A_140, %and3A_142 : vector<16xi32>
        %sub3A_144 = arith.constant 0 : i32
        %sub3A_145 = vector.broadcast %sub3A_144 : i32 to vector<16xi32>
        %sub3A_146 = arith.subi %and3A_143, %sub3A_145 : vector<16xi32>
        %ge3A_147 = arith.constant 0 : i32
        %ge3A_148 = vector.broadcast %ge3A_147 : i32 to vector<16xi32>
        %ge3A_149 = arith.cmpi sge, %sub3A_146, %ge3A_148 : vector<16xi32>
        %lt3A_150 = arith.constant 5120 : i32
        %lt3A_151 = vector.broadcast %lt3A_150 : i32 to vector<16xi32>
        %lt3A_152 = arith.cmpi slt, %sub3A_146, %lt3A_151 : vector<16xi32>
        %and3A_153 = arith.andi %ge3A_149, %lt3A_152 : vector<16xi1>
        %select_n3A_154 = arith.select %and3A_153, %sub3A_146, %add3A_120 : vector<16xi1>, vector<16xi32>
        %swap3A_155 = arith.constant 16 : index
        %swap3A_156 = tpu.vector_load %arg10[%swap3A_155] {strides = array<i32>} : memref<128xi32, #tpu.memory_space<vmem>>, vector<16xi32>,
        %swap3A_157 = vector.shape_cast %swap3A_156 : vector<16xi32> to vector<16xi32>
        %swap3A_158 = vector.shape_cast %select_n3A_154 : vector<16xi32> to vector<16xi32>
        tpu.vector_store %arg10[%swap3A_155], %swap3A_158 {strides = array<i32>} : memref<128xi32, #tpu.memory_space<vmem>>, vector<16xi32>,
        %get3A_159 = arith.constant 32 : index
        %get3A_160 = tpu.vector_load %arg8[%get3A_159] {strides = array<i32>} : memref<128xi32, #tpu.memory_space<vmem>>, vector<16xi32>,
        %get3A_161 = vector.shape_cast %get3A_160 : vector<16xi32> to vector<16xi32>
        %and3A_162 = arith.constant 16383 : i32
        %and3A_163 = vector.broadcast %and3A_162 : i32 to vector<16xi32>
        %and3A_164 = arith.andi %get3A_161, %and3A_163 : vector<16xi32>
        %sub3A_165 = arith.constant 0 : i32
        %sub3A_166 = vector.broadcast %sub3A_165 : i32 to vector<16xi32>
        %sub3A_167 = arith.subi %and3A_164, %sub3A_166 : vector<16xi32>
        %ge3A_168 = arith.constant 0 : i32
        %ge3A_169 = vector.broadcast %ge3A_168 : i32 to vector<16xi32>
        %ge3A_170 = arith.cmpi sge, %sub3A_167, %ge3A_169 : vector<16xi32>
        %lt3A_171 = arith.constant 5120 : i32
        %lt3A_172 = vector.broadcast %lt3A_171 : i32 to vector<16xi32>
        %lt3A_173 = arith.cmpi slt, %sub3A_167, %lt3A_172 : vector<16xi32>
        %and3A_174 = arith.andi %ge3A_170, %lt3A_173 : vector<16xi1>
        %select_n3A_175 = arith.select %and3A_174, %sub3A_167, %add3A_120 : vector<16xi1>, vector<16xi32>
        %swap3A_176 = arith.constant 32 : index
        %swap3A_177 = tpu.vector_load %arg10[%swap3A_176] {strides = array<i32>} : memref<128xi32, #tpu.memory_space<vmem>>, vector<16xi32>,
        %swap3A_178 = vector.shape_cast %swap3A_177 : vector<16xi32> to vector<16xi32>
        %swap3A_179 = vector.shape_cast %select_n3A_175 : vector<16xi32> to vector<16xi32>
        tpu.vector_store %arg10[%swap3A_176], %swap3A_179 {strides = array<i32>} : memref<128xi32, #tpu.memory_space<vmem>>, vector<16xi32>,
        %get3A_180 = arith.constant 48 : index
        %get3A_181 = tpu.vector_load %arg8[%get3A_180] {strides = array<i32>} : memref<128xi32, #tpu.memory_space<vmem>>, vector<16xi32>,
        %get3A_182 = vector.shape_cast %get3A_181 : vector<16xi32> to vector<16xi32>
        %and3A_183 = arith.constant 16383 : i32
        %and3A_184 = vector.broadcast %and3A_183 : i32 to vector<16xi32>
        %and3A_185 = arith.andi %get3A_182, %and3A_184 : vector<16xi32>
        %sub3A_186 = arith.constant 0 : i32
        %sub3A_187 = vector.broadcast %sub3A_186 : i32 to vector<16xi32>
        %sub3A_188 = arith.subi %and3A_185, %sub3A_187 : vector<16xi32>
        %ge3A_189 = arith.constant 0 : i32
        %ge3A_190 = vector.broadcast %ge3A_189 : i32 to vector<16xi32>
        %ge3A_191 = arith.cmpi sge, %sub3A_188, %ge3A_190 : vector<16xi32>
        %lt3A_192 = arith.constant 5120 : i32
        %lt3A_193 = vector.broadcast %lt3A_192 : i32 to vector<16xi32>
        %lt3A_194 = arith.cmpi slt, %sub3A_188, %lt3A_193 : vector<16xi32>
        %and3A_195 = arith.andi %ge3A_191, %lt3A_194 : vector<16xi1>
        %select_n3A_196 = arith.select %and3A_195, %sub3A_188, %add3A_120 : vector<16xi1>, vector<16xi32>
        %swap3A_197 = arith.constant 48 : index
        %swap3A_198 = tpu.vector_load %arg10[%swap3A_197] {strides = array<i32>} : memref<128xi32, #tpu.memory_space<vmem>>, vector<16xi32>,
        %swap3A_199 = vector.shape_cast %swap3A_198 : vector<16xi32> to vector<16xi32>
        %swap3A_200 = vector.shape_cast %select_n3A_196 : vector<16xi32> to vector<16xi32>
        tpu.vector_store %arg10[%swap3A_197], %swap3A_200 {strides = array<i32>} : memref<128xi32, #tpu.memory_space<vmem>>, vector<16xi32>,
        %get3A_201 = arith.constant 64 : index
        %get3A_202 = tpu.vector_load %arg8[%get3A_201] {strides = array<i32>} : memref<128xi32, #tpu.memory_space<vmem>>, vector<16xi32>,
        %get3A_203 = vector.shape_cast %get3A_202 : vector<16xi32> to vector<16xi32>
        %and3A_204 = arith.constant 16383 : i32
        %and3A_205 = vector.broadcast %and3A_204 : i32 to vector<16xi32>
        %and3A_206 = arith.andi %get3A_203, %and3A_205 : vector<16xi32>
        %sub3A_207 = arith.constant 0 : i32
        %sub3A_208 = vector.broadcast %sub3A_207 : i32 to vector<16xi32>
        %sub3A_209 = arith.subi %and3A_206, %sub3A_208 : vector<16xi32>
        %ge3A_210 = arith.constant 0 : i32
        %ge3A_211 = vector.broadcast %ge3A_210 : i32 to vector<16xi32>
        %ge3A_212 = arith.cmpi sge, %sub3A_209, %ge3A_211 : vector<16xi32>
        %lt3A_213 = arith.constant 5120 : i32
        %lt3A_214 = vector.broadcast %lt3A_213 : i32 to vector<16xi32>
        %lt3A_215 = arith.cmpi slt, %sub3A_209, %lt3A_214 : vector<16xi32>
        %and3A_216 = arith.andi %ge3A_212, %lt3A_215 : vector<16xi1>
        %select_n3A_217 = arith.select %and3A_216, %sub3A_209, %add3A_120 : vector<16xi1>, vector<16xi32>
        %swap3A_218 = arith.constant 64 : index
        %swap3A_219 = tpu.vector_load %arg10[%swap3A_218] {strides = array<i32>} : memref<128xi32, #tpu.memory_space<vmem>>, vector<16xi32>,
        %swap3A_220 = vector.shape_cast %swap3A_219 : vector<16xi32> to vector<16xi32>
        %swap3A_221 = vector.shape_cast %select_n3A_217 : vector<16xi32> to vector<16xi32>
        tpu.vector_store %arg10[%swap3A_218], %swap3A_221 {strides = array<i32>} : memref<128xi32, #tpu.memory_space<vmem>>, vector<16xi32>,
        %get3A_222 = arith.constant 80 : index
        %get3A_223 = tpu.vector_load %arg8[%get3A_222] {strides = array<i32>} : memref<128xi32, #tpu.memory_space<vmem>>, vector<16xi32>,
        %get3A_224 = vector.shape_cast %get3A_223 : vector<16xi32> to vector<16xi32>
        %and3A_225 = arith.constant 16383 : i32
        %and3A_226 = vector.broadcast %and3A_225 : i32 to vector<16xi32>
        %and3A_227 = arith.andi %get3A_224, %and3A_226 : vector<16xi32>
        %sub3A_228 = arith.constant 0 : i32
        %sub3A_229 = vector.broadcast %sub3A_228 : i32 to vector<16xi32>
        %sub3A_230 = arith.subi %and3A_227, %sub3A_229 : vector<16xi32>
        %ge3A_231 = arith.constant 0 : i32
        %ge3A_232 = vector.broadcast %ge3A_231 : i32 to vector<16xi32>
        %ge3A_233 = arith.cmpi sge, %sub3A_230, %ge3A_232 : vector<16xi32>
        %lt3A_234 = arith.constant 5120 : i32
        %lt3A_235 = vector.broadcast %lt3A_234 : i32 to vector<16xi32>
        %lt3A_236 = arith.cmpi slt, %sub3A_230, %lt3A_235 : vector<16xi32>
        %and3A_237 = arith.andi %ge3A_233, %lt3A_236 : vector<16xi1>
        %select_n3A_238 = arith.select %and3A_237, %sub3A_230, %add3A_120 : vector<16xi1>, vector<16xi32>
        %swap3A_239 = arith.constant 80 : index
        %swap3A_240 = tpu.vector_load %arg10[%swap3A_239] {strides = array<i32>} : memref<128xi32, #tpu.memory_space<vmem>>, vector<16xi32>,
        %swap3A_241 = vector.shape_cast %swap3A_240 : vector<16xi32> to vector<16xi32>
        %swap3A_242 = vector.shape_cast %select_n3A_238 : vector<16xi32> to vector<16xi32>
        tpu.vector_store %arg10[%swap3A_239], %swap3A_242 {strides = array<i32>} : memref<128xi32, #tpu.memory_space<vmem>>, vector<16xi32>,
        %get3A_243 = arith.constant 96 : index
        %get3A_244 = tpu.vector_load %arg8[%get3A_243] {strides = array<i32>} : memref<128xi32, #tpu.memory_space<vmem>>, vector<16xi32>,
        %get3A_245 = vector.shape_cast %get3A_244 : vector<16xi32> to vector<16xi32>
        %and3A_246 = arith.constant 16383 : i32
        %and3A_247 = vector.broadcast %and3A_246 : i32 to vector<16xi32>
        %and3A_248 = arith.andi %get3A_245, %and3A_247 : vector<16xi32>
        %sub3A_249 = arith.constant 0 : i32
        %sub3A_250 = vector.broadcast %sub3A_249 : i32 to vector<16xi32>
        %sub3A_251 = arith.subi %and3A_248, %sub3A_250 : vector<16xi32>
        %ge3A_252 = arith.constant 0 : i32
        %ge3A_253 = vector.broadcast %ge3A_252 : i32 to vector<16xi32>
        %ge3A_254 = arith.cmpi sge, %sub3A_251, %ge3A_253 : vector<16xi32>
        %lt3A_255 = arith.constant 5120 : i32
        %lt3A_256 = vector.broadcast %lt3A_255 : i32 to vector<16xi32>
        %lt3A_257 = arith.cmpi slt, %sub3A_251, %lt3A_256 : vector<16xi32>
        %and3A_258 = arith.andi %ge3A_254, %lt3A_257 : vector<16xi1>
        %select_n3A_259 = arith.select %and3A_258, %sub3A_251, %add3A_120 : vector<16xi1>, vector<16xi32>
        %swap3A_260 = arith.constant 96 : index
        %swap3A_261 = tpu.vector_load %arg10[%swap3A_260] {strides = array<i32>} : memref<128xi32, #tpu.memory_space<vmem>>, vector<16xi32>,
        %swap3A_262 = vector.shape_cast %swap3A_261 : vector<16xi32> to vector<16xi32>
        %swap3A_263 = vector.shape_cast %select_n3A_259 : vector<16xi32> to vector<16xi32>
        tpu.vector_store %arg10[%swap3A_260], %swap3A_263 {strides = array<i32>} : memref<128xi32, #tpu.memory_space<vmem>>, vector<16xi32>,
        %get3A_264 = arith.constant 112 : index
        %get3A_265 = tpu.vector_load %arg8[%get3A_264] {strides = array<i32>} : memref<128xi32, #tpu.memory_space<vmem>>, vector<16xi32>,
        %get3A_266 = vector.shape_cast %get3A_265 : vector<16xi32> to vector<16xi32>
        %and3A_267 = arith.constant 16383 : i32
        %and3A_268 = vector.broadcast %and3A_267 : i32 to vector<16xi32>
        %and3A_269 = arith.andi %get3A_266, %and3A_268 : vector<16xi32>
        %sub3A_270 = arith.constant 0 : i32
        %sub3A_271 = vector.broadcast %sub3A_270 : i32 to vector<16xi32>
        %sub3A_272 = arith.subi %and3A_269, %sub3A_271 : vector<16xi32>
        %ge3A_273 = arith.constant 0 : i32
        %ge3A_274 = vector.broadcast %ge3A_273 : i32 to vector<16xi32>
        %ge3A_275 = arith.cmpi sge, %sub3A_272, %ge3A_274 : vector<16xi32>
        %lt3A_276 = arith.constant 5120 : i32
        %lt3A_277 = vector.broadcast %lt3A_276 : i32 to vector<16xi32>
        %lt3A_278 = arith.cmpi slt, %sub3A_272, %lt3A_277 : vector<16xi32>
        %and3A_279 = arith.andi %ge3A_275, %lt3A_278 : vector<16xi1>
        %select_n3A_280 = arith.select %and3A_279, %sub3A_272, %add3A_120 : vector<16xi1>, vector<16xi32>
        %swap3A_281 = arith.constant 112 : index
        %swap3A_282 = tpu.vector_load %arg10[%swap3A_281] {strides = array<i32>} : memref<128xi32, #tpu.memory_space<vmem>>, vector<16xi32>,
        %swap3A_283 = vector.shape_cast %swap3A_282 : vector<16xi32> to vector<16xi32>
        %swap3A_284 = vector.shape_cast %select_n3A_280 : vector<16xi32> to vector<16xi32>
        tpu.vector_store %arg10[%swap3A_281], %swap3A_284 {strides = array<i32>} : memref<128xi32, #tpu.memory_space<vmem>>, vector<16xi32>,
        %dma_start3A = arith.constant 0 : i32
        %dma_start3A_285 = arith.constant 0 : i32
        %dma_start3A_286 = tpu.memref_slice %arg11[%dma_start3A, %dma_start3A_285] : memref<5248x128xf32, #tpu.memory_space<vmem_shared>> -> memref<5248x128xf32, #tpu.memory_space<vmem_shared>>
        tpu.enqueue_indirect_dma source(%arg6 : memref<128x128xf32, #tpu.memory_space<vmem>>) target(%dma_start3A_286 : memref<5248x128xf32, #tpu.memory_space<vmem_shared>>) offsets(%arg10 : memref<128xi32, #tpu.memory_space<vmem>>) semaphore(%arg13 : memref<!tpu.dma_semaphore, #tpu.memory_space<semaphore_mem>>) {add = true}
      } else {
      }
    }
    %scan3A_4 = arith.constant 40 : i32
    %add3A = arith.constant 1248 : i32
    %add3A_5 = arith.addi %arg1, %add3A : i32
    %add3A_6 = arith.constant 1264 : i32
    %add3A_7 = arith.addi %arg1, %add3A_6 : i32
    %lt3A = arith.constant 1250 : i32
    %lt3A_8 = arith.cmpi slt, %add3A_5, %lt3A : i32
    %convert_element_type3A = arith.extui %lt3A_8 : i1 to i32
    %cond3A = arith.constant 0 : i32
    %cond3A_9 = arith.cmpi ne, %convert_element_type3A, %cond3A : i32
    scf.if %cond3A_9 {
      %dma_wait3A = arith.constant 0 : i32
      %dma_wait3A_59 = arith.constant 0 : i32
      %dma_wait3A_60 = tpu.memref_slice %arg11[%dma_wait3A, %dma_wait3A_59] : memref<5248x128xf32, #tpu.memory_space<vmem_shared>> -> memref<5248x128xf32, #tpu.memory_space<vmem_shared>>
      tpu.wait_indirect_dma semaphore(%arg12 : memref<!tpu.dma_semaphore, #tpu.memory_space<semaphore_mem>>) src(%arg6 : memref<128x128xf32, #tpu.memory_space<vmem>>) dst(%dma_wait3A_60 : memref<5248x128xf32, #tpu.memory_space<vmem_shared>>)
    } else {
    }
    %lt3A_10 = arith.constant 1250 : i32
    %lt3A_11 = arith.cmpi slt, %add3A_7, %lt3A_10 : i32
    %convert_element_type3A_12 = arith.extui %lt3A_11 : i1 to i32
    %cond3A_13 = arith.constant 0 : i32
    %cond3A_14 = arith.cmpi ne, %convert_element_type3A_12, %cond3A_13 : i32
    scf.if %cond3A_14 {
      %dma_wait3A = arith.constant 0 : i32
      %dma_wait3A_59 = arith.constant 0 : i32
      %dma_wait3A_60 = tpu.memref_slice %arg11[%dma_wait3A, %dma_wait3A_59] : memref<5248x128xf32, #tpu.memory_space<vmem_shared>> -> memref<5248x128xf32, #tpu.memory_space<vmem_shared>>
      tpu.wait_indirect_dma semaphore(%arg13 : memref<!tpu.dma_semaphore, #tpu.memory_space<semaphore_mem>>) src(%arg6 : memref<128x128xf32, #tpu.memory_space<vmem>>) dst(%dma_wait3A_60 : memref<5248x128xf32, #tpu.memory_space<vmem_shared>>)
    } else {
    }
    %barrier3A_15 = arith.constant 0 : index
    tpu.barrier barrier_id(%barrier3A_15)
    %mul3A_16 = arith.constant 320 : i32
    %mul3A_17 = arith.muli %arg1, %mul3A_16 : i32
    %mul3A_18 = arith.constant 2 : i32
    %mul3A_19 = arith.muli %arg0, %mul3A_18 : i32
    %add3A_20 = arith.constant 0 : i32
    %add3A_21 = arith.addi %mul3A_19, %add3A_20 : i32
    %mul3A_22 = arith.constant 16 : i32
    %mul3A_23 = arith.muli %add3A_21, %mul3A_22 : i32
    %add3A_24 = arith.addi %mul3A_23, %arg1 : i32
    "tpu.region"() ({
      %run_scoped3A = tpu.sem_alloc : memref<!tpu.dma_semaphore, #tpu.memory_space<semaphore_mem>>
      %dma_start3A = arith.constant 0 : i32
      %dma_start3A_59 = arith.constant 0 : i32
      %dma_start3A_60 = tpu.memref_slice %arg5[%add3A_24, %dma_start3A, %dma_start3A_59] : memref<64x320x128xf32, #tpu.memory_space<hbm>> -> memref<1x320x128xf32, #tpu.memory_space<hbm>>
      %dma_start3A_61 = tpu.memref_squeeze %dma_start3A_60 : memref<1x320x128xf32, #tpu.memory_space<hbm>> -> memref<320x128xf32, #tpu.memory_space<hbm>>
      %dma_start3A_62 = arith.constant 0 : i32
      %dma_start3A_63 = tpu.memref_slice %arg11[%mul3A_17, %dma_start3A_62] : memref<5248x128xf32, #tpu.memory_space<vmem_shared>> -> memref<320x128xf32, #tpu.memory_space<vmem_shared>>
      tpu.enqueue_dma source(%dma_start3A_63 : memref<320x128xf32, #tpu.memory_space<vmem_shared>>) target(%dma_start3A_61 : memref<320x128xf32, #tpu.memory_space<hbm>>) target_semaphore(%run_scoped3A : memref<!tpu.dma_semaphore, #tpu.memory_space<semaphore_mem>>)
      %dma_wait3A = arith.constant 0 : i32
      %dma_wait3A_64 = arith.constant 0 : i32
      %dma_wait3A_65 = tpu.memref_slice %arg5[%add3A_24, %dma_wait3A, %dma_wait3A_64] : memref<64x320x128xf32, #tpu.memory_space<hbm>> -> memref<1x320x128xf32, #tpu.memory_space<hbm>>
      %dma_wait3A_66 = tpu.memref_squeeze %dma_wait3A_65 : memref<1x320x128xf32, #tpu.memory_space<hbm>> -> memref<320x128xf32, #tpu.memory_space<hbm>>
      %dma_wait3A_67 = arith.constant 0 : i32
      %dma_wait3A_68 = tpu.memref_slice %arg11[%mul3A_17, %dma_wait3A_67] : memref<5248x128xf32, #tpu.memory_space<vmem_shared>> -> memref<320x128xf32, #tpu.memory_space<vmem_shared>>
      tpu.wait_dma2 semaphore(%run_scoped3A : memref<!tpu.dma_semaphore, #tpu.memory_space<semaphore_mem>>) src(%dma_wait3A_68 : memref<320x128xf32, #tpu.memory_space<vmem_shared>>) dst(%dma_wait3A_66 : memref<320x128xf32, #tpu.memory_space<hbm>>)
      tpu.yield
    }) : () -> ()
    %barrier3A_25 = arith.constant 0 : index
    tpu.barrier barrier_id(%barrier3A_25)
    %mul3A_26 = arith.constant 328 : i32
    %mul3A_27 = arith.muli %arg1, %mul3A_26 : i32
    "tpu.region"() ({
      %run_scoped3A = tpu.sem_alloc : memref<!tpu.dma_semaphore, #tpu.memory_space<semaphore_mem>>
      %dma_start3A = arith.constant 0 : i32
      %dma_start3A_59 = tpu.memref_slice %arg11[%mul3A_27, %dma_start3A] : memref<5248x128xf32, #tpu.memory_space<vmem_shared>> -> memref<328x128xf32, #tpu.memory_space<vmem_shared>>
      tpu.enqueue_dma source(%arg3 : memref<328x128xf32, #tpu.memory_space<hbm>>) target(%dma_start3A_59 : memref<328x128xf32, #tpu.memory_space<vmem_shared>>) target_semaphore(%run_scoped3A : memref<!tpu.dma_semaphore, #tpu.memory_space<semaphore_mem>>)
      %dma_wait3A = arith.constant 0 : i32
      %dma_wait3A_60 = tpu.memref_slice %arg11[%mul3A_27, %dma_wait3A] : memref<5248x128xf32, #tpu.memory_space<vmem_shared>> -> memref<328x128xf32, #tpu.memory_space<vmem_shared>>
      tpu.wait_dma2 semaphore(%run_scoped3A : memref<!tpu.dma_semaphore, #tpu.memory_space<semaphore_mem>>) src(%arg3 : memref<328x128xf32, #tpu.memory_space<hbm>>) dst(%dma_wait3A_60 : memref<328x128xf32, #tpu.memory_space<vmem_shared>>)
      tpu.yield
    }) : () -> ()
    %barrier3A_28 = arith.constant 0 : index
    tpu.barrier barrier_id(%barrier3A_28)
    %scan3A_29 = arith.constant 0 : i32
    %scan3A_30 = arith.constant 40 : i32
    %scan3A_31 = arith.addi %scan3A_29, %scan3A_30 : i32
    %scan3A_32 = arith.constant 1 : i32
    scf.for %scan3A_59 = %scan3A_29 to %scan3A_31 step %scan3A_32  : i32 {
      %mul3A_60 = arith.constant 1 : i32
      %mul3A_61 = arith.muli %scan3A_59, %mul3A_60 : i32
      %add3A_62 = arith.constant 0 : i32
      %add3A_63 = arith.addi %add3A_62, %mul3A_61 : i32
      %mul3A_64 = arith.constant 2 : i32
      %mul3A_65 = arith.muli %mul3A_64, %add3A_63 : i32
      %sub3A = arith.constant 2 : i32
      %sub3A_66 = arith.subi %mul3A_65, %sub3A : i32
      %mul3A_67 = arith.constant 16 : i32
      %mul3A_68 = arith.muli %sub3A_66, %mul3A_67 : i32
      %add3A_69 = arith.addi %arg1, %mul3A_68 : i32
      %gt3A = arith.constant 0 : i32
      %gt3A_70 = arith.cmpi sgt, %add3A_63, %gt3A : i32
      %lt3A_71 = arith.constant 1250 : i32
      %lt3A_72 = arith.cmpi slt, %add3A_69, %lt3A_71 : i32
      %and3A = arith.andi %gt3A_70, %lt3A_72 : i1
      %convert_element_type3A_73 = arith.extui %and3A : i1 to i32
      %cond3A_74 = arith.constant 0 : i32
      %cond3A_75 = arith.cmpi ne, %convert_element_type3A_73, %cond3A_74 : i32
      scf.if %cond3A_75 {
        %dma_wait3A = arith.constant 0 : i32
        %dma_wait3A_113 = arith.constant 0 : i32
        %dma_wait3A_114 = tpu.memref_slice %arg11[%dma_wait3A, %dma_wait3A_113] : memref<5248x128xf32, #tpu.memory_space<vmem_shared>> -> memref<5248x128xf32, #tpu.memory_space<vmem_shared>>
        tpu.wait_indirect_dma semaphore(%arg12 : memref<!tpu.dma_semaphore, #tpu.memory_space<semaphore_mem>>) src(%arg6 : memref<128x128xf32, #tpu.memory_space<vmem>>) dst(%dma_wait3A_114 : memref<5248x128xf32, #tpu.memory_space<vmem_shared>>)
      } else {
      }
      %mul3A_76 = arith.constant 2 : i32
      %mul3A_77 = arith.muli %mul3A_76, %add3A_63 : i32
      %mul3A_78 = arith.constant 16 : i32
      %mul3A_79 = arith.muli %mul3A_77, %mul3A_78 : i32
      %add3A_80 = arith.addi %arg1, %mul3A_79 : i32
      %lt3A_81 = arith.constant 1250 : i32
      %lt3A_82 = arith.cmpi slt, %add3A_80, %lt3A_81 : i32
      %convert_element_type3A_83 = arith.extui %lt3A_82 : i1 to i32
      %cond3A_84 = arith.constant 0 : i32
      %cond3A_85 = arith.cmpi ne, %convert_element_type3A_83, %cond3A_84 : i32
      scf.if %cond3A_85 {
        %mul3A_113 = arith.constant 1250 : i32
        %mul3A_114 = arith.muli %arg0, %mul3A_113 : i32
        %add3A_115 = arith.addi %mul3A_114, %add3A_80 : i32
        %mul3A_116 = arith.constant 128 : i32
        %mul3A_117 = arith.muli %add3A_115, %mul3A_116 : i32
        "tpu.region"() ({
          %run_scoped3A = tpu.sem_alloc : memref<!tpu.dma_semaphore, #tpu.memory_space<semaphore_mem>>
          %dma_start3A_287 = tpu.memref_slice %arg2[%mul3A_117] : memref<320000xi32, #tpu.memory_space<hbm>> -> memref<128xi32, #tpu.memory_space<hbm>>
          %dma_start3A_288 = tpu.memref_slice %arg2[%mul3A_117] : memref<320000xi32, #tpu.memory_space<hbm>> -> memref<128xi32, #tpu.memory_space<hbm>>
          tpu.enqueue_dma source(%dma_start3A_288 : memref<128xi32, #tpu.memory_space<hbm>>) target(%arg7 : memref<128xi32, #tpu.memory_space<vmem>>) target_semaphore(%run_scoped3A : memref<!tpu.dma_semaphore, #tpu.memory_space<semaphore_mem>>)
          %dma_wait3A = tpu.memref_slice %arg2[%mul3A_117] : memref<320000xi32, #tpu.memory_space<hbm>> -> memref<128xi32, #tpu.memory_space<hbm>>
          %dma_wait3A_289 = tpu.memref_slice %arg2[%mul3A_117] : memref<320000xi32, #tpu.memory_space<hbm>> -> memref<128xi32, #tpu.memory_space<hbm>>
          tpu.wait_dma2 semaphore(%run_scoped3A : memref<!tpu.dma_semaphore, #tpu.memory_space<semaphore_mem>>) src(%dma_wait3A_289 : memref<128xi32, #tpu.memory_space<hbm>>) dst(%arg7 : memref<128xi32, #tpu.memory_space<vmem>>)
          tpu.yield
        }) : () -> ()
        %iota3A = tpu.iota {dimensions = array<i32: 0>} : vector<16xi32>
        %add3A_118 = arith.constant 5120 : i32
        %add3A_119 = vector.broadcast %add3A_118 : i32 to vector<16xi32>
        %add3A_120 = arith.addi %add3A_119, %iota3A : vector<16xi32>
        %get3A = arith.constant 0 : index
        %get3A_121 = tpu.vector_load %arg7[%get3A] {strides = array<i32>} : memref<128xi32, #tpu.memory_space<vmem>>, vector<16xi32>,
        %get3A_122 = vector.shape_cast %get3A_121 : vector<16xi32> to vector<16xi32>
        %and3A_123 = arith.constant 16383 : i32
        %and3A_124 = vector.broadcast %and3A_123 : i32 to vector<16xi32>
        %and3A_125 = arith.andi %get3A_122, %and3A_124 : vector<16xi32>
        %sub3A_126 = arith.constant 5120 : i32
        %sub3A_127 = vector.broadcast %sub3A_126 : i32 to vector<16xi32>
        %sub3A_128 = arith.subi %and3A_125, %sub3A_127 : vector<16xi32>
        %ge3A = arith.constant 0 : i32
        %ge3A_129 = vector.broadcast %ge3A : i32 to vector<16xi32>
        %ge3A_130 = arith.cmpi sge, %sub3A_128, %ge3A_129 : vector<16xi32>
        %lt3A_131 = arith.constant 5120 : i32
        %lt3A_132 = vector.broadcast %lt3A_131 : i32 to vector<16xi32>
        %lt3A_133 = arith.cmpi slt, %sub3A_128, %lt3A_132 : vector<16xi32>
        %and3A_134 = arith.andi %ge3A_130, %lt3A_133 : vector<16xi1>
        %select_n3A = arith.select %and3A_134, %sub3A_128, %add3A_120 : vector<16xi1>, vector<16xi32>
        %swap3A = arith.constant 0 : index
        %swap3A_135 = tpu.vector_load %arg9[%swap3A] {strides = array<i32>} : memref<128xi32, #tpu.memory_space<vmem>>, vector<16xi32>,
        %swap3A_136 = vector.shape_cast %swap3A_135 : vector<16xi32> to vector<16xi32>
        %swap3A_137 = vector.shape_cast %select_n3A : vector<16xi32> to vector<16xi32>
        tpu.vector_store %arg9[%swap3A], %swap3A_137 {strides = array<i32>} : memref<128xi32, #tpu.memory_space<vmem>>, vector<16xi32>,
        %get3A_138 = arith.constant 16 : index
        %get3A_139 = tpu.vector_load %arg7[%get3A_138] {strides = array<i32>} : memref<128xi32, #tpu.memory_space<vmem>>, vector<16xi32>,
        %get3A_140 = vector.shape_cast %get3A_139 : vector<16xi32> to vector<16xi32>
        %and3A_141 = arith.constant 16383 : i32
        %and3A_142 = vector.broadcast %and3A_141 : i32 to vector<16xi32>
        %and3A_143 = arith.andi %get3A_140, %and3A_142 : vector<16xi32>
        %sub3A_144 = arith.constant 5120 : i32
        %sub3A_145 = vector.broadcast %sub3A_144 : i32 to vector<16xi32>
        %sub3A_146 = arith.subi %and3A_143, %sub3A_145 : vector<16xi32>
        %ge3A_147 = arith.constant 0 : i32
        %ge3A_148 = vector.broadcast %ge3A_147 : i32 to vector<16xi32>
        %ge3A_149 = arith.cmpi sge, %sub3A_146, %ge3A_148 : vector<16xi32>
        %lt3A_150 = arith.constant 5120 : i32
        %lt3A_151 = vector.broadcast %lt3A_150 : i32 to vector<16xi32>
        %lt3A_152 = arith.cmpi slt, %sub3A_146, %lt3A_151 : vector<16xi32>
        %and3A_153 = arith.andi %ge3A_149, %lt3A_152 : vector<16xi1>
        %select_n3A_154 = arith.select %and3A_153, %sub3A_146, %add3A_120 : vector<16xi1>, vector<16xi32>
        %swap3A_155 = arith.constant 16 : index
        %swap3A_156 = tpu.vector_load %arg9[%swap3A_155] {strides = array<i32>} : memref<128xi32, #tpu.memory_space<vmem>>, vector<16xi32>,
        %swap3A_157 = vector.shape_cast %swap3A_156 : vector<16xi32> to vector<16xi32>
        %swap3A_158 = vector.shape_cast %select_n3A_154 : vector<16xi32> to vector<16xi32>
        tpu.vector_store %arg9[%swap3A_155], %swap3A_158 {strides = array<i32>} : memref<128xi32, #tpu.memory_space<vmem>>, vector<16xi32>,
        %get3A_159 = arith.constant 32 : index
        %get3A_160 = tpu.vector_load %arg7[%get3A_159] {strides = array<i32>} : memref<128xi32, #tpu.memory_space<vmem>>, vector<16xi32>,
        %get3A_161 = vector.shape_cast %get3A_160 : vector<16xi32> to vector<16xi32>
        %and3A_162 = arith.constant 16383 : i32
        %and3A_163 = vector.broadcast %and3A_162 : i32 to vector<16xi32>
        %and3A_164 = arith.andi %get3A_161, %and3A_163 : vector<16xi32>
        %sub3A_165 = arith.constant 5120 : i32
        %sub3A_166 = vector.broadcast %sub3A_165 : i32 to vector<16xi32>
        %sub3A_167 = arith.subi %and3A_164, %sub3A_166 : vector<16xi32>
        %ge3A_168 = arith.constant 0 : i32
        %ge3A_169 = vector.broadcast %ge3A_168 : i32 to vector<16xi32>
        %ge3A_170 = arith.cmpi sge, %sub3A_167, %ge3A_169 : vector<16xi32>
        %lt3A_171 = arith.constant 5120 : i32
        %lt3A_172 = vector.broadcast %lt3A_171 : i32 to vector<16xi32>
        %lt3A_173 = arith.cmpi slt, %sub3A_167, %lt3A_172 : vector<16xi32>
        %and3A_174 = arith.andi %ge3A_170, %lt3A_173 : vector<16xi1>
        %select_n3A_175 = arith.select %and3A_174, %sub3A_167, %add3A_120 : vector<16xi1>, vector<16xi32>
        %swap3A_176 = arith.constant 32 : index
        %swap3A_177 = tpu.vector_load %arg9[%swap3A_176] {strides = array<i32>} : memref<128xi32, #tpu.memory_space<vmem>>, vector<16xi32>,
        %swap3A_178 = vector.shape_cast %swap3A_177 : vector<16xi32> to vector<16xi32>
        %swap3A_179 = vector.shape_cast %select_n3A_175 : vector<16xi32> to vector<16xi32>
        tpu.vector_store %arg9[%swap3A_176], %swap3A_179 {strides = array<i32>} : memref<128xi32, #tpu.memory_space<vmem>>, vector<16xi32>,
        %get3A_180 = arith.constant 48 : index
        %get3A_181 = tpu.vector_load %arg7[%get3A_180] {strides = array<i32>} : memref<128xi32, #tpu.memory_space<vmem>>, vector<16xi32>,
        %get3A_182 = vector.shape_cast %get3A_181 : vector<16xi32> to vector<16xi32>
        %and3A_183 = arith.constant 16383 : i32
        %and3A_184 = vector.broadcast %and3A_183 : i32 to vector<16xi32>
        %and3A_185 = arith.andi %get3A_182, %and3A_184 : vector<16xi32>
        %sub3A_186 = arith.constant 5120 : i32
        %sub3A_187 = vector.broadcast %sub3A_186 : i32 to vector<16xi32>
        %sub3A_188 = arith.subi %and3A_185, %sub3A_187 : vector<16xi32>
        %ge3A_189 = arith.constant 0 : i32
        %ge3A_190 = vector.broadcast %ge3A_189 : i32 to vector<16xi32>
        %ge3A_191 = arith.cmpi sge, %sub3A_188, %ge3A_190 : vector<16xi32>
        %lt3A_192 = arith.constant 5120 : i32
        %lt3A_193 = vector.broadcast %lt3A_192 : i32 to vector<16xi32>
        %lt3A_194 = arith.cmpi slt, %sub3A_188, %lt3A_193 : vector<16xi32>
        %and3A_195 = arith.andi %ge3A_191, %lt3A_194 : vector<16xi1>
        %select_n3A_196 = arith.select %and3A_195, %sub3A_188, %add3A_120 : vector<16xi1>, vector<16xi32>
        %swap3A_197 = arith.constant 48 : index
        %swap3A_198 = tpu.vector_load %arg9[%swap3A_197] {strides = array<i32>} : memref<128xi32, #tpu.memory_space<vmem>>, vector<16xi32>,
        %swap3A_199 = vector.shape_cast %swap3A_198 : vector<16xi32> to vector<16xi32>
        %swap3A_200 = vector.shape_cast %select_n3A_196 : vector<16xi32> to vector<16xi32>
        tpu.vector_store %arg9[%swap3A_197], %swap3A_200 {strides = array<i32>} : memref<128xi32, #tpu.memory_space<vmem>>, vector<16xi32>,
        %get3A_201 = arith.constant 64 : index
        %get3A_202 = tpu.vector_load %arg7[%get3A_201] {strides = array<i32>} : memref<128xi32, #tpu.memory_space<vmem>>, vector<16xi32>,
        %get3A_203 = vector.shape_cast %get3A_202 : vector<16xi32> to vector<16xi32>
        %and3A_204 = arith.constant 16383 : i32
        %and3A_205 = vector.broadcast %and3A_204 : i32 to vector<16xi32>
        %and3A_206 = arith.andi %get3A_203, %and3A_205 : vector<16xi32>
        %sub3A_207 = arith.constant 5120 : i32
        %sub3A_208 = vector.broadcast %sub3A_207 : i32 to vector<16xi32>
        %sub3A_209 = arith.subi %and3A_206, %sub3A_208 : vector<16xi32>
        %ge3A_210 = arith.constant 0 : i32
        %ge3A_211 = vector.broadcast %ge3A_210 : i32 to vector<16xi32>
        %ge3A_212 = arith.cmpi sge, %sub3A_209, %ge3A_211 : vector<16xi32>
        %lt3A_213 = arith.constant 5120 : i32
        %lt3A_214 = vector.broadcast %lt3A_213 : i32 to vector<16xi32>
        %lt3A_215 = arith.cmpi slt, %sub3A_209, %lt3A_214 : vector<16xi32>
        %and3A_216 = arith.andi %ge3A_212, %lt3A_215 : vector<16xi1>
        %select_n3A_217 = arith.select %and3A_216, %sub3A_209, %add3A_120 : vector<16xi1>, vector<16xi32>
        %swap3A_218 = arith.constant 64 : index
        %swap3A_219 = tpu.vector_load %arg9[%swap3A_218] {strides = array<i32>} : memref<128xi32, #tpu.memory_space<vmem>>, vector<16xi32>,
        %swap3A_220 = vector.shape_cast %swap3A_219 : vector<16xi32> to vector<16xi32>
        %swap3A_221 = vector.shape_cast %select_n3A_217 : vector<16xi32> to vector<16xi32>
        tpu.vector_store %arg9[%swap3A_218], %swap3A_221 {strides = array<i32>} : memref<128xi32, #tpu.memory_space<vmem>>, vector<16xi32>,
        %get3A_222 = arith.constant 80 : index
        %get3A_223 = tpu.vector_load %arg7[%get3A_222] {strides = array<i32>} : memref<128xi32, #tpu.memory_space<vmem>>, vector<16xi32>,
        %get3A_224 = vector.shape_cast %get3A_223 : vector<16xi32> to vector<16xi32>
        %and3A_225 = arith.constant 16383 : i32
        %and3A_226 = vector.broadcast %and3A_225 : i32 to vector<16xi32>
        %and3A_227 = arith.andi %get3A_224, %and3A_226 : vector<16xi32>
        %sub3A_228 = arith.constant 5120 : i32
        %sub3A_229 = vector.broadcast %sub3A_228 : i32 to vector<16xi32>
        %sub3A_230 = arith.subi %and3A_227, %sub3A_229 : vector<16xi32>
        %ge3A_231 = arith.constant 0 : i32
        %ge3A_232 = vector.broadcast %ge3A_231 : i32 to vector<16xi32>
        %ge3A_233 = arith.cmpi sge, %sub3A_230, %ge3A_232 : vector<16xi32>
        %lt3A_234 = arith.constant 5120 : i32
        %lt3A_235 = vector.broadcast %lt3A_234 : i32 to vector<16xi32>
        %lt3A_236 = arith.cmpi slt, %sub3A_230, %lt3A_235 : vector<16xi32>
        %and3A_237 = arith.andi %ge3A_233, %lt3A_236 : vector<16xi1>
        %select_n3A_238 = arith.select %and3A_237, %sub3A_230, %add3A_120 : vector<16xi1>, vector<16xi32>
        %swap3A_239 = arith.constant 80 : index
        %swap3A_240 = tpu.vector_load %arg9[%swap3A_239] {strides = array<i32>} : memref<128xi32, #tpu.memory_space<vmem>>, vector<16xi32>,
        %swap3A_241 = vector.shape_cast %swap3A_240 : vector<16xi32> to vector<16xi32>
        %swap3A_242 = vector.shape_cast %select_n3A_238 : vector<16xi32> to vector<16xi32>
        tpu.vector_store %arg9[%swap3A_239], %swap3A_242 {strides = array<i32>} : memref<128xi32, #tpu.memory_space<vmem>>, vector<16xi32>,
        %get3A_243 = arith.constant 96 : index
        %get3A_244 = tpu.vector_load %arg7[%get3A_243] {strides = array<i32>} : memref<128xi32, #tpu.memory_space<vmem>>, vector<16xi32>,
        %get3A_245 = vector.shape_cast %get3A_244 : vector<16xi32> to vector<16xi32>
        %and3A_246 = arith.constant 16383 : i32
        %and3A_247 = vector.broadcast %and3A_246 : i32 to vector<16xi32>
        %and3A_248 = arith.andi %get3A_245, %and3A_247 : vector<16xi32>
        %sub3A_249 = arith.constant 5120 : i32
        %sub3A_250 = vector.broadcast %sub3A_249 : i32 to vector<16xi32>
        %sub3A_251 = arith.subi %and3A_248, %sub3A_250 : vector<16xi32>
        %ge3A_252 = arith.constant 0 : i32
        %ge3A_253 = vector.broadcast %ge3A_252 : i32 to vector<16xi32>
        %ge3A_254 = arith.cmpi sge, %sub3A_251, %ge3A_253 : vector<16xi32>
        %lt3A_255 = arith.constant 5120 : i32
        %lt3A_256 = vector.broadcast %lt3A_255 : i32 to vector<16xi32>
        %lt3A_257 = arith.cmpi slt, %sub3A_251, %lt3A_256 : vector<16xi32>
        %and3A_258 = arith.andi %ge3A_254, %lt3A_257 : vector<16xi1>
        %select_n3A_259 = arith.select %and3A_258, %sub3A_251, %add3A_120 : vector<16xi1>, vector<16xi32>
        %swap3A_260 = arith.constant 96 : index
        %swap3A_261 = tpu.vector_load %arg9[%swap3A_260] {strides = array<i32>} : memref<128xi32, #tpu.memory_space<vmem>>, vector<16xi32>,
        %swap3A_262 = vector.shape_cast %swap3A_261 : vector<16xi32> to vector<16xi32>
        %swap3A_263 = vector.shape_cast %select_n3A_259 : vector<16xi32> to vector<16xi32>
        tpu.vector_store %arg9[%swap3A_260], %swap3A_263 {strides = array<i32>} : memref<128xi32, #tpu.memory_space<vmem>>, vector<16xi32>,
        %get3A_264 = arith.constant 112 : index
        %get3A_265 = tpu.vector_load %arg7[%get3A_264] {strides = array<i32>} : memref<128xi32, #tpu.memory_space<vmem>>, vector<16xi32>,
        %get3A_266 = vector.shape_cast %get3A_265 : vector<16xi32> to vector<16xi32>
        %and3A_267 = arith.constant 16383 : i32
        %and3A_268 = vector.broadcast %and3A_267 : i32 to vector<16xi32>
        %and3A_269 = arith.andi %get3A_266, %and3A_268 : vector<16xi32>
        %sub3A_270 = arith.constant 5120 : i32
        %sub3A_271 = vector.broadcast %sub3A_270 : i32 to vector<16xi32>
        %sub3A_272 = arith.subi %and3A_269, %sub3A_271 : vector<16xi32>
        %ge3A_273 = arith.constant 0 : i32
        %ge3A_274 = vector.broadcast %ge3A_273 : i32 to vector<16xi32>
        %ge3A_275 = arith.cmpi sge, %sub3A_272, %ge3A_274 : vector<16xi32>
        %lt3A_276 = arith.constant 5120 : i32
        %lt3A_277 = vector.broadcast %lt3A_276 : i32 to vector<16xi32>
        %lt3A_278 = arith.cmpi slt, %sub3A_272, %lt3A_277 : vector<16xi32>
        %and3A_279 = arith.andi %ge3A_275, %lt3A_278 : vector<16xi1>
        %select_n3A_280 = arith.select %and3A_279, %sub3A_272, %add3A_120 : vector<16xi1>, vector<16xi32>
        %swap3A_281 = arith.constant 112 : index
        %swap3A_282 = tpu.vector_load %arg9[%swap3A_281] {strides = array<i32>} : memref<128xi32, #tpu.memory_space<vmem>>, vector<16xi32>,
        %swap3A_283 = vector.shape_cast %swap3A_282 : vector<16xi32> to vector<16xi32>
        %swap3A_284 = vector.shape_cast %select_n3A_280 : vector<16xi32> to vector<16xi32>
        tpu.vector_store %arg9[%swap3A_281], %swap3A_284 {strides = array<i32>} : memref<128xi32, #tpu.memory_space<vmem>>, vector<16xi32>,
        %dma_start3A = arith.constant 0 : i32
        %dma_start3A_285 = arith.constant 0 : i32
        %dma_start3A_286 = tpu.memref_slice %arg11[%dma_start3A, %dma_start3A_285] : memref<5248x128xf32, #tpu.memory_space<vmem_shared>> -> memref<5248x128xf32, #tpu.memory_space<vmem_shared>>
        tpu.enqueue_indirect_dma source(%arg6 : memref<128x128xf32, #tpu.memory_space<vmem>>) target(%dma_start3A_286 : memref<5248x128xf32, #tpu.memory_space<vmem_shared>>) offsets(%arg9 : memref<128xi32, #tpu.memory_space<vmem>>) semaphore(%arg12 : memref<!tpu.dma_semaphore, #tpu.memory_space<semaphore_mem>>) {add = true}
      } else {
      }
      %mul3A_86 = arith.constant 2 : i32
      %mul3A_87 = arith.muli %mul3A_86, %add3A_63 : i32
      %sub3A_88 = arith.constant 1 : i32
      %sub3A_89 = arith.subi %mul3A_87, %sub3A_88 : i32
      %mul3A_90 = arith.constant 16 : i32
      %mul3A_91 = arith.muli %sub3A_89, %mul3A_90 : i32
      %add3A_92 = arith.addi %arg1, %mul3A_91 : i32
      %gt3A_93 = arith.constant 0 : i32
      %gt3A_94 = arith.cmpi sgt, %add3A_63, %gt3A_93 : i32
      %lt3A_95 = arith.constant 1250 : i32
      %lt3A_96 = arith.cmpi slt, %add3A_92, %lt3A_95 : i32
      %and3A_97 = arith.andi %gt3A_94, %lt3A_96 : i1
      %convert_element_type3A_98 = arith.extui %and3A_97 : i1 to i32
      %cond3A_99 = arith.constant 0 : i32
      %cond3A_100 = arith.cmpi ne, %convert_element_type3A_98, %cond3A_99 : i32
      scf.if %cond3A_100 {
        %dma_wait3A = arith.constant 0 : i32
        %dma_wait3A_113 = arith.constant 0 : i32
        %dma_wait3A_114 = tpu.memref_slice %arg11[%dma_wait3A, %dma_wait3A_113] : memref<5248x128xf32, #tpu.memory_space<vmem_shared>> -> memref<5248x128xf32, #tpu.memory_space<vmem_shared>>
        tpu.wait_indirect_dma semaphore(%arg13 : memref<!tpu.dma_semaphore, #tpu.memory_space<semaphore_mem>>) src(%arg6 : memref<128x128xf32, #tpu.memory_space<vmem>>) dst(%dma_wait3A_114 : memref<5248x128xf32, #tpu.memory_space<vmem_shared>>)
      } else {
      }
      %mul3A_101 = arith.constant 2 : i32
      %mul3A_102 = arith.muli %mul3A_101, %add3A_63 : i32
      %add3A_103 = arith.constant 1 : i32
      %add3A_104 = arith.addi %mul3A_102, %add3A_103 : i32
      %mul3A_105 = arith.constant 16 : i32
      %mul3A_106 = arith.muli %add3A_104, %mul3A_105 : i32
      %add3A_107 = arith.addi %arg1, %mul3A_106 : i32
      %lt3A_108 = arith.constant 1250 : i32
      %lt3A_109 = arith.cmpi slt, %add3A_107, %lt3A_108 : i32
      %convert_element_type3A_110 = arith.extui %lt3A_109 : i1 to i32
      %cond3A_111 = arith.constant 0 : i32
      %cond3A_112 = arith.cmpi ne, %convert_element_type3A_110, %cond3A_111 : i32
      scf.if %cond3A_112 {
        %mul3A_113 = arith.constant 1250 : i32
        %mul3A_114 = arith.muli %arg0, %mul3A_113 : i32
        %add3A_115 = arith.addi %mul3A_114, %add3A_107 : i32
        %mul3A_116 = arith.constant 128 : i32
        %mul3A_117 = arith.muli %add3A_115, %mul3A_116 : i32
        "tpu.region"() ({
          %run_scoped3A = tpu.sem_alloc : memref<!tpu.dma_semaphore, #tpu.memory_space<semaphore_mem>>
          %dma_start3A_287 = tpu.memref_slice %arg2[%mul3A_117] : memref<320000xi32, #tpu.memory_space<hbm>> -> memref<128xi32, #tpu.memory_space<hbm>>
          %dma_start3A_288 = tpu.memref_slice %arg2[%mul3A_117] : memref<320000xi32, #tpu.memory_space<hbm>> -> memref<128xi32, #tpu.memory_space<hbm>>
          tpu.enqueue_dma source(%dma_start3A_288 : memref<128xi32, #tpu.memory_space<hbm>>) target(%arg8 : memref<128xi32, #tpu.memory_space<vmem>>) target_semaphore(%run_scoped3A : memref<!tpu.dma_semaphore, #tpu.memory_space<semaphore_mem>>)
          %dma_wait3A = tpu.memref_slice %arg2[%mul3A_117] : memref<320000xi32, #tpu.memory_space<hbm>> -> memref<128xi32, #tpu.memory_space<hbm>>
          %dma_wait3A_289 = tpu.memref_slice %arg2[%mul3A_117] : memref<320000xi32, #tpu.memory_space<hbm>> -> memref<128xi32, #tpu.memory_space<hbm>>
          tpu.wait_dma2 semaphore(%run_scoped3A : memref<!tpu.dma_semaphore, #tpu.memory_space<semaphore_mem>>) src(%dma_wait3A_289 : memref<128xi32, #tpu.memory_space<hbm>>) dst(%arg8 : memref<128xi32, #tpu.memory_space<vmem>>)
          tpu.yield
        }) : () -> ()
        %iota3A = tpu.iota {dimensions = array<i32: 0>} : vector<16xi32>
        %add3A_118 = arith.constant 5120 : i32
        %add3A_119 = vector.broadcast %add3A_118 : i32 to vector<16xi32>
        %add3A_120 = arith.addi %add3A_119, %iota3A : vector<16xi32>
        %get3A = arith.constant 0 : index
        %get3A_121 = tpu.vector_load %arg8[%get3A] {strides = array<i32>} : memref<128xi32, #tpu.memory_space<vmem>>, vector<16xi32>,
        %get3A_122 = vector.shape_cast %get3A_121 : vector<16xi32> to vector<16xi32>
        %and3A_123 = arith.constant 16383 : i32
        %and3A_124 = vector.broadcast %and3A_123 : i32 to vector<16xi32>
        %and3A_125 = arith.andi %get3A_122, %and3A_124 : vector<16xi32>
        %sub3A_126 = arith.constant 5120 : i32
        %sub3A_127 = vector.broadcast %sub3A_126 : i32 to vector<16xi32>
        %sub3A_128 = arith.subi %and3A_125, %sub3A_127 : vector<16xi32>
        %ge3A = arith.constant 0 : i32
        %ge3A_129 = vector.broadcast %ge3A : i32 to vector<16xi32>
        %ge3A_130 = arith.cmpi sge, %sub3A_128, %ge3A_129 : vector<16xi32>
        %lt3A_131 = arith.constant 5120 : i32
        %lt3A_132 = vector.broadcast %lt3A_131 : i32 to vector<16xi32>
        %lt3A_133 = arith.cmpi slt, %sub3A_128, %lt3A_132 : vector<16xi32>
        %and3A_134 = arith.andi %ge3A_130, %lt3A_133 : vector<16xi1>
        %select_n3A = arith.select %and3A_134, %sub3A_128, %add3A_120 : vector<16xi1>, vector<16xi32>
        %swap3A = arith.constant 0 : index
        %swap3A_135 = tpu.vector_load %arg10[%swap3A] {strides = array<i32>} : memref<128xi32, #tpu.memory_space<vmem>>, vector<16xi32>,
        %swap3A_136 = vector.shape_cast %swap3A_135 : vector<16xi32> to vector<16xi32>
        %swap3A_137 = vector.shape_cast %select_n3A : vector<16xi32> to vector<16xi32>
        tpu.vector_store %arg10[%swap3A], %swap3A_137 {strides = array<i32>} : memref<128xi32, #tpu.memory_space<vmem>>, vector<16xi32>,
        %get3A_138 = arith.constant 16 : index
        %get3A_139 = tpu.vector_load %arg8[%get3A_138] {strides = array<i32>} : memref<128xi32, #tpu.memory_space<vmem>>, vector<16xi32>,
        %get3A_140 = vector.shape_cast %get3A_139 : vector<16xi32> to vector<16xi32>
        %and3A_141 = arith.constant 16383 : i32
        %and3A_142 = vector.broadcast %and3A_141 : i32 to vector<16xi32>
        %and3A_143 = arith.andi %get3A_140, %and3A_142 : vector<16xi32>
        %sub3A_144 = arith.constant 5120 : i32
        %sub3A_145 = vector.broadcast %sub3A_144 : i32 to vector<16xi32>
        %sub3A_146 = arith.subi %and3A_143, %sub3A_145 : vector<16xi32>
        %ge3A_147 = arith.constant 0 : i32
        %ge3A_148 = vector.broadcast %ge3A_147 : i32 to vector<16xi32>
        %ge3A_149 = arith.cmpi sge, %sub3A_146, %ge3A_148 : vector<16xi32>
        %lt3A_150 = arith.constant 5120 : i32
        %lt3A_151 = vector.broadcast %lt3A_150 : i32 to vector<16xi32>
        %lt3A_152 = arith.cmpi slt, %sub3A_146, %lt3A_151 : vector<16xi32>
        %and3A_153 = arith.andi %ge3A_149, %lt3A_152 : vector<16xi1>
        %select_n3A_154 = arith.select %and3A_153, %sub3A_146, %add3A_120 : vector<16xi1>, vector<16xi32>
        %swap3A_155 = arith.constant 16 : index
        %swap3A_156 = tpu.vector_load %arg10[%swap3A_155] {strides = array<i32>} : memref<128xi32, #tpu.memory_space<vmem>>, vector<16xi32>,
        %swap3A_157 = vector.shape_cast %swap3A_156 : vector<16xi32> to vector<16xi32>
        %swap3A_158 = vector.shape_cast %select_n3A_154 : vector<16xi32> to vector<16xi32>
        tpu.vector_store %arg10[%swap3A_155], %swap3A_158 {strides = array<i32>} : memref<128xi32, #tpu.memory_space<vmem>>, vector<16xi32>,
        %get3A_159 = arith.constant 32 : index
        %get3A_160 = tpu.vector_load %arg8[%get3A_159] {strides = array<i32>} : memref<128xi32, #tpu.memory_space<vmem>>, vector<16xi32>,
        %get3A_161 = vector.shape_cast %get3A_160 : vector<16xi32> to vector<16xi32>
        %and3A_162 = arith.constant 16383 : i32
        %and3A_163 = vector.broadcast %and3A_162 : i32 to vector<16xi32>
        %and3A_164 = arith.andi %get3A_161, %and3A_163 : vector<16xi32>
        %sub3A_165 = arith.constant 5120 : i32
        %sub3A_166 = vector.broadcast %sub3A_165 : i32 to vector<16xi32>
        %sub3A_167 = arith.subi %and3A_164, %sub3A_166 : vector<16xi32>
        %ge3A_168 = arith.constant 0 : i32
        %ge3A_169 = vector.broadcast %ge3A_168 : i32 to vector<16xi32>
        %ge3A_170 = arith.cmpi sge, %sub3A_167, %ge3A_169 : vector<16xi32>
        %lt3A_171 = arith.constant 5120 : i32
        %lt3A_172 = vector.broadcast %lt3A_171 : i32 to vector<16xi32>
        %lt3A_173 = arith.cmpi slt, %sub3A_167, %lt3A_172 : vector<16xi32>
        %and3A_174 = arith.andi %ge3A_170, %lt3A_173 : vector<16xi1>
        %select_n3A_175 = arith.select %and3A_174, %sub3A_167, %add3A_120 : vector<16xi1>, vector<16xi32>
        %swap3A_176 = arith.constant 32 : index
        %swap3A_177 = tpu.vector_load %arg10[%swap3A_176] {strides = array<i32>} : memref<128xi32, #tpu.memory_space<vmem>>, vector<16xi32>,
        %swap3A_178 = vector.shape_cast %swap3A_177 : vector<16xi32> to vector<16xi32>
        %swap3A_179 = vector.shape_cast %select_n3A_175 : vector<16xi32> to vector<16xi32>
        tpu.vector_store %arg10[%swap3A_176], %swap3A_179 {strides = array<i32>} : memref<128xi32, #tpu.memory_space<vmem>>, vector<16xi32>,
        %get3A_180 = arith.constant 48 : index
        %get3A_181 = tpu.vector_load %arg8[%get3A_180] {strides = array<i32>} : memref<128xi32, #tpu.memory_space<vmem>>, vector<16xi32>,
        %get3A_182 = vector.shape_cast %get3A_181 : vector<16xi32> to vector<16xi32>
        %and3A_183 = arith.constant 16383 : i32
        %and3A_184 = vector.broadcast %and3A_183 : i32 to vector<16xi32>
        %and3A_185 = arith.andi %get3A_182, %and3A_184 : vector<16xi32>
        %sub3A_186 = arith.constant 5120 : i32
        %sub3A_187 = vector.broadcast %sub3A_186 : i32 to vector<16xi32>
        %sub3A_188 = arith.subi %and3A_185, %sub3A_187 : vector<16xi32>
        %ge3A_189 = arith.constant 0 : i32
        %ge3A_190 = vector.broadcast %ge3A_189 : i32 to vector<16xi32>
        %ge3A_191 = arith.cmpi sge, %sub3A_188, %ge3A_190 : vector<16xi32>
        %lt3A_192 = arith.constant 5120 : i32
        %lt3A_193 = vector.broadcast %lt3A_192 : i32 to vector<16xi32>
        %lt3A_194 = arith.cmpi slt, %sub3A_188, %lt3A_193 : vector<16xi32>
        %and3A_195 = arith.andi %ge3A_191, %lt3A_194 : vector<16xi1>
        %select_n3A_196 = arith.select %and3A_195, %sub3A_188, %add3A_120 : vector<16xi1>, vector<16xi32>
        %swap3A_197 = arith.constant 48 : index
        %swap3A_198 = tpu.vector_load %arg10[%swap3A_197] {strides = array<i32>} : memref<128xi32, #tpu.memory_space<vmem>>, vector<16xi32>,
        %swap3A_199 = vector.shape_cast %swap3A_198 : vector<16xi32> to vector<16xi32>
        %swap3A_200 = vector.shape_cast %select_n3A_196 : vector<16xi32> to vector<16xi32>
        tpu.vector_store %arg10[%swap3A_197], %swap3A_200 {strides = array<i32>} : memref<128xi32, #tpu.memory_space<vmem>>, vector<16xi32>,
        %get3A_201 = arith.constant 64 : index
        %get3A_202 = tpu.vector_load %arg8[%get3A_201] {strides = array<i32>} : memref<128xi32, #tpu.memory_space<vmem>>, vector<16xi32>,
        %get3A_203 = vector.shape_cast %get3A_202 : vector<16xi32> to vector<16xi32>
        %and3A_204 = arith.constant 16383 : i32
        %and3A_205 = vector.broadcast %and3A_204 : i32 to vector<16xi32>
        %and3A_206 = arith.andi %get3A_203, %and3A_205 : vector<16xi32>
        %sub3A_207 = arith.constant 5120 : i32
        %sub3A_208 = vector.broadcast %sub3A_207 : i32 to vector<16xi32>
        %sub3A_209 = arith.subi %and3A_206, %sub3A_208 : vector<16xi32>
        %ge3A_210 = arith.constant 0 : i32
        %ge3A_211 = vector.broadcast %ge3A_210 : i32 to vector<16xi32>
        %ge3A_212 = arith.cmpi sge, %sub3A_209, %ge3A_211 : vector<16xi32>
        %lt3A_213 = arith.constant 5120 : i32
        %lt3A_214 = vector.broadcast %lt3A_213 : i32 to vector<16xi32>
        %lt3A_215 = arith.cmpi slt, %sub3A_209, %lt3A_214 : vector<16xi32>
        %and3A_216 = arith.andi %ge3A_212, %lt3A_215 : vector<16xi1>
        %select_n3A_217 = arith.select %and3A_216, %sub3A_209, %add3A_120 : vector<16xi1>, vector<16xi32>
        %swap3A_218 = arith.constant 64 : index
        %swap3A_219 = tpu.vector_load %arg10[%swap3A_218] {strides = array<i32>} : memref<128xi32, #tpu.memory_space<vmem>>, vector<16xi32>,
        %swap3A_220 = vector.shape_cast %swap3A_219 : vector<16xi32> to vector<16xi32>
        %swap3A_221 = vector.shape_cast %select_n3A_217 : vector<16xi32> to vector<16xi32>
        tpu.vector_store %arg10[%swap3A_218], %swap3A_221 {strides = array<i32>} : memref<128xi32, #tpu.memory_space<vmem>>, vector<16xi32>,
        %get3A_222 = arith.constant 80 : index
        %get3A_223 = tpu.vector_load %arg8[%get3A_222] {strides = array<i32>} : memref<128xi32, #tpu.memory_space<vmem>>, vector<16xi32>,
        %get3A_224 = vector.shape_cast %get3A_223 : vector<16xi32> to vector<16xi32>
        %and3A_225 = arith.constant 16383 : i32
        %and3A_226 = vector.broadcast %and3A_225 : i32 to vector<16xi32>
        %and3A_227 = arith.andi %get3A_224, %and3A_226 : vector<16xi32>
        %sub3A_228 = arith.constant 5120 : i32
        %sub3A_229 = vector.broadcast %sub3A_228 : i32 to vector<16xi32>
        %sub3A_230 = arith.subi %and3A_227, %sub3A_229 : vector<16xi32>
        %ge3A_231 = arith.constant 0 : i32
        %ge3A_232 = vector.broadcast %ge3A_231 : i32 to vector<16xi32>
        %ge3A_233 = arith.cmpi sge, %sub3A_230, %ge3A_232 : vector<16xi32>
        %lt3A_234 = arith.constant 5120 : i32
        %lt3A_235 = vector.broadcast %lt3A_234 : i32 to vector<16xi32>
        %lt3A_236 = arith.cmpi slt, %sub3A_230, %lt3A_235 : vector<16xi32>
        %and3A_237 = arith.andi %ge3A_233, %lt3A_236 : vector<16xi1>
        %select_n3A_238 = arith.select %and3A_237, %sub3A_230, %add3A_120 : vector<16xi1>, vector<16xi32>
        %swap3A_239 = arith.constant 80 : index
        %swap3A_240 = tpu.vector_load %arg10[%swap3A_239] {strides = array<i32>} : memref<128xi32, #tpu.memory_space<vmem>>, vector<16xi32>,
        %swap3A_241 = vector.shape_cast %swap3A_240 : vector<16xi32> to vector<16xi32>
        %swap3A_242 = vector.shape_cast %select_n3A_238 : vector<16xi32> to vector<16xi32>
        tpu.vector_store %arg10[%swap3A_239], %swap3A_242 {strides = array<i32>} : memref<128xi32, #tpu.memory_space<vmem>>, vector<16xi32>,
        %get3A_243 = arith.constant 96 : index
        %get3A_244 = tpu.vector_load %arg8[%get3A_243] {strides = array<i32>} : memref<128xi32, #tpu.memory_space<vmem>>, vector<16xi32>,
        %get3A_245 = vector.shape_cast %get3A_244 : vector<16xi32> to vector<16xi32>
        %and3A_246 = arith.constant 16383 : i32
        %and3A_247 = vector.broadcast %and3A_246 : i32 to vector<16xi32>
        %and3A_248 = arith.andi %get3A_245, %and3A_247 : vector<16xi32>
        %sub3A_249 = arith.constant 5120 : i32
        %sub3A_250 = vector.broadcast %sub3A_249 : i32 to vector<16xi32>
        %sub3A_251 = arith.subi %and3A_248, %sub3A_250 : vector<16xi32>
        %ge3A_252 = arith.constant 0 : i32
        %ge3A_253 = vector.broadcast %ge3A_252 : i32 to vector<16xi32>
        %ge3A_254 = arith.cmpi sge, %sub3A_251, %ge3A_253 : vector<16xi32>
        %lt3A_255 = arith.constant 5120 : i32
        %lt3A_256 = vector.broadcast %lt3A_255 : i32 to vector<16xi32>
        %lt3A_257 = arith.cmpi slt, %sub3A_251, %lt3A_256 : vector<16xi32>
        %and3A_258 = arith.andi %ge3A_254, %lt3A_257 : vector<16xi1>
        %select_n3A_259 = arith.select %and3A_258, %sub3A_251, %add3A_120 : vector<16xi1>, vector<16xi32>
        %swap3A_260 = arith.constant 96 : index
        %swap3A_261 = tpu.vector_load %arg10[%swap3A_260] {strides = array<i32>} : memref<128xi32, #tpu.memory_space<vmem>>, vector<16xi32>,
        %swap3A_262 = vector.shape_cast %swap3A_261 : vector<16xi32> to vector<16xi32>
        %swap3A_263 = vector.shape_cast %select_n3A_259 : vector<16xi32> to vector<16xi32>
        tpu.vector_store %arg10[%swap3A_260], %swap3A_263 {strides = array<i32>} : memref<128xi32, #tpu.memory_space<vmem>>, vector<16xi32>,
        %get3A_264 = arith.constant 112 : index
        %get3A_265 = tpu.vector_load %arg8[%get3A_264] {strides = array<i32>} : memref<128xi32, #tpu.memory_space<vmem>>, vector<16xi32>,
        %get3A_266 = vector.shape_cast %get3A_265 : vector<16xi32> to vector<16xi32>
        %and3A_267 = arith.constant 16383 : i32
        %and3A_268 = vector.broadcast %and3A_267 : i32 to vector<16xi32>
        %and3A_269 = arith.andi %get3A_266, %and3A_268 : vector<16xi32>
        %sub3A_270 = arith.constant 5120 : i32
        %sub3A_271 = vector.broadcast %sub3A_270 : i32 to vector<16xi32>
        %sub3A_272 = arith.subi %and3A_269, %sub3A_271 : vector<16xi32>
        %ge3A_273 = arith.constant 0 : i32
        %ge3A_274 = vector.broadcast %ge3A_273 : i32 to vector<16xi32>
        %ge3A_275 = arith.cmpi sge, %sub3A_272, %ge3A_274 : vector<16xi32>
        %lt3A_276 = arith.constant 5120 : i32
        %lt3A_277 = vector.broadcast %lt3A_276 : i32 to vector<16xi32>
        %lt3A_278 = arith.cmpi slt, %sub3A_272, %lt3A_277 : vector<16xi32>
        %and3A_279 = arith.andi %ge3A_275, %lt3A_278 : vector<16xi1>
        %select_n3A_280 = arith.select %and3A_279, %sub3A_272, %add3A_120 : vector<16xi1>, vector<16xi32>
        %swap3A_281 = arith.constant 112 : index
        %swap3A_282 = tpu.vector_load %arg10[%swap3A_281] {strides = array<i32>} : memref<128xi32, #tpu.memory_space<vmem>>, vector<16xi32>,
        %swap3A_283 = vector.shape_cast %swap3A_282 : vector<16xi32> to vector<16xi32>
        %swap3A_284 = vector.shape_cast %select_n3A_280 : vector<16xi32> to vector<16xi32>
        tpu.vector_store %arg10[%swap3A_281], %swap3A_284 {strides = array<i32>} : memref<128xi32, #tpu.memory_space<vmem>>, vector<16xi32>,
        %dma_start3A = arith.constant 0 : i32
        %dma_start3A_285 = arith.constant 0 : i32
        %dma_start3A_286 = tpu.memref_slice %arg11[%dma_start3A, %dma_start3A_285] : memref<5248x128xf32, #tpu.memory_space<vmem_shared>> -> memref<5248x128xf32, #tpu.memory_space<vmem_shared>>
        tpu.enqueue_indirect_dma source(%arg6 : memref<128x128xf32, #tpu.memory_space<vmem>>) target(%dma_start3A_286 : memref<5248x128xf32, #tpu.memory_space<vmem_shared>>) offsets(%arg10 : memref<128xi32, #tpu.memory_space<vmem>>) semaphore(%arg13 : memref<!tpu.dma_semaphore, #tpu.memory_space<semaphore_mem>>) {add = true}
      } else {
      }
    }
    %scan3A_33 = arith.constant 40 : i32
    %add3A_34 = arith.constant 1248 : i32
    %add3A_35 = arith.addi %arg1, %add3A_34 : i32
    %add3A_36 = arith.constant 1264 : i32
    %add3A_37 = arith.addi %arg1, %add3A_36 : i32
    %lt3A_38 = arith.constant 1250 : i32
    %lt3A_39 = arith.cmpi slt, %add3A_35, %lt3A_38 : i32
    %convert_element_type3A_40 = arith.extui %lt3A_39 : i1 to i32
    %cond3A_41 = arith.constant 0 : i32
    %cond3A_42 = arith.cmpi ne, %convert_element_type3A_40, %cond3A_41 : i32
    scf.if %cond3A_42 {
      %dma_wait3A = arith.constant 0 : i32
      %dma_wait3A_59 = arith.constant 0 : i32
      %dma_wait3A_60 = tpu.memref_slice %arg11[%dma_wait3A, %dma_wait3A_59] : memref<5248x128xf32, #tpu.memory_space<vmem_shared>> -> memref<5248x128xf32, #tpu.memory_space<vmem_shared>>
      tpu.wait_indirect_dma semaphore(%arg12 : memref<!tpu.dma_semaphore, #tpu.memory_space<semaphore_mem>>) src(%arg6 : memref<128x128xf32, #tpu.memory_space<vmem>>) dst(%dma_wait3A_60 : memref<5248x128xf32, #tpu.memory_space<vmem_shared>>)
    } else {
    }
    %lt3A_43 = arith.constant 1250 : i32
    %lt3A_44 = arith.cmpi slt, %add3A_37, %lt3A_43 : i32
    %convert_element_type3A_45 = arith.extui %lt3A_44 : i1 to i32
    %cond3A_46 = arith.constant 0 : i32
    %cond3A_47 = arith.cmpi ne, %convert_element_type3A_45, %cond3A_46 : i32
    scf.if %cond3A_47 {
      %dma_wait3A = arith.constant 0 : i32
      %dma_wait3A_59 = arith.constant 0 : i32
      %dma_wait3A_60 = tpu.memref_slice %arg11[%dma_wait3A, %dma_wait3A_59] : memref<5248x128xf32, #tpu.memory_space<vmem_shared>> -> memref<5248x128xf32, #tpu.memory_space<vmem_shared>>
      tpu.wait_indirect_dma semaphore(%arg13 : memref<!tpu.dma_semaphore, #tpu.memory_space<semaphore_mem>>) src(%arg6 : memref<128x128xf32, #tpu.memory_space<vmem>>) dst(%dma_wait3A_60 : memref<5248x128xf32, #tpu.memory_space<vmem_shared>>)
    } else {
    }
    %barrier3A_48 = arith.constant 0 : index
    tpu.barrier barrier_id(%barrier3A_48)
    %mul3A_49 = arith.constant 320 : i32
    %mul3A_50 = arith.muli %arg1, %mul3A_49 : i32
    %mul3A_51 = arith.constant 2 : i32
    %mul3A_52 = arith.muli %arg0, %mul3A_51 : i32
    %add3A_53 = arith.constant 1 : i32
    %add3A_54 = arith.addi %mul3A_52, %add3A_53 : i32
    %mul3A_55 = arith.constant 16 : i32
    %mul3A_56 = arith.muli %add3A_54, %mul3A_55 : i32
    %add3A_57 = arith.addi %mul3A_56, %arg1 : i32
    "tpu.region"() ({
      %run_scoped3A = tpu.sem_alloc : memref<!tpu.dma_semaphore, #tpu.memory_space<semaphore_mem>>
      %dma_start3A = arith.constant 0 : i32
      %dma_start3A_59 = arith.constant 0 : i32
      %dma_start3A_60 = tpu.memref_slice %arg5[%add3A_57, %dma_start3A, %dma_start3A_59] : memref<64x320x128xf32, #tpu.memory_space<hbm>> -> memref<1x320x128xf32, #tpu.memory_space<hbm>>
      %dma_start3A_61 = tpu.memref_squeeze %dma_start3A_60 : memref<1x320x128xf32, #tpu.memory_space<hbm>> -> memref<320x128xf32, #tpu.memory_space<hbm>>
      %dma_start3A_62 = arith.constant 0 : i32
      %dma_start3A_63 = tpu.memref_slice %arg11[%mul3A_50, %dma_start3A_62] : memref<5248x128xf32, #tpu.memory_space<vmem_shared>> -> memref<320x128xf32, #tpu.memory_space<vmem_shared>>
      tpu.enqueue_dma source(%dma_start3A_63 : memref<320x128xf32, #tpu.memory_space<vmem_shared>>) target(%dma_start3A_61 : memref<320x128xf32, #tpu.memory_space<hbm>>) target_semaphore(%run_scoped3A : memref<!tpu.dma_semaphore, #tpu.memory_space<semaphore_mem>>)
      %dma_wait3A = arith.constant 0 : i32
      %dma_wait3A_64 = arith.constant 0 : i32
      %dma_wait3A_65 = tpu.memref_slice %arg5[%add3A_57, %dma_wait3A, %dma_wait3A_64] : memref<64x320x128xf32, #tpu.memory_space<hbm>> -> memref<1x320x128xf32, #tpu.memory_space<hbm>>
      %dma_wait3A_66 = tpu.memref_squeeze %dma_wait3A_65 : memref<1x320x128xf32, #tpu.memory_space<hbm>> -> memref<320x128xf32, #tpu.memory_space<hbm>>
      %dma_wait3A_67 = arith.constant 0 : i32
      %dma_wait3A_68 = tpu.memref_slice %arg11[%mul3A_50, %dma_wait3A_67] : memref<5248x128xf32, #tpu.memory_space<vmem_shared>> -> memref<320x128xf32, #tpu.memory_space<vmem_shared>>
      tpu.wait_dma2 semaphore(%run_scoped3A : memref<!tpu.dma_semaphore, #tpu.memory_space<semaphore_mem>>) src(%dma_wait3A_68 : memref<320x128xf32, #tpu.memory_space<vmem_shared>>) dst(%dma_wait3A_66 : memref<320x128xf32, #tpu.memory_space<hbm>>)
      tpu.yield
    }) : () -> ()
    %barrier3A_58 = arith.constant 0 : index
    tpu.barrier barrier_id(%barrier3A_58)
    return
  }
}

#map = affine_map<(d0, d1) -> (0)>
#map1 = affine_map<(d0, d1) -> (0, 0)>
#map2 = affine_map<(d0, d1) -> (0, 0, 0)>
module attributes {stable_mosaic.version = 14 : i64} {
  func.func @_seg_body(%arg0: i32, %arg1: i32, %arg2: memref<320000xi32, #tpu.memory_space<hbm>>, %arg3: memref<313x128xf32, #tpu.memory_space<hbm>>, %arg4: memref<40000x128xf32, #tpu.memory_space<hbm>>, %arg5: memref<32x313x128xf32, #tpu.memory_space<hbm>>, %arg6: memref<128xi32, #tpu.memory_space<vmem>>, %arg7: memref<128xi32, #tpu.memory_space<vmem>>, %arg8: memref<128xi32, #tpu.memory_space<vmem>>, %arg9: memref<128xi32, #tpu.memory_space<vmem>>, %arg10: memref<128xi32, #tpu.memory_space<vmem>>, %arg11: memref<128xi32, #tpu.memory_space<vmem>>, %arg12: memref<128xi32, #tpu.memory_space<vmem>>, %arg13: memref<128xi32, #tpu.memory_space<vmem>>, %arg14: memref<128xi32, #tpu.memory_space<vmem>>, %arg15: memref<128xi32, #tpu.memory_space<vmem>>, %arg16: memref<128xi32, #tpu.memory_space<vmem>>, %arg17: memref<128xi32, #tpu.memory_space<vmem>>, %arg18: memref<128x128xf32, #tpu.memory_space<vmem>>, %arg19: memref<128x128xf32, #tpu.memory_space<vmem>>, %arg20: memref<128x128xf32, #tpu.memory_space<vmem>>, %arg21: memref<128x128xf32, #tpu.memory_space<vmem>>, %arg22: memref<5008x128xf32, #tpu.memory_space<vmem_shared>>, %arg23: memref<!tpu.dma_semaphore, #tpu.memory_space<semaphore_mem>>, %arg24: memref<!tpu.dma_semaphore, #tpu.memory_space<semaphore_mem>>, %arg25: memref<!tpu.dma_semaphore, #tpu.memory_space<semaphore_mem>>, %arg26: memref<!tpu.dma_semaphore, #tpu.memory_space<semaphore_mem>>, %arg27: memref<!tpu.dma_semaphore, #tpu.memory_space<semaphore_mem>>, %arg28: memref<!tpu.dma_semaphore, #tpu.memory_space<semaphore_mem>>, %arg29: memref<!tpu.dma_semaphore, #tpu.memory_space<semaphore_mem>>, %arg30: memref<!tpu.dma_semaphore, #tpu.memory_space<semaphore_mem>>) attributes {dimension_semantics = [#tpu.dimension_semantics<core_parallel>, #tpu.dimension_semantics<subcore_parallel>], iteration_bounds = array<i64: 2, 16>, scalar_prefetch = 0 : i64, scratch_operands = 25 : i64, tpu.core_type = #tpu.core_type<sc_vector_subcore>, window_params = [{transform_indices = #map}, {transform_indices = #map1}, {transform_indices = #map1}, {transform_indices = #map2}]} {
    %mul3A = arith.constant 313 : i32
    %mul3A_0 = arith.muli %arg1, %mul3A : i32
    "tpu.region"() ({
      %run_scoped3A = tpu.sem_alloc : memref<!tpu.dma_semaphore, #tpu.memory_space<semaphore_mem>>
      %dma_start3A = arith.constant 0 : i32
      %dma_start3A_35 = tpu.memref_slice %arg22[%mul3A_0, %dma_start3A] : memref<5008x128xf32, #tpu.memory_space<vmem_shared>> -> memref<313x128xf32, #tpu.memory_space<vmem_shared>>
      tpu.enqueue_dma source(%arg3 : memref<313x128xf32, #tpu.memory_space<hbm>>) target(%dma_start3A_35 : memref<313x128xf32, #tpu.memory_space<vmem_shared>>) target_semaphore(%run_scoped3A : memref<!tpu.dma_semaphore, #tpu.memory_space<semaphore_mem>>)
      %dma_wait3A = arith.constant 0 : i32
      %dma_wait3A_36 = tpu.memref_slice %arg22[%mul3A_0, %dma_wait3A] : memref<5008x128xf32, #tpu.memory_space<vmem_shared>> -> memref<313x128xf32, #tpu.memory_space<vmem_shared>>
      tpu.wait_dma2 semaphore(%run_scoped3A : memref<!tpu.dma_semaphore, #tpu.memory_space<semaphore_mem>>) src(%arg3 : memref<313x128xf32, #tpu.memory_space<hbm>>) dst(%dma_wait3A_36 : memref<313x128xf32, #tpu.memory_space<vmem_shared>>)
      tpu.yield
    }) : () -> ()
    %barrier3A = arith.constant 0 : index
    tpu.barrier barrier_id(%barrier3A)
    %scan3A = arith.constant 0 : i32
    %scan3A_1 = arith.constant 40 : i32
    %scan3A_2 = arith.addi %scan3A, %scan3A_1 : i32
    %scan3A_3 = arith.constant 1 : i32
    scf.for %scan3A_35 = %scan3A to %scan3A_2 step %scan3A_3  : i32 {
      %mul3A_36 = arith.constant 1 : i32
      %mul3A_37 = arith.muli %scan3A_35, %mul3A_36 : i32
      %add3A_38 = arith.constant 0 : i32
      %add3A_39 = arith.addi %add3A_38, %mul3A_37 : i32
      %sub3A = arith.constant 1 : i32
      %sub3A_40 = arith.subi %add3A_39, %sub3A : i32
      %mul3A_41 = arith.constant 4 : i32
      %mul3A_42 = arith.muli %mul3A_41, %sub3A_40 : i32
      %add3A_43 = arith.constant 0 : i32
      %add3A_44 = arith.addi %mul3A_42, %add3A_43 : i32
      %mul3A_45 = arith.constant 16 : i32
      %mul3A_46 = arith.muli %add3A_44, %mul3A_45 : i32
      %add3A_47 = arith.addi %arg1, %mul3A_46 : i32
      %gt3A = arith.constant 0 : i32
      %gt3A_48 = arith.cmpi sgt, %add3A_39, %gt3A : i32
      %lt3A_49 = arith.constant 2500 : i32
      %lt3A_50 = arith.cmpi slt, %add3A_47, %lt3A_49 : i32
      %and3A = arith.andi %gt3A_48, %lt3A_50 : i1
      %convert_element_type3A_51 = arith.extui %and3A : i1 to i32
      %cond3A_52 = arith.constant 0 : i32
      %cond3A_53 = arith.cmpi ne, %convert_element_type3A_51, %cond3A_52 : i32
      scf.if %cond3A_53 {
        %dma_wait3A = arith.constant 0 : i32
        %dma_wait3A_201 = arith.constant 0 : i32
        %dma_wait3A_202 = tpu.memref_slice %arg22[%dma_wait3A, %dma_wait3A_201] : memref<5008x128xf32, #tpu.memory_space<vmem_shared>> -> memref<5008x128xf32, #tpu.memory_space<vmem_shared>>
        tpu.wait_indirect_dma semaphore(%arg27 : memref<!tpu.dma_semaphore, #tpu.memory_space<semaphore_mem>>) src(%arg18 : memref<128x128xf32, #tpu.memory_space<vmem>>) dst(%dma_wait3A_202 : memref<5008x128xf32, #tpu.memory_space<vmem_shared>>)
      } else {
      }
      %mul3A_54 = arith.constant 4 : i32
      %mul3A_55 = arith.muli %mul3A_54, %add3A_39 : i32
      %add3A_56 = arith.constant 0 : i32
      %add3A_57 = arith.addi %mul3A_55, %add3A_56 : i32
      %mul3A_58 = arith.constant 16 : i32
      %mul3A_59 = arith.muli %add3A_57, %mul3A_58 : i32
      %add3A_60 = arith.addi %arg1, %mul3A_59 : i32
      %lt3A_61 = arith.constant 2500 : i32
      %lt3A_62 = arith.cmpi slt, %add3A_60, %lt3A_61 : i32
      %convert_element_type3A_63 = arith.extui %lt3A_62 : i1 to i32
      %cond3A_64 = arith.constant 0 : i32
      %cond3A_65 = arith.cmpi ne, %convert_element_type3A_63, %cond3A_64 : i32
      scf.if %cond3A_65 {
        %mul3A_201 = arith.constant 128 : i32
        %mul3A_202 = arith.muli %add3A_60, %mul3A_201 : i32
        "tpu.region"() ({
          %run_scoped3A = tpu.sem_alloc : memref<!tpu.dma_semaphore, #tpu.memory_space<semaphore_mem>>
          %dma_start3A_450 = tpu.memref_slice %arg2[%mul3A_202] : memref<320000xi32, #tpu.memory_space<hbm>> -> memref<128xi32, #tpu.memory_space<hbm>>
          %dma_start3A_451 = tpu.memref_slice %arg2[%mul3A_202] : memref<320000xi32, #tpu.memory_space<hbm>> -> memref<128xi32, #tpu.memory_space<hbm>>
          tpu.enqueue_dma source(%dma_start3A_451 : memref<128xi32, #tpu.memory_space<hbm>>) target(%arg6 : memref<128xi32, #tpu.memory_space<vmem>>) target_semaphore(%run_scoped3A : memref<!tpu.dma_semaphore, #tpu.memory_space<semaphore_mem>>)
          %dma_wait3A = tpu.memref_slice %arg2[%mul3A_202] : memref<320000xi32, #tpu.memory_space<hbm>> -> memref<128xi32, #tpu.memory_space<hbm>>
          %dma_wait3A_452 = tpu.memref_slice %arg2[%mul3A_202] : memref<320000xi32, #tpu.memory_space<hbm>> -> memref<128xi32, #tpu.memory_space<hbm>>
          tpu.wait_dma2 semaphore(%run_scoped3A : memref<!tpu.dma_semaphore, #tpu.memory_space<semaphore_mem>>) src(%dma_wait3A_452 : memref<128xi32, #tpu.memory_space<hbm>>) dst(%arg6 : memref<128xi32, #tpu.memory_space<vmem>>)
          tpu.yield
        }) : () -> ()
        %get3A = arith.constant 0 : index
        %get3A_203 = tpu.vector_load %arg6[%get3A] {strides = array<i32>} : memref<128xi32, #tpu.memory_space<vmem>>, vector<16xi32>,
        %get3A_204 = vector.shape_cast %get3A_203 : vector<16xi32> to vector<16xi32>
        %shift_right_arithmetic3A = arith.constant 14 : i32
        %shift_right_arithmetic3A_205 = vector.broadcast %shift_right_arithmetic3A : i32 to vector<16xi32>
        %shift_right_arithmetic3A_206 = arith.shrsi %get3A_204, %shift_right_arithmetic3A_205 : vector<16xi32>
        %and3A_207 = arith.constant 16383 : i32
        %and3A_208 = vector.broadcast %and3A_207 : i32 to vector<16xi32>
        %and3A_209 = arith.andi %get3A_204, %and3A_208 : vector<16xi32>
        %mul3A_210 = arith.constant 10000 : i32
        %mul3A_211 = arith.muli %arg0, %mul3A_210 : i32
        %add3A_212 = vector.broadcast %mul3A_211 : i32 to vector<16xi32>
        %add3A_213 = arith.addi %and3A_209, %add3A_212 : vector<16xi32>
        %and3A_214 = arith.constant 1 : i32
        %and3A_215 = vector.broadcast %and3A_214 : i32 to vector<16xi32>
        %and3A_216 = arith.andi %shift_right_arithmetic3A_206, %and3A_215 : vector<16xi32>
        %mul3A_217 = arith.constant 20000 : i32
        %mul3A_218 = vector.broadcast %mul3A_217 : i32 to vector<16xi32>
        %mul3A_219 = arith.muli %and3A_216, %mul3A_218 : vector<16xi32>
        %add3A_220 = arith.addi %add3A_213, %mul3A_219 : vector<16xi32>
        %swap3A = arith.constant 0 : index
        %swap3A_221 = tpu.vector_load %arg10[%swap3A] {strides = array<i32>} : memref<128xi32, #tpu.memory_space<vmem>>, vector<16xi32>,
        %swap3A_222 = vector.shape_cast %swap3A_221 : vector<16xi32> to vector<16xi32>
        %swap3A_223 = vector.shape_cast %add3A_220 : vector<16xi32> to vector<16xi32>
        tpu.vector_store %arg10[%swap3A], %swap3A_223 {strides = array<i32>} : memref<128xi32, #tpu.memory_space<vmem>>, vector<16xi32>,
        %shift_right_arithmetic3A_224 = arith.constant 1 : i32
        %shift_right_arithmetic3A_225 = vector.broadcast %shift_right_arithmetic3A_224 : i32 to vector<16xi32>
        %shift_right_arithmetic3A_226 = arith.shrsi %shift_right_arithmetic3A_206, %shift_right_arithmetic3A_225 : vector<16xi32>
        %swap3A_227 = arith.constant 0 : index
        %swap3A_228 = tpu.vector_load %arg14[%swap3A_227] {strides = array<i32>} : memref<128xi32, #tpu.memory_space<vmem>>, vector<16xi32>,
        %swap3A_229 = vector.shape_cast %swap3A_228 : vector<16xi32> to vector<16xi32>
        %swap3A_230 = vector.shape_cast %shift_right_arithmetic3A_226 : vector<16xi32> to vector<16xi32>
        tpu.vector_store %arg14[%swap3A_227], %swap3A_230 {strides = array<i32>} : memref<128xi32, #tpu.memory_space<vmem>>, vector<16xi32>,
        %get3A_231 = arith.constant 16 : index
        %get3A_232 = tpu.vector_load %arg6[%get3A_231] {strides = array<i32>} : memref<128xi32, #tpu.memory_space<vmem>>, vector<16xi32>,
        %get3A_233 = vector.shape_cast %get3A_232 : vector<16xi32> to vector<16xi32>
        %shift_right_arithmetic3A_234 = arith.constant 14 : i32
        %shift_right_arithmetic3A_235 = vector.broadcast %shift_right_arithmetic3A_234 : i32 to vector<16xi32>
        %shift_right_arithmetic3A_236 = arith.shrsi %get3A_233, %shift_right_arithmetic3A_235 : vector<16xi32>
        %and3A_237 = arith.constant 16383 : i32
        %and3A_238 = vector.broadcast %and3A_237 : i32 to vector<16xi32>
        %and3A_239 = arith.andi %get3A_233, %and3A_238 : vector<16xi32>
        %mul3A_240 = arith.constant 10000 : i32
        %mul3A_241 = arith.muli %arg0, %mul3A_240 : i32
        %add3A_242 = vector.broadcast %mul3A_241 : i32 to vector<16xi32>
        %add3A_243 = arith.addi %and3A_239, %add3A_242 : vector<16xi32>
        %and3A_244 = arith.constant 1 : i32
        %and3A_245 = vector.broadcast %and3A_244 : i32 to vector<16xi32>
        %and3A_246 = arith.andi %shift_right_arithmetic3A_236, %and3A_245 : vector<16xi32>
        %mul3A_247 = arith.constant 20000 : i32
        %mul3A_248 = vector.broadcast %mul3A_247 : i32 to vector<16xi32>
        %mul3A_249 = arith.muli %and3A_246, %mul3A_248 : vector<16xi32>
        %add3A_250 = arith.addi %add3A_243, %mul3A_249 : vector<16xi32>
        %swap3A_251 = arith.constant 16 : index
        %swap3A_252 = tpu.vector_load %arg10[%swap3A_251] {strides = array<i32>} : memref<128xi32, #tpu.memory_space<vmem>>, vector<16xi32>,
        %swap3A_253 = vector.shape_cast %swap3A_252 : vector<16xi32> to vector<16xi32>
        %swap3A_254 = vector.shape_cast %add3A_250 : vector<16xi32> to vector<16xi32>
        tpu.vector_store %arg10[%swap3A_251], %swap3A_254 {strides = array<i32>} : memref<128xi32, #tpu.memory_space<vmem>>, vector<16xi32>,
        %shift_right_arithmetic3A_255 = arith.constant 1 : i32
        %shift_right_arithmetic3A_256 = vector.broadcast %shift_right_arithmetic3A_255 : i32 to vector<16xi32>
        %shift_right_arithmetic3A_257 = arith.shrsi %shift_right_arithmetic3A_236, %shift_right_arithmetic3A_256 : vector<16xi32>
        %swap3A_258 = arith.constant 16 : index
        %swap3A_259 = tpu.vector_load %arg14[%swap3A_258] {strides = array<i32>} : memref<128xi32, #tpu.memory_space<vmem>>, vector<16xi32>,
        %swap3A_260 = vector.shape_cast %swap3A_259 : vector<16xi32> to vector<16xi32>
        %swap3A_261 = vector.shape_cast %shift_right_arithmetic3A_257 : vector<16xi32> to vector<16xi32>
        tpu.vector_store %arg14[%swap3A_258], %swap3A_261 {strides = array<i32>} : memref<128xi32, #tpu.memory_space<vmem>>, vector<16xi32>,
        %get3A_262 = arith.constant 32 : index
        %get3A_263 = tpu.vector_load %arg6[%get3A_262] {strides = array<i32>} : memref<128xi32, #tpu.memory_space<vmem>>, vector<16xi32>,
        %get3A_264 = vector.shape_cast %get3A_263 : vector<16xi32> to vector<16xi32>
        %shift_right_arithmetic3A_265 = arith.constant 14 : i32
        %shift_right_arithmetic3A_266 = vector.broadcast %shift_right_arithmetic3A_265 : i32 to vector<16xi32>
        %shift_right_arithmetic3A_267 = arith.shrsi %get3A_264, %shift_right_arithmetic3A_266 : vector<16xi32>
        %and3A_268 = arith.constant 16383 : i32
        %and3A_269 = vector.broadcast %and3A_268 : i32 to vector<16xi32>
        %and3A_270 = arith.andi %get3A_264, %and3A_269 : vector<16xi32>
        %mul3A_271 = arith.constant 10000 : i32
        %mul3A_272 = arith.muli %arg0, %mul3A_271 : i32
        %add3A_273 = vector.broadcast %mul3A_272 : i32 to vector<16xi32>
        %add3A_274 = arith.addi %and3A_270, %add3A_273 : vector<16xi32>
        %and3A_275 = arith.constant 1 : i32
        %and3A_276 = vector.broadcast %and3A_275 : i32 to vector<16xi32>
        %and3A_277 = arith.andi %shift_right_arithmetic3A_267, %and3A_276 : vector<16xi32>
        %mul3A_278 = arith.constant 20000 : i32
        %mul3A_279 = vector.broadcast %mul3A_278 : i32 to vector<16xi32>
        %mul3A_280 = arith.muli %and3A_277, %mul3A_279 : vector<16xi32>
        %add3A_281 = arith.addi %add3A_274, %mul3A_280 : vector<16xi32>
        %swap3A_282 = arith.constant 32 : index
        %swap3A_283 = tpu.vector_load %arg10[%swap3A_282] {strides = array<i32>} : memref<128xi32, #tpu.memory_space<vmem>>, vector<16xi32>,
        %swap3A_284 = vector.shape_cast %swap3A_283 : vector<16xi32> to vector<16xi32>
        %swap3A_285 = vector.shape_cast %add3A_281 : vector<16xi32> to vector<16xi32>
        tpu.vector_store %arg10[%swap3A_282], %swap3A_285 {strides = array<i32>} : memref<128xi32, #tpu.memory_space<vmem>>, vector<16xi32>,
        %shift_right_arithmetic3A_286 = arith.constant 1 : i32
        %shift_right_arithmetic3A_287 = vector.broadcast %shift_right_arithmetic3A_286 : i32 to vector<16xi32>
        %shift_right_arithmetic3A_288 = arith.shrsi %shift_right_arithmetic3A_267, %shift_right_arithmetic3A_287 : vector<16xi32>
        %swap3A_289 = arith.constant 32 : index
        %swap3A_290 = tpu.vector_load %arg14[%swap3A_289] {strides = array<i32>} : memref<128xi32, #tpu.memory_space<vmem>>, vector<16xi32>,
        %swap3A_291 = vector.shape_cast %swap3A_290 : vector<16xi32> to vector<16xi32>
        %swap3A_292 = vector.shape_cast %shift_right_arithmetic3A_288 : vector<16xi32> to vector<16xi32>
        tpu.vector_store %arg14[%swap3A_289], %swap3A_292 {strides = array<i32>} : memref<128xi32, #tpu.memory_space<vmem>>, vector<16xi32>,
        %get3A_293 = arith.constant 48 : index
        %get3A_294 = tpu.vector_load %arg6[%get3A_293] {strides = array<i32>} : memref<128xi32, #tpu.memory_space<vmem>>, vector<16xi32>,
        %get3A_295 = vector.shape_cast %get3A_294 : vector<16xi32> to vector<16xi32>
        %shift_right_arithmetic3A_296 = arith.constant 14 : i32
        %shift_right_arithmetic3A_297 = vector.broadcast %shift_right_arithmetic3A_296 : i32 to vector<16xi32>
        %shift_right_arithmetic3A_298 = arith.shrsi %get3A_295, %shift_right_arithmetic3A_297 : vector<16xi32>
        %and3A_299 = arith.constant 16383 : i32
        %and3A_300 = vector.broadcast %and3A_299 : i32 to vector<16xi32>
        %and3A_301 = arith.andi %get3A_295, %and3A_300 : vector<16xi32>
        %mul3A_302 = arith.constant 10000 : i32
        %mul3A_303 = arith.muli %arg0, %mul3A_302 : i32
        %add3A_304 = vector.broadcast %mul3A_303 : i32 to vector<16xi32>
        %add3A_305 = arith.addi %and3A_301, %add3A_304 : vector<16xi32>
        %and3A_306 = arith.constant 1 : i32
        %and3A_307 = vector.broadcast %and3A_306 : i32 to vector<16xi32>
        %and3A_308 = arith.andi %shift_right_arithmetic3A_298, %and3A_307 : vector<16xi32>
        %mul3A_309 = arith.constant 20000 : i32
        %mul3A_310 = vector.broadcast %mul3A_309 : i32 to vector<16xi32>
        %mul3A_311 = arith.muli %and3A_308, %mul3A_310 : vector<16xi32>
        %add3A_312 = arith.addi %add3A_305, %mul3A_311 : vector<16xi32>
        %swap3A_313 = arith.constant 48 : index
        %swap3A_314 = tpu.vector_load %arg10[%swap3A_313] {strides = array<i32>} : memref<128xi32, #tpu.memory_space<vmem>>, vector<16xi32>,
        %swap3A_315 = vector.shape_cast %swap3A_314 : vector<16xi32> to vector<16xi32>
        %swap3A_316 = vector.shape_cast %add3A_312 : vector<16xi32> to vector<16xi32>
        tpu.vector_store %arg10[%swap3A_313], %swap3A_316 {strides = array<i32>} : memref<128xi32, #tpu.memory_space<vmem>>, vector<16xi32>,
        %shift_right_arithmetic3A_317 = arith.constant 1 : i32
        %shift_right_arithmetic3A_318 = vector.broadcast %shift_right_arithmetic3A_317 : i32 to vector<16xi32>
        %shift_right_arithmetic3A_319 = arith.shrsi %shift_right_arithmetic3A_298, %shift_right_arithmetic3A_318 : vector<16xi32>
        %swap3A_320 = arith.constant 48 : index
        %swap3A_321 = tpu.vector_load %arg14[%swap3A_320] {strides = array<i32>} : memref<128xi32, #tpu.memory_space<vmem>>, vector<16xi32>,
        %swap3A_322 = vector.shape_cast %swap3A_321 : vector<16xi32> to vector<16xi32>
        %swap3A_323 = vector.shape_cast %shift_right_arithmetic3A_319 : vector<16xi32> to vector<16xi32>
        tpu.vector_store %arg14[%swap3A_320], %swap3A_323 {strides = array<i32>} : memref<128xi32, #tpu.memory_space<vmem>>, vector<16xi32>,
        %get3A_324 = arith.constant 64 : index
        %get3A_325 = tpu.vector_load %arg6[%get3A_324] {strides = array<i32>} : memref<128xi32, #tpu.memory_space<vmem>>, vector<16xi32>,
        %get3A_326 = vector.shape_cast %get3A_325 : vector<16xi32> to vector<16xi32>
        %shift_right_arithmetic3A_327 = arith.constant 14 : i32
        %shift_right_arithmetic3A_328 = vector.broadcast %shift_right_arithmetic3A_327 : i32 to vector<16xi32>
        %shift_right_arithmetic3A_329 = arith.shrsi %get3A_326, %shift_right_arithmetic3A_328 : vector<16xi32>
        %and3A_330 = arith.constant 16383 : i32
        %and3A_331 = vector.broadcast %and3A_330 : i32 to vector<16xi32>
        %and3A_332 = arith.andi %get3A_326, %and3A_331 : vector<16xi32>
        %mul3A_333 = arith.constant 10000 : i32
        %mul3A_334 = arith.muli %arg0, %mul3A_333 : i32
        %add3A_335 = vector.broadcast %mul3A_334 : i32 to vector<16xi32>
        %add3A_336 = arith.addi %and3A_332, %add3A_335 : vector<16xi32>
        %and3A_337 = arith.constant 1 : i32
        %and3A_338 = vector.broadcast %and3A_337 : i32 to vector<16xi32>
        %and3A_339 = arith.andi %shift_right_arithmetic3A_329, %and3A_338 : vector<16xi32>
        %mul3A_340 = arith.constant 20000 : i32
        %mul3A_341 = vector.broadcast %mul3A_340 : i32 to vector<16xi32>
        %mul3A_342 = arith.muli %and3A_339, %mul3A_341 : vector<16xi32>
        %add3A_343 = arith.addi %add3A_336, %mul3A_342 : vector<16xi32>
        %swap3A_344 = arith.constant 64 : index
        %swap3A_345 = tpu.vector_load %arg10[%swap3A_344] {strides = array<i32>} : memref<128xi32, #tpu.memory_space<vmem>>, vector<16xi32>,
        %swap3A_346 = vector.shape_cast %swap3A_345 : vector<16xi32> to vector<16xi32>
        %swap3A_347 = vector.shape_cast %add3A_343 : vector<16xi32> to vector<16xi32>
        tpu.vector_store %arg10[%swap3A_344], %swap3A_347 {strides = array<i32>} : memref<128xi32, #tpu.memory_space<vmem>>, vector<16xi32>,
        %shift_right_arithmetic3A_348 = arith.constant 1 : i32
        %shift_right_arithmetic3A_349 = vector.broadcast %shift_right_arithmetic3A_348 : i32 to vector<16xi32>
        %shift_right_arithmetic3A_350 = arith.shrsi %shift_right_arithmetic3A_329, %shift_right_arithmetic3A_349 : vector<16xi32>
        %swap3A_351 = arith.constant 64 : index
        %swap3A_352 = tpu.vector_load %arg14[%swap3A_351] {strides = array<i32>} : memref<128xi32, #tpu.memory_space<vmem>>, vector<16xi32>,
        %swap3A_353 = vector.shape_cast %swap3A_352 : vector<16xi32> to vector<16xi32>
        %swap3A_354 = vector.shape_cast %shift_right_arithmetic3A_350 : vector<16xi32> to vector<16xi32>
        tpu.vector_store %arg14[%swap3A_351], %swap3A_354 {strides = array<i32>} : memref<128xi32, #tpu.memory_space<vmem>>, vector<16xi32>,
        %get3A_355 = arith.constant 80 : index
        %get3A_356 = tpu.vector_load %arg6[%get3A_355] {strides = array<i32>} : memref<128xi32, #tpu.memory_space<vmem>>, vector<16xi32>,
        %get3A_357 = vector.shape_cast %get3A_356 : vector<16xi32> to vector<16xi32>
        %shift_right_arithmetic3A_358 = arith.constant 14 : i32
        %shift_right_arithmetic3A_359 = vector.broadcast %shift_right_arithmetic3A_358 : i32 to vector<16xi32>
        %shift_right_arithmetic3A_360 = arith.shrsi %get3A_357, %shift_right_arithmetic3A_359 : vector<16xi32>
        %and3A_361 = arith.constant 16383 : i32
        %and3A_362 = vector.broadcast %and3A_361 : i32 to vector<16xi32>
        %and3A_363 = arith.andi %get3A_357, %and3A_362 : vector<16xi32>
        %mul3A_364 = arith.constant 10000 : i32
        %mul3A_365 = arith.muli %arg0, %mul3A_364 : i32
        %add3A_366 = vector.broadcast %mul3A_365 : i32 to vector<16xi32>
        %add3A_367 = arith.addi %and3A_363, %add3A_366 : vector<16xi32>
        %and3A_368 = arith.constant 1 : i32
        %and3A_369 = vector.broadcast %and3A_368 : i32 to vector<16xi32>
        %and3A_370 = arith.andi %shift_right_arithmetic3A_360, %and3A_369 : vector<16xi32>
        %mul3A_371 = arith.constant 20000 : i32
        %mul3A_372 = vector.broadcast %mul3A_371 : i32 to vector<16xi32>
        %mul3A_373 = arith.muli %and3A_370, %mul3A_372 : vector<16xi32>
        %add3A_374 = arith.addi %add3A_367, %mul3A_373 : vector<16xi32>
        %swap3A_375 = arith.constant 80 : index
        %swap3A_376 = tpu.vector_load %arg10[%swap3A_375] {strides = array<i32>} : memref<128xi32, #tpu.memory_space<vmem>>, vector<16xi32>,
        %swap3A_377 = vector.shape_cast %swap3A_376 : vector<16xi32> to vector<16xi32>
        %swap3A_378 = vector.shape_cast %add3A_374 : vector<16xi32> to vector<16xi32>
        tpu.vector_store %arg10[%swap3A_375], %swap3A_378 {strides = array<i32>} : memref<128xi32, #tpu.memory_space<vmem>>, vector<16xi32>,
        %shift_right_arithmetic3A_379 = arith.constant 1 : i32
        %shift_right_arithmetic3A_380 = vector.broadcast %shift_right_arithmetic3A_379 : i32 to vector<16xi32>
        %shift_right_arithmetic3A_381 = arith.shrsi %shift_right_arithmetic3A_360, %shift_right_arithmetic3A_380 : vector<16xi32>
        %swap3A_382 = arith.constant 80 : index
        %swap3A_383 = tpu.vector_load %arg14[%swap3A_382] {strides = array<i32>} : memref<128xi32, #tpu.memory_space<vmem>>, vector<16xi32>,
        %swap3A_384 = vector.shape_cast %swap3A_383 : vector<16xi32> to vector<16xi32>
        %swap3A_385 = vector.shape_cast %shift_right_arithmetic3A_381 : vector<16xi32> to vector<16xi32>
        tpu.vector_store %arg14[%swap3A_382], %swap3A_385 {strides = array<i32>} : memref<128xi32, #tpu.memory_space<vmem>>, vector<16xi32>,
        %get3A_386 = arith.constant 96 : index
        %get3A_387 = tpu.vector_load %arg6[%get3A_386] {strides = array<i32>} : memref<128xi32, #tpu.memory_space<vmem>>, vector<16xi32>,
        %get3A_388 = vector.shape_cast %get3A_387 : vector<16xi32> to vector<16xi32>
        %shift_right_arithmetic3A_389 = arith.constant 14 : i32
        %shift_right_arithmetic3A_390 = vector.broadcast %shift_right_arithmetic3A_389 : i32 to vector<16xi32>
        %shift_right_arithmetic3A_391 = arith.shrsi %get3A_388, %shift_right_arithmetic3A_390 : vector<16xi32>
        %and3A_392 = arith.constant 16383 : i32
        %and3A_393 = vector.broadcast %and3A_392 : i32 to vector<16xi32>
        %and3A_394 = arith.andi %get3A_388, %and3A_393 : vector<16xi32>
        %mul3A_395 = arith.constant 10000 : i32
        %mul3A_396 = arith.muli %arg0, %mul3A_395 : i32
        %add3A_397 = vector.broadcast %mul3A_396 : i32 to vector<16xi32>
        %add3A_398 = arith.addi %and3A_394, %add3A_397 : vector<16xi32>
        %and3A_399 = arith.constant 1 : i32
        %and3A_400 = vector.broadcast %and3A_399 : i32 to vector<16xi32>
        %and3A_401 = arith.andi %shift_right_arithmetic3A_391, %and3A_400 : vector<16xi32>
        %mul3A_402 = arith.constant 20000 : i32
        %mul3A_403 = vector.broadcast %mul3A_402 : i32 to vector<16xi32>
        %mul3A_404 = arith.muli %and3A_401, %mul3A_403 : vector<16xi32>
        %add3A_405 = arith.addi %add3A_398, %mul3A_404 : vector<16xi32>
        %swap3A_406 = arith.constant 96 : index
        %swap3A_407 = tpu.vector_load %arg10[%swap3A_406] {strides = array<i32>} : memref<128xi32, #tpu.memory_space<vmem>>, vector<16xi32>,
        %swap3A_408 = vector.shape_cast %swap3A_407 : vector<16xi32> to vector<16xi32>
        %swap3A_409 = vector.shape_cast %add3A_405 : vector<16xi32> to vector<16xi32>
        tpu.vector_store %arg10[%swap3A_406], %swap3A_409 {strides = array<i32>} : memref<128xi32, #tpu.memory_space<vmem>>, vector<16xi32>,
        %shift_right_arithmetic3A_410 = arith.constant 1 : i32
        %shift_right_arithmetic3A_411 = vector.broadcast %shift_right_arithmetic3A_410 : i32 to vector<16xi32>
        %shift_right_arithmetic3A_412 = arith.shrsi %shift_right_arithmetic3A_391, %shift_right_arithmetic3A_411 : vector<16xi32>
        %swap3A_413 = arith.constant 96 : index
        %swap3A_414 = tpu.vector_load %arg14[%swap3A_413] {strides = array<i32>} : memref<128xi32, #tpu.memory_space<vmem>>, vector<16xi32>,
        %swap3A_415 = vector.shape_cast %swap3A_414 : vector<16xi32> to vector<16xi32>
        %swap3A_416 = vector.shape_cast %shift_right_arithmetic3A_412 : vector<16xi32> to vector<16xi32>
        tpu.vector_store %arg14[%swap3A_413], %swap3A_416 {strides = array<i32>} : memref<128xi32, #tpu.memory_space<vmem>>, vector<16xi32>,
        %get3A_417 = arith.constant 112 : index
        %get3A_418 = tpu.vector_load %arg6[%get3A_417] {strides = array<i32>} : memref<128xi32, #tpu.memory_space<vmem>>, vector<16xi32>,
        %get3A_419 = vector.shape_cast %get3A_418 : vector<16xi32> to vector<16xi32>
        %shift_right_arithmetic3A_420 = arith.constant 14 : i32
        %shift_right_arithmetic3A_421 = vector.broadcast %shift_right_arithmetic3A_420 : i32 to vector<16xi32>
        %shift_right_arithmetic3A_422 = arith.shrsi %get3A_419, %shift_right_arithmetic3A_421 : vector<16xi32>
        %and3A_423 = arith.constant 16383 : i32
        %and3A_424 = vector.broadcast %and3A_423 : i32 to vector<16xi32>
        %and3A_425 = arith.andi %get3A_419, %and3A_424 : vector<16xi32>
        %mul3A_426 = arith.constant 10000 : i32
        %mul3A_427 = arith.muli %arg0, %mul3A_426 : i32
        %add3A_428 = vector.broadcast %mul3A_427 : i32 to vector<16xi32>
        %add3A_429 = arith.addi %and3A_425, %add3A_428 : vector<16xi32>
        %and3A_430 = arith.constant 1 : i32
        %and3A_431 = vector.broadcast %and3A_430 : i32 to vector<16xi32>
        %and3A_432 = arith.andi %shift_right_arithmetic3A_422, %and3A_431 : vector<16xi32>
        %mul3A_433 = arith.constant 20000 : i32
        %mul3A_434 = vector.broadcast %mul3A_433 : i32 to vector<16xi32>
        %mul3A_435 = arith.muli %and3A_432, %mul3A_434 : vector<16xi32>
        %add3A_436 = arith.addi %add3A_429, %mul3A_435 : vector<16xi32>
        %swap3A_437 = arith.constant 112 : index
        %swap3A_438 = tpu.vector_load %arg10[%swap3A_437] {strides = array<i32>} : memref<128xi32, #tpu.memory_space<vmem>>, vector<16xi32>,
        %swap3A_439 = vector.shape_cast %swap3A_438 : vector<16xi32> to vector<16xi32>
        %swap3A_440 = vector.shape_cast %add3A_436 : vector<16xi32> to vector<16xi32>
        tpu.vector_store %arg10[%swap3A_437], %swap3A_440 {strides = array<i32>} : memref<128xi32, #tpu.memory_space<vmem>>, vector<16xi32>,
        %shift_right_arithmetic3A_441 = arith.constant 1 : i32
        %shift_right_arithmetic3A_442 = vector.broadcast %shift_right_arithmetic3A_441 : i32 to vector<16xi32>
        %shift_right_arithmetic3A_443 = arith.shrsi %shift_right_arithmetic3A_422, %shift_right_arithmetic3A_442 : vector<16xi32>
        %swap3A_444 = arith.constant 112 : index
        %swap3A_445 = tpu.vector_load %arg14[%swap3A_444] {strides = array<i32>} : memref<128xi32, #tpu.memory_space<vmem>>, vector<16xi32>,
        %swap3A_446 = vector.shape_cast %swap3A_445 : vector<16xi32> to vector<16xi32>
        %swap3A_447 = vector.shape_cast %shift_right_arithmetic3A_443 : vector<16xi32> to vector<16xi32>
        tpu.vector_store %arg14[%swap3A_444], %swap3A_447 {strides = array<i32>} : memref<128xi32, #tpu.memory_space<vmem>>, vector<16xi32>,
        %dma_start3A = arith.constant 0 : i32
        %dma_start3A_448 = arith.constant 0 : i32
        %dma_start3A_449 = tpu.memref_slice %arg4[%dma_start3A, %dma_start3A_448] : memref<40000x128xf32, #tpu.memory_space<hbm>> -> memref<40000x128xf32, #tpu.memory_space<hbm>>
        tpu.enqueue_indirect_dma source(%dma_start3A_449 : memref<40000x128xf32, #tpu.memory_space<hbm>>) target(%arg18 : memref<128x128xf32, #tpu.memory_space<vmem>>) offsets(%arg10 : memref<128xi32, #tpu.memory_space<vmem>>) semaphore(%arg23 : memref<!tpu.dma_semaphore, #tpu.memory_space<semaphore_mem>>)
      } else {
      }
      %sub3A_66 = arith.constant 1 : i32
      %sub3A_67 = arith.subi %add3A_39, %sub3A_66 : i32
      %mul3A_68 = arith.constant 4 : i32
      %mul3A_69 = arith.muli %mul3A_68, %sub3A_67 : i32
      %add3A_70 = arith.constant 1 : i32
      %add3A_71 = arith.addi %mul3A_69, %add3A_70 : i32
      %mul3A_72 = arith.constant 16 : i32
      %mul3A_73 = arith.muli %add3A_71, %mul3A_72 : i32
      %add3A_74 = arith.addi %arg1, %mul3A_73 : i32
      %gt3A_75 = arith.constant 0 : i32
      %gt3A_76 = arith.cmpi sgt, %add3A_39, %gt3A_75 : i32
      %lt3A_77 = arith.constant 2500 : i32
      %lt3A_78 = arith.cmpi slt, %add3A_74, %lt3A_77 : i32
      %and3A_79 = arith.andi %gt3A_76, %lt3A_78 : i1
      %convert_element_type3A_80 = arith.extui %and3A_79 : i1 to i32
      %cond3A_81 = arith.constant 0 : i32
      %cond3A_82 = arith.cmpi ne, %convert_element_type3A_80, %cond3A_81 : i32
      scf.if %cond3A_82 {
        %dma_wait3A = arith.constant 0 : i32
        %dma_wait3A_201 = arith.constant 0 : i32
        %dma_wait3A_202 = tpu.memref_slice %arg22[%dma_wait3A, %dma_wait3A_201] : memref<5008x128xf32, #tpu.memory_space<vmem_shared>> -> memref<5008x128xf32, #tpu.memory_space<vmem_shared>>
        tpu.wait_indirect_dma semaphore(%arg28 : memref<!tpu.dma_semaphore, #tpu.memory_space<semaphore_mem>>) src(%arg19 : memref<128x128xf32, #tpu.memory_space<vmem>>) dst(%dma_wait3A_202 : memref<5008x128xf32, #tpu.memory_space<vmem_shared>>)
      } else {
      }
      %mul3A_83 = arith.constant 4 : i32
      %mul3A_84 = arith.muli %mul3A_83, %add3A_39 : i32
      %add3A_85 = arith.constant 1 : i32
      %add3A_86 = arith.addi %mul3A_84, %add3A_85 : i32
      %mul3A_87 = arith.constant 16 : i32
      %mul3A_88 = arith.muli %add3A_86, %mul3A_87 : i32
      %add3A_89 = arith.addi %arg1, %mul3A_88 : i32
      %lt3A_90 = arith.constant 2500 : i32
      %lt3A_91 = arith.cmpi slt, %add3A_89, %lt3A_90 : i32
      %convert_element_type3A_92 = arith.extui %lt3A_91 : i1 to i32
      %cond3A_93 = arith.constant 0 : i32
      %cond3A_94 = arith.cmpi ne, %convert_element_type3A_92, %cond3A_93 : i32
      scf.if %cond3A_94 {
        %mul3A_201 = arith.constant 128 : i32
        %mul3A_202 = arith.muli %add3A_89, %mul3A_201 : i32
        "tpu.region"() ({
          %run_scoped3A = tpu.sem_alloc : memref<!tpu.dma_semaphore, #tpu.memory_space<semaphore_mem>>
          %dma_start3A_450 = tpu.memref_slice %arg2[%mul3A_202] : memref<320000xi32, #tpu.memory_space<hbm>> -> memref<128xi32, #tpu.memory_space<hbm>>
          %dma_start3A_451 = tpu.memref_slice %arg2[%mul3A_202] : memref<320000xi32, #tpu.memory_space<hbm>> -> memref<128xi32, #tpu.memory_space<hbm>>
          tpu.enqueue_dma source(%dma_start3A_451 : memref<128xi32, #tpu.memory_space<hbm>>) target(%arg7 : memref<128xi32, #tpu.memory_space<vmem>>) target_semaphore(%run_scoped3A : memref<!tpu.dma_semaphore, #tpu.memory_space<semaphore_mem>>)
          %dma_wait3A = tpu.memref_slice %arg2[%mul3A_202] : memref<320000xi32, #tpu.memory_space<hbm>> -> memref<128xi32, #tpu.memory_space<hbm>>
          %dma_wait3A_452 = tpu.memref_slice %arg2[%mul3A_202] : memref<320000xi32, #tpu.memory_space<hbm>> -> memref<128xi32, #tpu.memory_space<hbm>>
          tpu.wait_dma2 semaphore(%run_scoped3A : memref<!tpu.dma_semaphore, #tpu.memory_space<semaphore_mem>>) src(%dma_wait3A_452 : memref<128xi32, #tpu.memory_space<hbm>>) dst(%arg7 : memref<128xi32, #tpu.memory_space<vmem>>)
          tpu.yield
        }) : () -> ()
        %get3A = arith.constant 0 : index
        %get3A_203 = tpu.vector_load %arg7[%get3A] {strides = array<i32>} : memref<128xi32, #tpu.memory_space<vmem>>, vector<16xi32>,
        %get3A_204 = vector.shape_cast %get3A_203 : vector<16xi32> to vector<16xi32>
        %shift_right_arithmetic3A = arith.constant 14 : i32
        %shift_right_arithmetic3A_205 = vector.broadcast %shift_right_arithmetic3A : i32 to vector<16xi32>
        %shift_right_arithmetic3A_206 = arith.shrsi %get3A_204, %shift_right_arithmetic3A_205 : vector<16xi32>
        %and3A_207 = arith.constant 16383 : i32
        %and3A_208 = vector.broadcast %and3A_207 : i32 to vector<16xi32>
        %and3A_209 = arith.andi %get3A_204, %and3A_208 : vector<16xi32>
        %mul3A_210 = arith.constant 10000 : i32
        %mul3A_211 = arith.muli %arg0, %mul3A_210 : i32
        %add3A_212 = vector.broadcast %mul3A_211 : i32 to vector<16xi32>
        %add3A_213 = arith.addi %and3A_209, %add3A_212 : vector<16xi32>
        %and3A_214 = arith.constant 1 : i32
        %and3A_215 = vector.broadcast %and3A_214 : i32 to vector<16xi32>
        %and3A_216 = arith.andi %shift_right_arithmetic3A_206, %and3A_215 : vector<16xi32>
        %mul3A_217 = arith.constant 20000 : i32
        %mul3A_218 = vector.broadcast %mul3A_217 : i32 to vector<16xi32>
        %mul3A_219 = arith.muli %and3A_216, %mul3A_218 : vector<16xi32>
        %add3A_220 = arith.addi %add3A_213, %mul3A_219 : vector<16xi32>
        %swap3A = arith.constant 0 : index
        %swap3A_221 = tpu.vector_load %arg11[%swap3A] {strides = array<i32>} : memref<128xi32, #tpu.memory_space<vmem>>, vector<16xi32>,
        %swap3A_222 = vector.shape_cast %swap3A_221 : vector<16xi32> to vector<16xi32>
        %swap3A_223 = vector.shape_cast %add3A_220 : vector<16xi32> to vector<16xi32>
        tpu.vector_store %arg11[%swap3A], %swap3A_223 {strides = array<i32>} : memref<128xi32, #tpu.memory_space<vmem>>, vector<16xi32>,
        %shift_right_arithmetic3A_224 = arith.constant 1 : i32
        %shift_right_arithmetic3A_225 = vector.broadcast %shift_right_arithmetic3A_224 : i32 to vector<16xi32>
        %shift_right_arithmetic3A_226 = arith.shrsi %shift_right_arithmetic3A_206, %shift_right_arithmetic3A_225 : vector<16xi32>
        %swap3A_227 = arith.constant 0 : index
        %swap3A_228 = tpu.vector_load %arg15[%swap3A_227] {strides = array<i32>} : memref<128xi32, #tpu.memory_space<vmem>>, vector<16xi32>,
        %swap3A_229 = vector.shape_cast %swap3A_228 : vector<16xi32> to vector<16xi32>
        %swap3A_230 = vector.shape_cast %shift_right_arithmetic3A_226 : vector<16xi32> to vector<16xi32>
        tpu.vector_store %arg15[%swap3A_227], %swap3A_230 {strides = array<i32>} : memref<128xi32, #tpu.memory_space<vmem>>, vector<16xi32>,
        %get3A_231 = arith.constant 16 : index
        %get3A_232 = tpu.vector_load %arg7[%get3A_231] {strides = array<i32>} : memref<128xi32, #tpu.memory_space<vmem>>, vector<16xi32>,
        %get3A_233 = vector.shape_cast %get3A_232 : vector<16xi32> to vector<16xi32>
        %shift_right_arithmetic3A_234 = arith.constant 14 : i32
        %shift_right_arithmetic3A_235 = vector.broadcast %shift_right_arithmetic3A_234 : i32 to vector<16xi32>
        %shift_right_arithmetic3A_236 = arith.shrsi %get3A_233, %shift_right_arithmetic3A_235 : vector<16xi32>
        %and3A_237 = arith.constant 16383 : i32
        %and3A_238 = vector.broadcast %and3A_237 : i32 to vector<16xi32>
        %and3A_239 = arith.andi %get3A_233, %and3A_238 : vector<16xi32>
        %mul3A_240 = arith.constant 10000 : i32
        %mul3A_241 = arith.muli %arg0, %mul3A_240 : i32
        %add3A_242 = vector.broadcast %mul3A_241 : i32 to vector<16xi32>
        %add3A_243 = arith.addi %and3A_239, %add3A_242 : vector<16xi32>
        %and3A_244 = arith.constant 1 : i32
        %and3A_245 = vector.broadcast %and3A_244 : i32 to vector<16xi32>
        %and3A_246 = arith.andi %shift_right_arithmetic3A_236, %and3A_245 : vector<16xi32>
        %mul3A_247 = arith.constant 20000 : i32
        %mul3A_248 = vector.broadcast %mul3A_247 : i32 to vector<16xi32>
        %mul3A_249 = arith.muli %and3A_246, %mul3A_248 : vector<16xi32>
        %add3A_250 = arith.addi %add3A_243, %mul3A_249 : vector<16xi32>
        %swap3A_251 = arith.constant 16 : index
        %swap3A_252 = tpu.vector_load %arg11[%swap3A_251] {strides = array<i32>} : memref<128xi32, #tpu.memory_space<vmem>>, vector<16xi32>,
        %swap3A_253 = vector.shape_cast %swap3A_252 : vector<16xi32> to vector<16xi32>
        %swap3A_254 = vector.shape_cast %add3A_250 : vector<16xi32> to vector<16xi32>
        tpu.vector_store %arg11[%swap3A_251], %swap3A_254 {strides = array<i32>} : memref<128xi32, #tpu.memory_space<vmem>>, vector<16xi32>,
        %shift_right_arithmetic3A_255 = arith.constant 1 : i32
        %shift_right_arithmetic3A_256 = vector.broadcast %shift_right_arithmetic3A_255 : i32 to vector<16xi32>
        %shift_right_arithmetic3A_257 = arith.shrsi %shift_right_arithmetic3A_236, %shift_right_arithmetic3A_256 : vector<16xi32>
        %swap3A_258 = arith.constant 16 : index
        %swap3A_259 = tpu.vector_load %arg15[%swap3A_258] {strides = array<i32>} : memref<128xi32, #tpu.memory_space<vmem>>, vector<16xi32>,
        %swap3A_260 = vector.shape_cast %swap3A_259 : vector<16xi32> to vector<16xi32>
        %swap3A_261 = vector.shape_cast %shift_right_arithmetic3A_257 : vector<16xi32> to vector<16xi32>
        tpu.vector_store %arg15[%swap3A_258], %swap3A_261 {strides = array<i32>} : memref<128xi32, #tpu.memory_space<vmem>>, vector<16xi32>,
        %get3A_262 = arith.constant 32 : index
        %get3A_263 = tpu.vector_load %arg7[%get3A_262] {strides = array<i32>} : memref<128xi32, #tpu.memory_space<vmem>>, vector<16xi32>,
        %get3A_264 = vector.shape_cast %get3A_263 : vector<16xi32> to vector<16xi32>
        %shift_right_arithmetic3A_265 = arith.constant 14 : i32
        %shift_right_arithmetic3A_266 = vector.broadcast %shift_right_arithmetic3A_265 : i32 to vector<16xi32>
        %shift_right_arithmetic3A_267 = arith.shrsi %get3A_264, %shift_right_arithmetic3A_266 : vector<16xi32>
        %and3A_268 = arith.constant 16383 : i32
        %and3A_269 = vector.broadcast %and3A_268 : i32 to vector<16xi32>
        %and3A_270 = arith.andi %get3A_264, %and3A_269 : vector<16xi32>
        %mul3A_271 = arith.constant 10000 : i32
        %mul3A_272 = arith.muli %arg0, %mul3A_271 : i32
        %add3A_273 = vector.broadcast %mul3A_272 : i32 to vector<16xi32>
        %add3A_274 = arith.addi %and3A_270, %add3A_273 : vector<16xi32>
        %and3A_275 = arith.constant 1 : i32
        %and3A_276 = vector.broadcast %and3A_275 : i32 to vector<16xi32>
        %and3A_277 = arith.andi %shift_right_arithmetic3A_267, %and3A_276 : vector<16xi32>
        %mul3A_278 = arith.constant 20000 : i32
        %mul3A_279 = vector.broadcast %mul3A_278 : i32 to vector<16xi32>
        %mul3A_280 = arith.muli %and3A_277, %mul3A_279 : vector<16xi32>
        %add3A_281 = arith.addi %add3A_274, %mul3A_280 : vector<16xi32>
        %swap3A_282 = arith.constant 32 : index
        %swap3A_283 = tpu.vector_load %arg11[%swap3A_282] {strides = array<i32>} : memref<128xi32, #tpu.memory_space<vmem>>, vector<16xi32>,
        %swap3A_284 = vector.shape_cast %swap3A_283 : vector<16xi32> to vector<16xi32>
        %swap3A_285 = vector.shape_cast %add3A_281 : vector<16xi32> to vector<16xi32>
        tpu.vector_store %arg11[%swap3A_282], %swap3A_285 {strides = array<i32>} : memref<128xi32, #tpu.memory_space<vmem>>, vector<16xi32>,
        %shift_right_arithmetic3A_286 = arith.constant 1 : i32
        %shift_right_arithmetic3A_287 = vector.broadcast %shift_right_arithmetic3A_286 : i32 to vector<16xi32>
        %shift_right_arithmetic3A_288 = arith.shrsi %shift_right_arithmetic3A_267, %shift_right_arithmetic3A_287 : vector<16xi32>
        %swap3A_289 = arith.constant 32 : index
        %swap3A_290 = tpu.vector_load %arg15[%swap3A_289] {strides = array<i32>} : memref<128xi32, #tpu.memory_space<vmem>>, vector<16xi32>,
        %swap3A_291 = vector.shape_cast %swap3A_290 : vector<16xi32> to vector<16xi32>
        %swap3A_292 = vector.shape_cast %shift_right_arithmetic3A_288 : vector<16xi32> to vector<16xi32>
        tpu.vector_store %arg15[%swap3A_289], %swap3A_292 {strides = array<i32>} : memref<128xi32, #tpu.memory_space<vmem>>, vector<16xi32>,
        %get3A_293 = arith.constant 48 : index
        %get3A_294 = tpu.vector_load %arg7[%get3A_293] {strides = array<i32>} : memref<128xi32, #tpu.memory_space<vmem>>, vector<16xi32>,
        %get3A_295 = vector.shape_cast %get3A_294 : vector<16xi32> to vector<16xi32>
        %shift_right_arithmetic3A_296 = arith.constant 14 : i32
        %shift_right_arithmetic3A_297 = vector.broadcast %shift_right_arithmetic3A_296 : i32 to vector<16xi32>
        %shift_right_arithmetic3A_298 = arith.shrsi %get3A_295, %shift_right_arithmetic3A_297 : vector<16xi32>
        %and3A_299 = arith.constant 16383 : i32
        %and3A_300 = vector.broadcast %and3A_299 : i32 to vector<16xi32>
        %and3A_301 = arith.andi %get3A_295, %and3A_300 : vector<16xi32>
        %mul3A_302 = arith.constant 10000 : i32
        %mul3A_303 = arith.muli %arg0, %mul3A_302 : i32
        %add3A_304 = vector.broadcast %mul3A_303 : i32 to vector<16xi32>
        %add3A_305 = arith.addi %and3A_301, %add3A_304 : vector<16xi32>
        %and3A_306 = arith.constant 1 : i32
        %and3A_307 = vector.broadcast %and3A_306 : i32 to vector<16xi32>
        %and3A_308 = arith.andi %shift_right_arithmetic3A_298, %and3A_307 : vector<16xi32>
        %mul3A_309 = arith.constant 20000 : i32
        %mul3A_310 = vector.broadcast %mul3A_309 : i32 to vector<16xi32>
        %mul3A_311 = arith.muli %and3A_308, %mul3A_310 : vector<16xi32>
        %add3A_312 = arith.addi %add3A_305, %mul3A_311 : vector<16xi32>
        %swap3A_313 = arith.constant 48 : index
        %swap3A_314 = tpu.vector_load %arg11[%swap3A_313] {strides = array<i32>} : memref<128xi32, #tpu.memory_space<vmem>>, vector<16xi32>,
        %swap3A_315 = vector.shape_cast %swap3A_314 : vector<16xi32> to vector<16xi32>
        %swap3A_316 = vector.shape_cast %add3A_312 : vector<16xi32> to vector<16xi32>
        tpu.vector_store %arg11[%swap3A_313], %swap3A_316 {strides = array<i32>} : memref<128xi32, #tpu.memory_space<vmem>>, vector<16xi32>,
        %shift_right_arithmetic3A_317 = arith.constant 1 : i32
        %shift_right_arithmetic3A_318 = vector.broadcast %shift_right_arithmetic3A_317 : i32 to vector<16xi32>
        %shift_right_arithmetic3A_319 = arith.shrsi %shift_right_arithmetic3A_298, %shift_right_arithmetic3A_318 : vector<16xi32>
        %swap3A_320 = arith.constant 48 : index
        %swap3A_321 = tpu.vector_load %arg15[%swap3A_320] {strides = array<i32>} : memref<128xi32, #tpu.memory_space<vmem>>, vector<16xi32>,
        %swap3A_322 = vector.shape_cast %swap3A_321 : vector<16xi32> to vector<16xi32>
        %swap3A_323 = vector.shape_cast %shift_right_arithmetic3A_319 : vector<16xi32> to vector<16xi32>
        tpu.vector_store %arg15[%swap3A_320], %swap3A_323 {strides = array<i32>} : memref<128xi32, #tpu.memory_space<vmem>>, vector<16xi32>,
        %get3A_324 = arith.constant 64 : index
        %get3A_325 = tpu.vector_load %arg7[%get3A_324] {strides = array<i32>} : memref<128xi32, #tpu.memory_space<vmem>>, vector<16xi32>,
        %get3A_326 = vector.shape_cast %get3A_325 : vector<16xi32> to vector<16xi32>
        %shift_right_arithmetic3A_327 = arith.constant 14 : i32
        %shift_right_arithmetic3A_328 = vector.broadcast %shift_right_arithmetic3A_327 : i32 to vector<16xi32>
        %shift_right_arithmetic3A_329 = arith.shrsi %get3A_326, %shift_right_arithmetic3A_328 : vector<16xi32>
        %and3A_330 = arith.constant 16383 : i32
        %and3A_331 = vector.broadcast %and3A_330 : i32 to vector<16xi32>
        %and3A_332 = arith.andi %get3A_326, %and3A_331 : vector<16xi32>
        %mul3A_333 = arith.constant 10000 : i32
        %mul3A_334 = arith.muli %arg0, %mul3A_333 : i32
        %add3A_335 = vector.broadcast %mul3A_334 : i32 to vector<16xi32>
        %add3A_336 = arith.addi %and3A_332, %add3A_335 : vector<16xi32>
        %and3A_337 = arith.constant 1 : i32
        %and3A_338 = vector.broadcast %and3A_337 : i32 to vector<16xi32>
        %and3A_339 = arith.andi %shift_right_arithmetic3A_329, %and3A_338 : vector<16xi32>
        %mul3A_340 = arith.constant 20000 : i32
        %mul3A_341 = vector.broadcast %mul3A_340 : i32 to vector<16xi32>
        %mul3A_342 = arith.muli %and3A_339, %mul3A_341 : vector<16xi32>
        %add3A_343 = arith.addi %add3A_336, %mul3A_342 : vector<16xi32>
        %swap3A_344 = arith.constant 64 : index
        %swap3A_345 = tpu.vector_load %arg11[%swap3A_344] {strides = array<i32>} : memref<128xi32, #tpu.memory_space<vmem>>, vector<16xi32>,
        %swap3A_346 = vector.shape_cast %swap3A_345 : vector<16xi32> to vector<16xi32>
        %swap3A_347 = vector.shape_cast %add3A_343 : vector<16xi32> to vector<16xi32>
        tpu.vector_store %arg11[%swap3A_344], %swap3A_347 {strides = array<i32>} : memref<128xi32, #tpu.memory_space<vmem>>, vector<16xi32>,
        %shift_right_arithmetic3A_348 = arith.constant 1 : i32
        %shift_right_arithmetic3A_349 = vector.broadcast %shift_right_arithmetic3A_348 : i32 to vector<16xi32>
        %shift_right_arithmetic3A_350 = arith.shrsi %shift_right_arithmetic3A_329, %shift_right_arithmetic3A_349 : vector<16xi32>
        %swap3A_351 = arith.constant 64 : index
        %swap3A_352 = tpu.vector_load %arg15[%swap3A_351] {strides = array<i32>} : memref<128xi32, #tpu.memory_space<vmem>>, vector<16xi32>,
        %swap3A_353 = vector.shape_cast %swap3A_352 : vector<16xi32> to vector<16xi32>
        %swap3A_354 = vector.shape_cast %shift_right_arithmetic3A_350 : vector<16xi32> to vector<16xi32>
        tpu.vector_store %arg15[%swap3A_351], %swap3A_354 {strides = array<i32>} : memref<128xi32, #tpu.memory_space<vmem>>, vector<16xi32>,
        %get3A_355 = arith.constant 80 : index
        %get3A_356 = tpu.vector_load %arg7[%get3A_355] {strides = array<i32>} : memref<128xi32, #tpu.memory_space<vmem>>, vector<16xi32>,
        %get3A_357 = vector.shape_cast %get3A_356 : vector<16xi32> to vector<16xi32>
        %shift_right_arithmetic3A_358 = arith.constant 14 : i32
        %shift_right_arithmetic3A_359 = vector.broadcast %shift_right_arithmetic3A_358 : i32 to vector<16xi32>
        %shift_right_arithmetic3A_360 = arith.shrsi %get3A_357, %shift_right_arithmetic3A_359 : vector<16xi32>
        %and3A_361 = arith.constant 16383 : i32
        %and3A_362 = vector.broadcast %and3A_361 : i32 to vector<16xi32>
        %and3A_363 = arith.andi %get3A_357, %and3A_362 : vector<16xi32>
        %mul3A_364 = arith.constant 10000 : i32
        %mul3A_365 = arith.muli %arg0, %mul3A_364 : i32
        %add3A_366 = vector.broadcast %mul3A_365 : i32 to vector<16xi32>
        %add3A_367 = arith.addi %and3A_363, %add3A_366 : vector<16xi32>
        %and3A_368 = arith.constant 1 : i32
        %and3A_369 = vector.broadcast %and3A_368 : i32 to vector<16xi32>
        %and3A_370 = arith.andi %shift_right_arithmetic3A_360, %and3A_369 : vector<16xi32>
        %mul3A_371 = arith.constant 20000 : i32
        %mul3A_372 = vector.broadcast %mul3A_371 : i32 to vector<16xi32>
        %mul3A_373 = arith.muli %and3A_370, %mul3A_372 : vector<16xi32>
        %add3A_374 = arith.addi %add3A_367, %mul3A_373 : vector<16xi32>
        %swap3A_375 = arith.constant 80 : index
        %swap3A_376 = tpu.vector_load %arg11[%swap3A_375] {strides = array<i32>} : memref<128xi32, #tpu.memory_space<vmem>>, vector<16xi32>,
        %swap3A_377 = vector.shape_cast %swap3A_376 : vector<16xi32> to vector<16xi32>
        %swap3A_378 = vector.shape_cast %add3A_374 : vector<16xi32> to vector<16xi32>
        tpu.vector_store %arg11[%swap3A_375], %swap3A_378 {strides = array<i32>} : memref<128xi32, #tpu.memory_space<vmem>>, vector<16xi32>,
        %shift_right_arithmetic3A_379 = arith.constant 1 : i32
        %shift_right_arithmetic3A_380 = vector.broadcast %shift_right_arithmetic3A_379 : i32 to vector<16xi32>
        %shift_right_arithmetic3A_381 = arith.shrsi %shift_right_arithmetic3A_360, %shift_right_arithmetic3A_380 : vector<16xi32>
        %swap3A_382 = arith.constant 80 : index
        %swap3A_383 = tpu.vector_load %arg15[%swap3A_382] {strides = array<i32>} : memref<128xi32, #tpu.memory_space<vmem>>, vector<16xi32>,
        %swap3A_384 = vector.shape_cast %swap3A_383 : vector<16xi32> to vector<16xi32>
        %swap3A_385 = vector.shape_cast %shift_right_arithmetic3A_381 : vector<16xi32> to vector<16xi32>
        tpu.vector_store %arg15[%swap3A_382], %swap3A_385 {strides = array<i32>} : memref<128xi32, #tpu.memory_space<vmem>>, vector<16xi32>,
        %get3A_386 = arith.constant 96 : index
        %get3A_387 = tpu.vector_load %arg7[%get3A_386] {strides = array<i32>} : memref<128xi32, #tpu.memory_space<vmem>>, vector<16xi32>,
        %get3A_388 = vector.shape_cast %get3A_387 : vector<16xi32> to vector<16xi32>
        %shift_right_arithmetic3A_389 = arith.constant 14 : i32
        %shift_right_arithmetic3A_390 = vector.broadcast %shift_right_arithmetic3A_389 : i32 to vector<16xi32>
        %shift_right_arithmetic3A_391 = arith.shrsi %get3A_388, %shift_right_arithmetic3A_390 : vector<16xi32>
        %and3A_392 = arith.constant 16383 : i32
        %and3A_393 = vector.broadcast %and3A_392 : i32 to vector<16xi32>
        %and3A_394 = arith.andi %get3A_388, %and3A_393 : vector<16xi32>
        %mul3A_395 = arith.constant 10000 : i32
        %mul3A_396 = arith.muli %arg0, %mul3A_395 : i32
        %add3A_397 = vector.broadcast %mul3A_396 : i32 to vector<16xi32>
        %add3A_398 = arith.addi %and3A_394, %add3A_397 : vector<16xi32>
        %and3A_399 = arith.constant 1 : i32
        %and3A_400 = vector.broadcast %and3A_399 : i32 to vector<16xi32>
        %and3A_401 = arith.andi %shift_right_arithmetic3A_391, %and3A_400 : vector<16xi32>
        %mul3A_402 = arith.constant 20000 : i32
        %mul3A_403 = vector.broadcast %mul3A_402 : i32 to vector<16xi32>
        %mul3A_404 = arith.muli %and3A_401, %mul3A_403 : vector<16xi32>
        %add3A_405 = arith.addi %add3A_398, %mul3A_404 : vector<16xi32>
        %swap3A_406 = arith.constant 96 : index
        %swap3A_407 = tpu.vector_load %arg11[%swap3A_406] {strides = array<i32>} : memref<128xi32, #tpu.memory_space<vmem>>, vector<16xi32>,
        %swap3A_408 = vector.shape_cast %swap3A_407 : vector<16xi32> to vector<16xi32>
        %swap3A_409 = vector.shape_cast %add3A_405 : vector<16xi32> to vector<16xi32>
        tpu.vector_store %arg11[%swap3A_406], %swap3A_409 {strides = array<i32>} : memref<128xi32, #tpu.memory_space<vmem>>, vector<16xi32>,
        %shift_right_arithmetic3A_410 = arith.constant 1 : i32
        %shift_right_arithmetic3A_411 = vector.broadcast %shift_right_arithmetic3A_410 : i32 to vector<16xi32>
        %shift_right_arithmetic3A_412 = arith.shrsi %shift_right_arithmetic3A_391, %shift_right_arithmetic3A_411 : vector<16xi32>
        %swap3A_413 = arith.constant 96 : index
        %swap3A_414 = tpu.vector_load %arg15[%swap3A_413] {strides = array<i32>} : memref<128xi32, #tpu.memory_space<vmem>>, vector<16xi32>,
        %swap3A_415 = vector.shape_cast %swap3A_414 : vector<16xi32> to vector<16xi32>
        %swap3A_416 = vector.shape_cast %shift_right_arithmetic3A_412 : vector<16xi32> to vector<16xi32>
        tpu.vector_store %arg15[%swap3A_413], %swap3A_416 {strides = array<i32>} : memref<128xi32, #tpu.memory_space<vmem>>, vector<16xi32>,
        %get3A_417 = arith.constant 112 : index
        %get3A_418 = tpu.vector_load %arg7[%get3A_417] {strides = array<i32>} : memref<128xi32, #tpu.memory_space<vmem>>, vector<16xi32>,
        %get3A_419 = vector.shape_cast %get3A_418 : vector<16xi32> to vector<16xi32>
        %shift_right_arithmetic3A_420 = arith.constant 14 : i32
        %shift_right_arithmetic3A_421 = vector.broadcast %shift_right_arithmetic3A_420 : i32 to vector<16xi32>
        %shift_right_arithmetic3A_422 = arith.shrsi %get3A_419, %shift_right_arithmetic3A_421 : vector<16xi32>
        %and3A_423 = arith.constant 16383 : i32
        %and3A_424 = vector.broadcast %and3A_423 : i32 to vector<16xi32>
        %and3A_425 = arith.andi %get3A_419, %and3A_424 : vector<16xi32>
        %mul3A_426 = arith.constant 10000 : i32
        %mul3A_427 = arith.muli %arg0, %mul3A_426 : i32
        %add3A_428 = vector.broadcast %mul3A_427 : i32 to vector<16xi32>
        %add3A_429 = arith.addi %and3A_425, %add3A_428 : vector<16xi32>
        %and3A_430 = arith.constant 1 : i32
        %and3A_431 = vector.broadcast %and3A_430 : i32 to vector<16xi32>
        %and3A_432 = arith.andi %shift_right_arithmetic3A_422, %and3A_431 : vector<16xi32>
        %mul3A_433 = arith.constant 20000 : i32
        %mul3A_434 = vector.broadcast %mul3A_433 : i32 to vector<16xi32>
        %mul3A_435 = arith.muli %and3A_432, %mul3A_434 : vector<16xi32>
        %add3A_436 = arith.addi %add3A_429, %mul3A_435 : vector<16xi32>
        %swap3A_437 = arith.constant 112 : index
        %swap3A_438 = tpu.vector_load %arg11[%swap3A_437] {strides = array<i32>} : memref<128xi32, #tpu.memory_space<vmem>>, vector<16xi32>,
        %swap3A_439 = vector.shape_cast %swap3A_438 : vector<16xi32> to vector<16xi32>
        %swap3A_440 = vector.shape_cast %add3A_436 : vector<16xi32> to vector<16xi32>
        tpu.vector_store %arg11[%swap3A_437], %swap3A_440 {strides = array<i32>} : memref<128xi32, #tpu.memory_space<vmem>>, vector<16xi32>,
        %shift_right_arithmetic3A_441 = arith.constant 1 : i32
        %shift_right_arithmetic3A_442 = vector.broadcast %shift_right_arithmetic3A_441 : i32 to vector<16xi32>
        %shift_right_arithmetic3A_443 = arith.shrsi %shift_right_arithmetic3A_422, %shift_right_arithmetic3A_442 : vector<16xi32>
        %swap3A_444 = arith.constant 112 : index
        %swap3A_445 = tpu.vector_load %arg15[%swap3A_444] {strides = array<i32>} : memref<128xi32, #tpu.memory_space<vmem>>, vector<16xi32>,
        %swap3A_446 = vector.shape_cast %swap3A_445 : vector<16xi32> to vector<16xi32>
        %swap3A_447 = vector.shape_cast %shift_right_arithmetic3A_443 : vector<16xi32> to vector<16xi32>
        tpu.vector_store %arg15[%swap3A_444], %swap3A_447 {strides = array<i32>} : memref<128xi32, #tpu.memory_space<vmem>>, vector<16xi32>,
        %dma_start3A = arith.constant 0 : i32
        %dma_start3A_448 = arith.constant 0 : i32
        %dma_start3A_449 = tpu.memref_slice %arg4[%dma_start3A, %dma_start3A_448] : memref<40000x128xf32, #tpu.memory_space<hbm>> -> memref<40000x128xf32, #tpu.memory_space<hbm>>
        tpu.enqueue_indirect_dma source(%dma_start3A_449 : memref<40000x128xf32, #tpu.memory_space<hbm>>) target(%arg19 : memref<128x128xf32, #tpu.memory_space<vmem>>) offsets(%arg11 : memref<128xi32, #tpu.memory_space<vmem>>) semaphore(%arg24 : memref<!tpu.dma_semaphore, #tpu.memory_space<semaphore_mem>>)
      } else {
      }
      %sub3A_95 = arith.constant 1 : i32
      %sub3A_96 = arith.subi %add3A_39, %sub3A_95 : i32
      %mul3A_97 = arith.constant 4 : i32
      %mul3A_98 = arith.muli %mul3A_97, %sub3A_96 : i32
      %add3A_99 = arith.constant 2 : i32
      %add3A_100 = arith.addi %mul3A_98, %add3A_99 : i32
      %mul3A_101 = arith.constant 16 : i32
      %mul3A_102 = arith.muli %add3A_100, %mul3A_101 : i32
      %add3A_103 = arith.addi %arg1, %mul3A_102 : i32
      %gt3A_104 = arith.constant 0 : i32
      %gt3A_105 = arith.cmpi sgt, %add3A_39, %gt3A_104 : i32
      %lt3A_106 = arith.constant 2500 : i32
      %lt3A_107 = arith.cmpi slt, %add3A_103, %lt3A_106 : i32
      %and3A_108 = arith.andi %gt3A_105, %lt3A_107 : i1
      %convert_element_type3A_109 = arith.extui %and3A_108 : i1 to i32
      %cond3A_110 = arith.constant 0 : i32
      %cond3A_111 = arith.cmpi ne, %convert_element_type3A_109, %cond3A_110 : i32
      scf.if %cond3A_111 {
        %dma_wait3A = arith.constant 0 : i32
        %dma_wait3A_201 = arith.constant 0 : i32
        %dma_wait3A_202 = tpu.memref_slice %arg22[%dma_wait3A, %dma_wait3A_201] : memref<5008x128xf32, #tpu.memory_space<vmem_shared>> -> memref<5008x128xf32, #tpu.memory_space<vmem_shared>>
        tpu.wait_indirect_dma semaphore(%arg29 : memref<!tpu.dma_semaphore, #tpu.memory_space<semaphore_mem>>) src(%arg20 : memref<128x128xf32, #tpu.memory_space<vmem>>) dst(%dma_wait3A_202 : memref<5008x128xf32, #tpu.memory_space<vmem_shared>>)
      } else {
      }
      %mul3A_112 = arith.constant 4 : i32
      %mul3A_113 = arith.muli %mul3A_112, %add3A_39 : i32
      %add3A_114 = arith.constant 2 : i32
      %add3A_115 = arith.addi %mul3A_113, %add3A_114 : i32
      %mul3A_116 = arith.constant 16 : i32
      %mul3A_117 = arith.muli %add3A_115, %mul3A_116 : i32
      %add3A_118 = arith.addi %arg1, %mul3A_117 : i32
      %lt3A_119 = arith.constant 2500 : i32
      %lt3A_120 = arith.cmpi slt, %add3A_118, %lt3A_119 : i32
      %convert_element_type3A_121 = arith.extui %lt3A_120 : i1 to i32
      %cond3A_122 = arith.constant 0 : i32
      %cond3A_123 = arith.cmpi ne, %convert_element_type3A_121, %cond3A_122 : i32
      scf.if %cond3A_123 {
        %mul3A_201 = arith.constant 128 : i32
        %mul3A_202 = arith.muli %add3A_118, %mul3A_201 : i32
        "tpu.region"() ({
          %run_scoped3A = tpu.sem_alloc : memref<!tpu.dma_semaphore, #tpu.memory_space<semaphore_mem>>
          %dma_start3A_450 = tpu.memref_slice %arg2[%mul3A_202] : memref<320000xi32, #tpu.memory_space<hbm>> -> memref<128xi32, #tpu.memory_space<hbm>>
          %dma_start3A_451 = tpu.memref_slice %arg2[%mul3A_202] : memref<320000xi32, #tpu.memory_space<hbm>> -> memref<128xi32, #tpu.memory_space<hbm>>
          tpu.enqueue_dma source(%dma_start3A_451 : memref<128xi32, #tpu.memory_space<hbm>>) target(%arg8 : memref<128xi32, #tpu.memory_space<vmem>>) target_semaphore(%run_scoped3A : memref<!tpu.dma_semaphore, #tpu.memory_space<semaphore_mem>>)
          %dma_wait3A = tpu.memref_slice %arg2[%mul3A_202] : memref<320000xi32, #tpu.memory_space<hbm>> -> memref<128xi32, #tpu.memory_space<hbm>>
          %dma_wait3A_452 = tpu.memref_slice %arg2[%mul3A_202] : memref<320000xi32, #tpu.memory_space<hbm>> -> memref<128xi32, #tpu.memory_space<hbm>>
          tpu.wait_dma2 semaphore(%run_scoped3A : memref<!tpu.dma_semaphore, #tpu.memory_space<semaphore_mem>>) src(%dma_wait3A_452 : memref<128xi32, #tpu.memory_space<hbm>>) dst(%arg8 : memref<128xi32, #tpu.memory_space<vmem>>)
          tpu.yield
        }) : () -> ()
        %get3A = arith.constant 0 : index
        %get3A_203 = tpu.vector_load %arg8[%get3A] {strides = array<i32>} : memref<128xi32, #tpu.memory_space<vmem>>, vector<16xi32>,
        %get3A_204 = vector.shape_cast %get3A_203 : vector<16xi32> to vector<16xi32>
        %shift_right_arithmetic3A = arith.constant 14 : i32
        %shift_right_arithmetic3A_205 = vector.broadcast %shift_right_arithmetic3A : i32 to vector<16xi32>
        %shift_right_arithmetic3A_206 = arith.shrsi %get3A_204, %shift_right_arithmetic3A_205 : vector<16xi32>
        %and3A_207 = arith.constant 16383 : i32
        %and3A_208 = vector.broadcast %and3A_207 : i32 to vector<16xi32>
        %and3A_209 = arith.andi %get3A_204, %and3A_208 : vector<16xi32>
        %mul3A_210 = arith.constant 10000 : i32
        %mul3A_211 = arith.muli %arg0, %mul3A_210 : i32
        %add3A_212 = vector.broadcast %mul3A_211 : i32 to vector<16xi32>
        %add3A_213 = arith.addi %and3A_209, %add3A_212 : vector<16xi32>
        %and3A_214 = arith.constant 1 : i32
        %and3A_215 = vector.broadcast %and3A_214 : i32 to vector<16xi32>
        %and3A_216 = arith.andi %shift_right_arithmetic3A_206, %and3A_215 : vector<16xi32>
        %mul3A_217 = arith.constant 20000 : i32
        %mul3A_218 = vector.broadcast %mul3A_217 : i32 to vector<16xi32>
        %mul3A_219 = arith.muli %and3A_216, %mul3A_218 : vector<16xi32>
        %add3A_220 = arith.addi %add3A_213, %mul3A_219 : vector<16xi32>
        %swap3A = arith.constant 0 : index
        %swap3A_221 = tpu.vector_load %arg12[%swap3A] {strides = array<i32>} : memref<128xi32, #tpu.memory_space<vmem>>, vector<16xi32>,
        %swap3A_222 = vector.shape_cast %swap3A_221 : vector<16xi32> to vector<16xi32>
        %swap3A_223 = vector.shape_cast %add3A_220 : vector<16xi32> to vector<16xi32>
        tpu.vector_store %arg12[%swap3A], %swap3A_223 {strides = array<i32>} : memref<128xi32, #tpu.memory_space<vmem>>, vector<16xi32>,
        %shift_right_arithmetic3A_224 = arith.constant 1 : i32
        %shift_right_arithmetic3A_225 = vector.broadcast %shift_right_arithmetic3A_224 : i32 to vector<16xi32>
        %shift_right_arithmetic3A_226 = arith.shrsi %shift_right_arithmetic3A_206, %shift_right_arithmetic3A_225 : vector<16xi32>
        %swap3A_227 = arith.constant 0 : index
        %swap3A_228 = tpu.vector_load %arg16[%swap3A_227] {strides = array<i32>} : memref<128xi32, #tpu.memory_space<vmem>>, vector<16xi32>,
        %swap3A_229 = vector.shape_cast %swap3A_228 : vector<16xi32> to vector<16xi32>
        %swap3A_230 = vector.shape_cast %shift_right_arithmetic3A_226 : vector<16xi32> to vector<16xi32>
        tpu.vector_store %arg16[%swap3A_227], %swap3A_230 {strides = array<i32>} : memref<128xi32, #tpu.memory_space<vmem>>, vector<16xi32>,
        %get3A_231 = arith.constant 16 : index
        %get3A_232 = tpu.vector_load %arg8[%get3A_231] {strides = array<i32>} : memref<128xi32, #tpu.memory_space<vmem>>, vector<16xi32>,
        %get3A_233 = vector.shape_cast %get3A_232 : vector<16xi32> to vector<16xi32>
        %shift_right_arithmetic3A_234 = arith.constant 14 : i32
        %shift_right_arithmetic3A_235 = vector.broadcast %shift_right_arithmetic3A_234 : i32 to vector<16xi32>
        %shift_right_arithmetic3A_236 = arith.shrsi %get3A_233, %shift_right_arithmetic3A_235 : vector<16xi32>
        %and3A_237 = arith.constant 16383 : i32
        %and3A_238 = vector.broadcast %and3A_237 : i32 to vector<16xi32>
        %and3A_239 = arith.andi %get3A_233, %and3A_238 : vector<16xi32>
        %mul3A_240 = arith.constant 10000 : i32
        %mul3A_241 = arith.muli %arg0, %mul3A_240 : i32
        %add3A_242 = vector.broadcast %mul3A_241 : i32 to vector<16xi32>
        %add3A_243 = arith.addi %and3A_239, %add3A_242 : vector<16xi32>
        %and3A_244 = arith.constant 1 : i32
        %and3A_245 = vector.broadcast %and3A_244 : i32 to vector<16xi32>
        %and3A_246 = arith.andi %shift_right_arithmetic3A_236, %and3A_245 : vector<16xi32>
        %mul3A_247 = arith.constant 20000 : i32
        %mul3A_248 = vector.broadcast %mul3A_247 : i32 to vector<16xi32>
        %mul3A_249 = arith.muli %and3A_246, %mul3A_248 : vector<16xi32>
        %add3A_250 = arith.addi %add3A_243, %mul3A_249 : vector<16xi32>
        %swap3A_251 = arith.constant 16 : index
        %swap3A_252 = tpu.vector_load %arg12[%swap3A_251] {strides = array<i32>} : memref<128xi32, #tpu.memory_space<vmem>>, vector<16xi32>,
        %swap3A_253 = vector.shape_cast %swap3A_252 : vector<16xi32> to vector<16xi32>
        %swap3A_254 = vector.shape_cast %add3A_250 : vector<16xi32> to vector<16xi32>
        tpu.vector_store %arg12[%swap3A_251], %swap3A_254 {strides = array<i32>} : memref<128xi32, #tpu.memory_space<vmem>>, vector<16xi32>,
        %shift_right_arithmetic3A_255 = arith.constant 1 : i32
        %shift_right_arithmetic3A_256 = vector.broadcast %shift_right_arithmetic3A_255 : i32 to vector<16xi32>
        %shift_right_arithmetic3A_257 = arith.shrsi %shift_right_arithmetic3A_236, %shift_right_arithmetic3A_256 : vector<16xi32>
        %swap3A_258 = arith.constant 16 : index
        %swap3A_259 = tpu.vector_load %arg16[%swap3A_258] {strides = array<i32>} : memref<128xi32, #tpu.memory_space<vmem>>, vector<16xi32>,
        %swap3A_260 = vector.shape_cast %swap3A_259 : vector<16xi32> to vector<16xi32>
        %swap3A_261 = vector.shape_cast %shift_right_arithmetic3A_257 : vector<16xi32> to vector<16xi32>
        tpu.vector_store %arg16[%swap3A_258], %swap3A_261 {strides = array<i32>} : memref<128xi32, #tpu.memory_space<vmem>>, vector<16xi32>,
        %get3A_262 = arith.constant 32 : index
        %get3A_263 = tpu.vector_load %arg8[%get3A_262] {strides = array<i32>} : memref<128xi32, #tpu.memory_space<vmem>>, vector<16xi32>,
        %get3A_264 = vector.shape_cast %get3A_263 : vector<16xi32> to vector<16xi32>
        %shift_right_arithmetic3A_265 = arith.constant 14 : i32
        %shift_right_arithmetic3A_266 = vector.broadcast %shift_right_arithmetic3A_265 : i32 to vector<16xi32>
        %shift_right_arithmetic3A_267 = arith.shrsi %get3A_264, %shift_right_arithmetic3A_266 : vector<16xi32>
        %and3A_268 = arith.constant 16383 : i32
        %and3A_269 = vector.broadcast %and3A_268 : i32 to vector<16xi32>
        %and3A_270 = arith.andi %get3A_264, %and3A_269 : vector<16xi32>
        %mul3A_271 = arith.constant 10000 : i32
        %mul3A_272 = arith.muli %arg0, %mul3A_271 : i32
        %add3A_273 = vector.broadcast %mul3A_272 : i32 to vector<16xi32>
        %add3A_274 = arith.addi %and3A_270, %add3A_273 : vector<16xi32>
        %and3A_275 = arith.constant 1 : i32
        %and3A_276 = vector.broadcast %and3A_275 : i32 to vector<16xi32>
        %and3A_277 = arith.andi %shift_right_arithmetic3A_267, %and3A_276 : vector<16xi32>
        %mul3A_278 = arith.constant 20000 : i32
        %mul3A_279 = vector.broadcast %mul3A_278 : i32 to vector<16xi32>
        %mul3A_280 = arith.muli %and3A_277, %mul3A_279 : vector<16xi32>
        %add3A_281 = arith.addi %add3A_274, %mul3A_280 : vector<16xi32>
        %swap3A_282 = arith.constant 32 : index
        %swap3A_283 = tpu.vector_load %arg12[%swap3A_282] {strides = array<i32>} : memref<128xi32, #tpu.memory_space<vmem>>, vector<16xi32>,
        %swap3A_284 = vector.shape_cast %swap3A_283 : vector<16xi32> to vector<16xi32>
        %swap3A_285 = vector.shape_cast %add3A_281 : vector<16xi32> to vector<16xi32>
        tpu.vector_store %arg12[%swap3A_282], %swap3A_285 {strides = array<i32>} : memref<128xi32, #tpu.memory_space<vmem>>, vector<16xi32>,
        %shift_right_arithmetic3A_286 = arith.constant 1 : i32
        %shift_right_arithmetic3A_287 = vector.broadcast %shift_right_arithmetic3A_286 : i32 to vector<16xi32>
        %shift_right_arithmetic3A_288 = arith.shrsi %shift_right_arithmetic3A_267, %shift_right_arithmetic3A_287 : vector<16xi32>
        %swap3A_289 = arith.constant 32 : index
        %swap3A_290 = tpu.vector_load %arg16[%swap3A_289] {strides = array<i32>} : memref<128xi32, #tpu.memory_space<vmem>>, vector<16xi32>,
        %swap3A_291 = vector.shape_cast %swap3A_290 : vector<16xi32> to vector<16xi32>
        %swap3A_292 = vector.shape_cast %shift_right_arithmetic3A_288 : vector<16xi32> to vector<16xi32>
        tpu.vector_store %arg16[%swap3A_289], %swap3A_292 {strides = array<i32>} : memref<128xi32, #tpu.memory_space<vmem>>, vector<16xi32>,
        %get3A_293 = arith.constant 48 : index
        %get3A_294 = tpu.vector_load %arg8[%get3A_293] {strides = array<i32>} : memref<128xi32, #tpu.memory_space<vmem>>, vector<16xi32>,
        %get3A_295 = vector.shape_cast %get3A_294 : vector<16xi32> to vector<16xi32>
        %shift_right_arithmetic3A_296 = arith.constant 14 : i32
        %shift_right_arithmetic3A_297 = vector.broadcast %shift_right_arithmetic3A_296 : i32 to vector<16xi32>
        %shift_right_arithmetic3A_298 = arith.shrsi %get3A_295, %shift_right_arithmetic3A_297 : vector<16xi32>
        %and3A_299 = arith.constant 16383 : i32
        %and3A_300 = vector.broadcast %and3A_299 : i32 to vector<16xi32>
        %and3A_301 = arith.andi %get3A_295, %and3A_300 : vector<16xi32>
        %mul3A_302 = arith.constant 10000 : i32
        %mul3A_303 = arith.muli %arg0, %mul3A_302 : i32
        %add3A_304 = vector.broadcast %mul3A_303 : i32 to vector<16xi32>
        %add3A_305 = arith.addi %and3A_301, %add3A_304 : vector<16xi32>
        %and3A_306 = arith.constant 1 : i32
        %and3A_307 = vector.broadcast %and3A_306 : i32 to vector<16xi32>
        %and3A_308 = arith.andi %shift_right_arithmetic3A_298, %and3A_307 : vector<16xi32>
        %mul3A_309 = arith.constant 20000 : i32
        %mul3A_310 = vector.broadcast %mul3A_309 : i32 to vector<16xi32>
        %mul3A_311 = arith.muli %and3A_308, %mul3A_310 : vector<16xi32>
        %add3A_312 = arith.addi %add3A_305, %mul3A_311 : vector<16xi32>
        %swap3A_313 = arith.constant 48 : index
        %swap3A_314 = tpu.vector_load %arg12[%swap3A_313] {strides = array<i32>} : memref<128xi32, #tpu.memory_space<vmem>>, vector<16xi32>,
        %swap3A_315 = vector.shape_cast %swap3A_314 : vector<16xi32> to vector<16xi32>
        %swap3A_316 = vector.shape_cast %add3A_312 : vector<16xi32> to vector<16xi32>
        tpu.vector_store %arg12[%swap3A_313], %swap3A_316 {strides = array<i32>} : memref<128xi32, #tpu.memory_space<vmem>>, vector<16xi32>,
        %shift_right_arithmetic3A_317 = arith.constant 1 : i32
        %shift_right_arithmetic3A_318 = vector.broadcast %shift_right_arithmetic3A_317 : i32 to vector<16xi32>
        %shift_right_arithmetic3A_319 = arith.shrsi %shift_right_arithmetic3A_298, %shift_right_arithmetic3A_318 : vector<16xi32>
        %swap3A_320 = arith.constant 48 : index
        %swap3A_321 = tpu.vector_load %arg16[%swap3A_320] {strides = array<i32>} : memref<128xi32, #tpu.memory_space<vmem>>, vector<16xi32>,
        %swap3A_322 = vector.shape_cast %swap3A_321 : vector<16xi32> to vector<16xi32>
        %swap3A_323 = vector.shape_cast %shift_right_arithmetic3A_319 : vector<16xi32> to vector<16xi32>
        tpu.vector_store %arg16[%swap3A_320], %swap3A_323 {strides = array<i32>} : memref<128xi32, #tpu.memory_space<vmem>>, vector<16xi32>,
        %get3A_324 = arith.constant 64 : index
        %get3A_325 = tpu.vector_load %arg8[%get3A_324] {strides = array<i32>} : memref<128xi32, #tpu.memory_space<vmem>>, vector<16xi32>,
        %get3A_326 = vector.shape_cast %get3A_325 : vector<16xi32> to vector<16xi32>
        %shift_right_arithmetic3A_327 = arith.constant 14 : i32
        %shift_right_arithmetic3A_328 = vector.broadcast %shift_right_arithmetic3A_327 : i32 to vector<16xi32>
        %shift_right_arithmetic3A_329 = arith.shrsi %get3A_326, %shift_right_arithmetic3A_328 : vector<16xi32>
        %and3A_330 = arith.constant 16383 : i32
        %and3A_331 = vector.broadcast %and3A_330 : i32 to vector<16xi32>
        %and3A_332 = arith.andi %get3A_326, %and3A_331 : vector<16xi32>
        %mul3A_333 = arith.constant 10000 : i32
        %mul3A_334 = arith.muli %arg0, %mul3A_333 : i32
        %add3A_335 = vector.broadcast %mul3A_334 : i32 to vector<16xi32>
        %add3A_336 = arith.addi %and3A_332, %add3A_335 : vector<16xi32>
        %and3A_337 = arith.constant 1 : i32
        %and3A_338 = vector.broadcast %and3A_337 : i32 to vector<16xi32>
        %and3A_339 = arith.andi %shift_right_arithmetic3A_329, %and3A_338 : vector<16xi32>
        %mul3A_340 = arith.constant 20000 : i32
        %mul3A_341 = vector.broadcast %mul3A_340 : i32 to vector<16xi32>
        %mul3A_342 = arith.muli %and3A_339, %mul3A_341 : vector<16xi32>
        %add3A_343 = arith.addi %add3A_336, %mul3A_342 : vector<16xi32>
        %swap3A_344 = arith.constant 64 : index
        %swap3A_345 = tpu.vector_load %arg12[%swap3A_344] {strides = array<i32>} : memref<128xi32, #tpu.memory_space<vmem>>, vector<16xi32>,
        %swap3A_346 = vector.shape_cast %swap3A_345 : vector<16xi32> to vector<16xi32>
        %swap3A_347 = vector.shape_cast %add3A_343 : vector<16xi32> to vector<16xi32>
        tpu.vector_store %arg12[%swap3A_344], %swap3A_347 {strides = array<i32>} : memref<128xi32, #tpu.memory_space<vmem>>, vector<16xi32>,
        %shift_right_arithmetic3A_348 = arith.constant 1 : i32
        %shift_right_arithmetic3A_349 = vector.broadcast %shift_right_arithmetic3A_348 : i32 to vector<16xi32>
        %shift_right_arithmetic3A_350 = arith.shrsi %shift_right_arithmetic3A_329, %shift_right_arithmetic3A_349 : vector<16xi32>
        %swap3A_351 = arith.constant 64 : index
        %swap3A_352 = tpu.vector_load %arg16[%swap3A_351] {strides = array<i32>} : memref<128xi32, #tpu.memory_space<vmem>>, vector<16xi32>,
        %swap3A_353 = vector.shape_cast %swap3A_352 : vector<16xi32> to vector<16xi32>
        %swap3A_354 = vector.shape_cast %shift_right_arithmetic3A_350 : vector<16xi32> to vector<16xi32>
        tpu.vector_store %arg16[%swap3A_351], %swap3A_354 {strides = array<i32>} : memref<128xi32, #tpu.memory_space<vmem>>, vector<16xi32>,
        %get3A_355 = arith.constant 80 : index
        %get3A_356 = tpu.vector_load %arg8[%get3A_355] {strides = array<i32>} : memref<128xi32, #tpu.memory_space<vmem>>, vector<16xi32>,
        %get3A_357 = vector.shape_cast %get3A_356 : vector<16xi32> to vector<16xi32>
        %shift_right_arithmetic3A_358 = arith.constant 14 : i32
        %shift_right_arithmetic3A_359 = vector.broadcast %shift_right_arithmetic3A_358 : i32 to vector<16xi32>
        %shift_right_arithmetic3A_360 = arith.shrsi %get3A_357, %shift_right_arithmetic3A_359 : vector<16xi32>
        %and3A_361 = arith.constant 16383 : i32
        %and3A_362 = vector.broadcast %and3A_361 : i32 to vector<16xi32>
        %and3A_363 = arith.andi %get3A_357, %and3A_362 : vector<16xi32>
        %mul3A_364 = arith.constant 10000 : i32
        %mul3A_365 = arith.muli %arg0, %mul3A_364 : i32
        %add3A_366 = vector.broadcast %mul3A_365 : i32 to vector<16xi32>
        %add3A_367 = arith.addi %and3A_363, %add3A_366 : vector<16xi32>
        %and3A_368 = arith.constant 1 : i32
        %and3A_369 = vector.broadcast %and3A_368 : i32 to vector<16xi32>
        %and3A_370 = arith.andi %shift_right_arithmetic3A_360, %and3A_369 : vector<16xi32>
        %mul3A_371 = arith.constant 20000 : i32
        %mul3A_372 = vector.broadcast %mul3A_371 : i32 to vector<16xi32>
        %mul3A_373 = arith.muli %and3A_370, %mul3A_372 : vector<16xi32>
        %add3A_374 = arith.addi %add3A_367, %mul3A_373 : vector<16xi32>
        %swap3A_375 = arith.constant 80 : index
        %swap3A_376 = tpu.vector_load %arg12[%swap3A_375] {strides = array<i32>} : memref<128xi32, #tpu.memory_space<vmem>>, vector<16xi32>,
        %swap3A_377 = vector.shape_cast %swap3A_376 : vector<16xi32> to vector<16xi32>
        %swap3A_378 = vector.shape_cast %add3A_374 : vector<16xi32> to vector<16xi32>
        tpu.vector_store %arg12[%swap3A_375], %swap3A_378 {strides = array<i32>} : memref<128xi32, #tpu.memory_space<vmem>>, vector<16xi32>,
        %shift_right_arithmetic3A_379 = arith.constant 1 : i32
        %shift_right_arithmetic3A_380 = vector.broadcast %shift_right_arithmetic3A_379 : i32 to vector<16xi32>
        %shift_right_arithmetic3A_381 = arith.shrsi %shift_right_arithmetic3A_360, %shift_right_arithmetic3A_380 : vector<16xi32>
        %swap3A_382 = arith.constant 80 : index
        %swap3A_383 = tpu.vector_load %arg16[%swap3A_382] {strides = array<i32>} : memref<128xi32, #tpu.memory_space<vmem>>, vector<16xi32>,
        %swap3A_384 = vector.shape_cast %swap3A_383 : vector<16xi32> to vector<16xi32>
        %swap3A_385 = vector.shape_cast %shift_right_arithmetic3A_381 : vector<16xi32> to vector<16xi32>
        tpu.vector_store %arg16[%swap3A_382], %swap3A_385 {strides = array<i32>} : memref<128xi32, #tpu.memory_space<vmem>>, vector<16xi32>,
        %get3A_386 = arith.constant 96 : index
        %get3A_387 = tpu.vector_load %arg8[%get3A_386] {strides = array<i32>} : memref<128xi32, #tpu.memory_space<vmem>>, vector<16xi32>,
        %get3A_388 = vector.shape_cast %get3A_387 : vector<16xi32> to vector<16xi32>
        %shift_right_arithmetic3A_389 = arith.constant 14 : i32
        %shift_right_arithmetic3A_390 = vector.broadcast %shift_right_arithmetic3A_389 : i32 to vector<16xi32>
        %shift_right_arithmetic3A_391 = arith.shrsi %get3A_388, %shift_right_arithmetic3A_390 : vector<16xi32>
        %and3A_392 = arith.constant 16383 : i32
        %and3A_393 = vector.broadcast %and3A_392 : i32 to vector<16xi32>
        %and3A_394 = arith.andi %get3A_388, %and3A_393 : vector<16xi32>
        %mul3A_395 = arith.constant 10000 : i32
        %mul3A_396 = arith.muli %arg0, %mul3A_395 : i32
        %add3A_397 = vector.broadcast %mul3A_396 : i32 to vector<16xi32>
        %add3A_398 = arith.addi %and3A_394, %add3A_397 : vector<16xi32>
        %and3A_399 = arith.constant 1 : i32
        %and3A_400 = vector.broadcast %and3A_399 : i32 to vector<16xi32>
        %and3A_401 = arith.andi %shift_right_arithmetic3A_391, %and3A_400 : vector<16xi32>
        %mul3A_402 = arith.constant 20000 : i32
        %mul3A_403 = vector.broadcast %mul3A_402 : i32 to vector<16xi32>
        %mul3A_404 = arith.muli %and3A_401, %mul3A_403 : vector<16xi32>
        %add3A_405 = arith.addi %add3A_398, %mul3A_404 : vector<16xi32>
        %swap3A_406 = arith.constant 96 : index
        %swap3A_407 = tpu.vector_load %arg12[%swap3A_406] {strides = array<i32>} : memref<128xi32, #tpu.memory_space<vmem>>, vector<16xi32>,
        %swap3A_408 = vector.shape_cast %swap3A_407 : vector<16xi32> to vector<16xi32>
        %swap3A_409 = vector.shape_cast %add3A_405 : vector<16xi32> to vector<16xi32>
        tpu.vector_store %arg12[%swap3A_406], %swap3A_409 {strides = array<i32>} : memref<128xi32, #tpu.memory_space<vmem>>, vector<16xi32>,
        %shift_right_arithmetic3A_410 = arith.constant 1 : i32
        %shift_right_arithmetic3A_411 = vector.broadcast %shift_right_arithmetic3A_410 : i32 to vector<16xi32>
        %shift_right_arithmetic3A_412 = arith.shrsi %shift_right_arithmetic3A_391, %shift_right_arithmetic3A_411 : vector<16xi32>
        %swap3A_413 = arith.constant 96 : index
        %swap3A_414 = tpu.vector_load %arg16[%swap3A_413] {strides = array<i32>} : memref<128xi32, #tpu.memory_space<vmem>>, vector<16xi32>,
        %swap3A_415 = vector.shape_cast %swap3A_414 : vector<16xi32> to vector<16xi32>
        %swap3A_416 = vector.shape_cast %shift_right_arithmetic3A_412 : vector<16xi32> to vector<16xi32>
        tpu.vector_store %arg16[%swap3A_413], %swap3A_416 {strides = array<i32>} : memref<128xi32, #tpu.memory_space<vmem>>, vector<16xi32>,
        %get3A_417 = arith.constant 112 : index
        %get3A_418 = tpu.vector_load %arg8[%get3A_417] {strides = array<i32>} : memref<128xi32, #tpu.memory_space<vmem>>, vector<16xi32>,
        %get3A_419 = vector.shape_cast %get3A_418 : vector<16xi32> to vector<16xi32>
        %shift_right_arithmetic3A_420 = arith.constant 14 : i32
        %shift_right_arithmetic3A_421 = vector.broadcast %shift_right_arithmetic3A_420 : i32 to vector<16xi32>
        %shift_right_arithmetic3A_422 = arith.shrsi %get3A_419, %shift_right_arithmetic3A_421 : vector<16xi32>
        %and3A_423 = arith.constant 16383 : i32
        %and3A_424 = vector.broadcast %and3A_423 : i32 to vector<16xi32>
        %and3A_425 = arith.andi %get3A_419, %and3A_424 : vector<16xi32>
        %mul3A_426 = arith.constant 10000 : i32
        %mul3A_427 = arith.muli %arg0, %mul3A_426 : i32
        %add3A_428 = vector.broadcast %mul3A_427 : i32 to vector<16xi32>
        %add3A_429 = arith.addi %and3A_425, %add3A_428 : vector<16xi32>
        %and3A_430 = arith.constant 1 : i32
        %and3A_431 = vector.broadcast %and3A_430 : i32 to vector<16xi32>
        %and3A_432 = arith.andi %shift_right_arithmetic3A_422, %and3A_431 : vector<16xi32>
        %mul3A_433 = arith.constant 20000 : i32
        %mul3A_434 = vector.broadcast %mul3A_433 : i32 to vector<16xi32>
        %mul3A_435 = arith.muli %and3A_432, %mul3A_434 : vector<16xi32>
        %add3A_436 = arith.addi %add3A_429, %mul3A_435 : vector<16xi32>
        %swap3A_437 = arith.constant 112 : index
        %swap3A_438 = tpu.vector_load %arg12[%swap3A_437] {strides = array<i32>} : memref<128xi32, #tpu.memory_space<vmem>>, vector<16xi32>,
        %swap3A_439 = vector.shape_cast %swap3A_438 : vector<16xi32> to vector<16xi32>
        %swap3A_440 = vector.shape_cast %add3A_436 : vector<16xi32> to vector<16xi32>
        tpu.vector_store %arg12[%swap3A_437], %swap3A_440 {strides = array<i32>} : memref<128xi32, #tpu.memory_space<vmem>>, vector<16xi32>,
        %shift_right_arithmetic3A_441 = arith.constant 1 : i32
        %shift_right_arithmetic3A_442 = vector.broadcast %shift_right_arithmetic3A_441 : i32 to vector<16xi32>
        %shift_right_arithmetic3A_443 = arith.shrsi %shift_right_arithmetic3A_422, %shift_right_arithmetic3A_442 : vector<16xi32>
        %swap3A_444 = arith.constant 112 : index
        %swap3A_445 = tpu.vector_load %arg16[%swap3A_444] {strides = array<i32>} : memref<128xi32, #tpu.memory_space<vmem>>, vector<16xi32>,
        %swap3A_446 = vector.shape_cast %swap3A_445 : vector<16xi32> to vector<16xi32>
        %swap3A_447 = vector.shape_cast %shift_right_arithmetic3A_443 : vector<16xi32> to vector<16xi32>
        tpu.vector_store %arg16[%swap3A_444], %swap3A_447 {strides = array<i32>} : memref<128xi32, #tpu.memory_space<vmem>>, vector<16xi32>,
        %dma_start3A = arith.constant 0 : i32
        %dma_start3A_448 = arith.constant 0 : i32
        %dma_start3A_449 = tpu.memref_slice %arg4[%dma_start3A, %dma_start3A_448] : memref<40000x128xf32, #tpu.memory_space<hbm>> -> memref<40000x128xf32, #tpu.memory_space<hbm>>
        tpu.enqueue_indirect_dma source(%dma_start3A_449 : memref<40000x128xf32, #tpu.memory_space<hbm>>) target(%arg20 : memref<128x128xf32, #tpu.memory_space<vmem>>) offsets(%arg12 : memref<128xi32, #tpu.memory_space<vmem>>) semaphore(%arg25 : memref<!tpu.dma_semaphore, #tpu.memory_space<semaphore_mem>>)
      } else {
      }
      %sub3A_124 = arith.constant 1 : i32
      %sub3A_125 = arith.subi %add3A_39, %sub3A_124 : i32
      %mul3A_126 = arith.constant 4 : i32
      %mul3A_127 = arith.muli %mul3A_126, %sub3A_125 : i32
      %add3A_128 = arith.constant 3 : i32
      %add3A_129 = arith.addi %mul3A_127, %add3A_128 : i32
      %mul3A_130 = arith.constant 16 : i32
      %mul3A_131 = arith.muli %add3A_129, %mul3A_130 : i32
      %add3A_132 = arith.addi %arg1, %mul3A_131 : i32
      %gt3A_133 = arith.constant 0 : i32
      %gt3A_134 = arith.cmpi sgt, %add3A_39, %gt3A_133 : i32
      %lt3A_135 = arith.constant 2500 : i32
      %lt3A_136 = arith.cmpi slt, %add3A_132, %lt3A_135 : i32
      %and3A_137 = arith.andi %gt3A_134, %lt3A_136 : i1
      %convert_element_type3A_138 = arith.extui %and3A_137 : i1 to i32
      %cond3A_139 = arith.constant 0 : i32
      %cond3A_140 = arith.cmpi ne, %convert_element_type3A_138, %cond3A_139 : i32
      scf.if %cond3A_140 {
        %dma_wait3A = arith.constant 0 : i32
        %dma_wait3A_201 = arith.constant 0 : i32
        %dma_wait3A_202 = tpu.memref_slice %arg22[%dma_wait3A, %dma_wait3A_201] : memref<5008x128xf32, #tpu.memory_space<vmem_shared>> -> memref<5008x128xf32, #tpu.memory_space<vmem_shared>>
        tpu.wait_indirect_dma semaphore(%arg30 : memref<!tpu.dma_semaphore, #tpu.memory_space<semaphore_mem>>) src(%arg21 : memref<128x128xf32, #tpu.memory_space<vmem>>) dst(%dma_wait3A_202 : memref<5008x128xf32, #tpu.memory_space<vmem_shared>>)
      } else {
      }
      %mul3A_141 = arith.constant 4 : i32
      %mul3A_142 = arith.muli %mul3A_141, %add3A_39 : i32
      %add3A_143 = arith.constant 3 : i32
      %add3A_144 = arith.addi %mul3A_142, %add3A_143 : i32
      %mul3A_145 = arith.constant 16 : i32
      %mul3A_146 = arith.muli %add3A_144, %mul3A_145 : i32
      %add3A_147 = arith.addi %arg1, %mul3A_146 : i32
      %lt3A_148 = arith.constant 2500 : i32
      %lt3A_149 = arith.cmpi slt, %add3A_147, %lt3A_148 : i32
      %convert_element_type3A_150 = arith.extui %lt3A_149 : i1 to i32
      %cond3A_151 = arith.constant 0 : i32
      %cond3A_152 = arith.cmpi ne, %convert_element_type3A_150, %cond3A_151 : i32
      scf.if %cond3A_152 {
        %mul3A_201 = arith.constant 128 : i32
        %mul3A_202 = arith.muli %add3A_147, %mul3A_201 : i32
        "tpu.region"() ({
          %run_scoped3A = tpu.sem_alloc : memref<!tpu.dma_semaphore, #tpu.memory_space<semaphore_mem>>
          %dma_start3A_450 = tpu.memref_slice %arg2[%mul3A_202] : memref<320000xi32, #tpu.memory_space<hbm>> -> memref<128xi32, #tpu.memory_space<hbm>>
          %dma_start3A_451 = tpu.memref_slice %arg2[%mul3A_202] : memref<320000xi32, #tpu.memory_space<hbm>> -> memref<128xi32, #tpu.memory_space<hbm>>
          tpu.enqueue_dma source(%dma_start3A_451 : memref<128xi32, #tpu.memory_space<hbm>>) target(%arg9 : memref<128xi32, #tpu.memory_space<vmem>>) target_semaphore(%run_scoped3A : memref<!tpu.dma_semaphore, #tpu.memory_space<semaphore_mem>>)
          %dma_wait3A = tpu.memref_slice %arg2[%mul3A_202] : memref<320000xi32, #tpu.memory_space<hbm>> -> memref<128xi32, #tpu.memory_space<hbm>>
          %dma_wait3A_452 = tpu.memref_slice %arg2[%mul3A_202] : memref<320000xi32, #tpu.memory_space<hbm>> -> memref<128xi32, #tpu.memory_space<hbm>>
          tpu.wait_dma2 semaphore(%run_scoped3A : memref<!tpu.dma_semaphore, #tpu.memory_space<semaphore_mem>>) src(%dma_wait3A_452 : memref<128xi32, #tpu.memory_space<hbm>>) dst(%arg9 : memref<128xi32, #tpu.memory_space<vmem>>)
          tpu.yield
        }) : () -> ()
        %get3A = arith.constant 0 : index
        %get3A_203 = tpu.vector_load %arg9[%get3A] {strides = array<i32>} : memref<128xi32, #tpu.memory_space<vmem>>, vector<16xi32>,
        %get3A_204 = vector.shape_cast %get3A_203 : vector<16xi32> to vector<16xi32>
        %shift_right_arithmetic3A = arith.constant 14 : i32
        %shift_right_arithmetic3A_205 = vector.broadcast %shift_right_arithmetic3A : i32 to vector<16xi32>
        %shift_right_arithmetic3A_206 = arith.shrsi %get3A_204, %shift_right_arithmetic3A_205 : vector<16xi32>
        %and3A_207 = arith.constant 16383 : i32
        %and3A_208 = vector.broadcast %and3A_207 : i32 to vector<16xi32>
        %and3A_209 = arith.andi %get3A_204, %and3A_208 : vector<16xi32>
        %mul3A_210 = arith.constant 10000 : i32
        %mul3A_211 = arith.muli %arg0, %mul3A_210 : i32
        %add3A_212 = vector.broadcast %mul3A_211 : i32 to vector<16xi32>
        %add3A_213 = arith.addi %and3A_209, %add3A_212 : vector<16xi32>
        %and3A_214 = arith.constant 1 : i32
        %and3A_215 = vector.broadcast %and3A_214 : i32 to vector<16xi32>
        %and3A_216 = arith.andi %shift_right_arithmetic3A_206, %and3A_215 : vector<16xi32>
        %mul3A_217 = arith.constant 20000 : i32
        %mul3A_218 = vector.broadcast %mul3A_217 : i32 to vector<16xi32>
        %mul3A_219 = arith.muli %and3A_216, %mul3A_218 : vector<16xi32>
        %add3A_220 = arith.addi %add3A_213, %mul3A_219 : vector<16xi32>
        %swap3A = arith.constant 0 : index
        %swap3A_221 = tpu.vector_load %arg13[%swap3A] {strides = array<i32>} : memref<128xi32, #tpu.memory_space<vmem>>, vector<16xi32>,
        %swap3A_222 = vector.shape_cast %swap3A_221 : vector<16xi32> to vector<16xi32>
        %swap3A_223 = vector.shape_cast %add3A_220 : vector<16xi32> to vector<16xi32>
        tpu.vector_store %arg13[%swap3A], %swap3A_223 {strides = array<i32>} : memref<128xi32, #tpu.memory_space<vmem>>, vector<16xi32>,
        %shift_right_arithmetic3A_224 = arith.constant 1 : i32
        %shift_right_arithmetic3A_225 = vector.broadcast %shift_right_arithmetic3A_224 : i32 to vector<16xi32>
        %shift_right_arithmetic3A_226 = arith.shrsi %shift_right_arithmetic3A_206, %shift_right_arithmetic3A_225 : vector<16xi32>
        %swap3A_227 = arith.constant 0 : index
        %swap3A_228 = tpu.vector_load %arg17[%swap3A_227] {strides = array<i32>} : memref<128xi32, #tpu.memory_space<vmem>>, vector<16xi32>,
        %swap3A_229 = vector.shape_cast %swap3A_228 : vector<16xi32> to vector<16xi32>
        %swap3A_230 = vector.shape_cast %shift_right_arithmetic3A_226 : vector<16xi32> to vector<16xi32>
        tpu.vector_store %arg17[%swap3A_227], %swap3A_230 {strides = array<i32>} : memref<128xi32, #tpu.memory_space<vmem>>, vector<16xi32>,
        %get3A_231 = arith.constant 16 : index
        %get3A_232 = tpu.vector_load %arg9[%get3A_231] {strides = array<i32>} : memref<128xi32, #tpu.memory_space<vmem>>, vector<16xi32>,
        %get3A_233 = vector.shape_cast %get3A_232 : vector<16xi32> to vector<16xi32>
        %shift_right_arithmetic3A_234 = arith.constant 14 : i32
        %shift_right_arithmetic3A_235 = vector.broadcast %shift_right_arithmetic3A_234 : i32 to vector<16xi32>
        %shift_right_arithmetic3A_236 = arith.shrsi %get3A_233, %shift_right_arithmetic3A_235 : vector<16xi32>
        %and3A_237 = arith.constant 16383 : i32
        %and3A_238 = vector.broadcast %and3A_237 : i32 to vector<16xi32>
        %and3A_239 = arith.andi %get3A_233, %and3A_238 : vector<16xi32>
        %mul3A_240 = arith.constant 10000 : i32
        %mul3A_241 = arith.muli %arg0, %mul3A_240 : i32
        %add3A_242 = vector.broadcast %mul3A_241 : i32 to vector<16xi32>
        %add3A_243 = arith.addi %and3A_239, %add3A_242 : vector<16xi32>
        %and3A_244 = arith.constant 1 : i32
        %and3A_245 = vector.broadcast %and3A_244 : i32 to vector<16xi32>
        %and3A_246 = arith.andi %shift_right_arithmetic3A_236, %and3A_245 : vector<16xi32>
        %mul3A_247 = arith.constant 20000 : i32
        %mul3A_248 = vector.broadcast %mul3A_247 : i32 to vector<16xi32>
        %mul3A_249 = arith.muli %and3A_246, %mul3A_248 : vector<16xi32>
        %add3A_250 = arith.addi %add3A_243, %mul3A_249 : vector<16xi32>
        %swap3A_251 = arith.constant 16 : index
        %swap3A_252 = tpu.vector_load %arg13[%swap3A_251] {strides = array<i32>} : memref<128xi32, #tpu.memory_space<vmem>>, vector<16xi32>,
        %swap3A_253 = vector.shape_cast %swap3A_252 : vector<16xi32> to vector<16xi32>
        %swap3A_254 = vector.shape_cast %add3A_250 : vector<16xi32> to vector<16xi32>
        tpu.vector_store %arg13[%swap3A_251], %swap3A_254 {strides = array<i32>} : memref<128xi32, #tpu.memory_space<vmem>>, vector<16xi32>,
        %shift_right_arithmetic3A_255 = arith.constant 1 : i32
        %shift_right_arithmetic3A_256 = vector.broadcast %shift_right_arithmetic3A_255 : i32 to vector<16xi32>
        %shift_right_arithmetic3A_257 = arith.shrsi %shift_right_arithmetic3A_236, %shift_right_arithmetic3A_256 : vector<16xi32>
        %swap3A_258 = arith.constant 16 : index
        %swap3A_259 = tpu.vector_load %arg17[%swap3A_258] {strides = array<i32>} : memref<128xi32, #tpu.memory_space<vmem>>, vector<16xi32>,
        %swap3A_260 = vector.shape_cast %swap3A_259 : vector<16xi32> to vector<16xi32>
        %swap3A_261 = vector.shape_cast %shift_right_arithmetic3A_257 : vector<16xi32> to vector<16xi32>
        tpu.vector_store %arg17[%swap3A_258], %swap3A_261 {strides = array<i32>} : memref<128xi32, #tpu.memory_space<vmem>>, vector<16xi32>,
        %get3A_262 = arith.constant 32 : index
        %get3A_263 = tpu.vector_load %arg9[%get3A_262] {strides = array<i32>} : memref<128xi32, #tpu.memory_space<vmem>>, vector<16xi32>,
        %get3A_264 = vector.shape_cast %get3A_263 : vector<16xi32> to vector<16xi32>
        %shift_right_arithmetic3A_265 = arith.constant 14 : i32
        %shift_right_arithmetic3A_266 = vector.broadcast %shift_right_arithmetic3A_265 : i32 to vector<16xi32>
        %shift_right_arithmetic3A_267 = arith.shrsi %get3A_264, %shift_right_arithmetic3A_266 : vector<16xi32>
        %and3A_268 = arith.constant 16383 : i32
        %and3A_269 = vector.broadcast %and3A_268 : i32 to vector<16xi32>
        %and3A_270 = arith.andi %get3A_264, %and3A_269 : vector<16xi32>
        %mul3A_271 = arith.constant 10000 : i32
        %mul3A_272 = arith.muli %arg0, %mul3A_271 : i32
        %add3A_273 = vector.broadcast %mul3A_272 : i32 to vector<16xi32>
        %add3A_274 = arith.addi %and3A_270, %add3A_273 : vector<16xi32>
        %and3A_275 = arith.constant 1 : i32
        %and3A_276 = vector.broadcast %and3A_275 : i32 to vector<16xi32>
        %and3A_277 = arith.andi %shift_right_arithmetic3A_267, %and3A_276 : vector<16xi32>
        %mul3A_278 = arith.constant 20000 : i32
        %mul3A_279 = vector.broadcast %mul3A_278 : i32 to vector<16xi32>
        %mul3A_280 = arith.muli %and3A_277, %mul3A_279 : vector<16xi32>
        %add3A_281 = arith.addi %add3A_274, %mul3A_280 : vector<16xi32>
        %swap3A_282 = arith.constant 32 : index
        %swap3A_283 = tpu.vector_load %arg13[%swap3A_282] {strides = array<i32>} : memref<128xi32, #tpu.memory_space<vmem>>, vector<16xi32>,
        %swap3A_284 = vector.shape_cast %swap3A_283 : vector<16xi32> to vector<16xi32>
        %swap3A_285 = vector.shape_cast %add3A_281 : vector<16xi32> to vector<16xi32>
        tpu.vector_store %arg13[%swap3A_282], %swap3A_285 {strides = array<i32>} : memref<128xi32, #tpu.memory_space<vmem>>, vector<16xi32>,
        %shift_right_arithmetic3A_286 = arith.constant 1 : i32
        %shift_right_arithmetic3A_287 = vector.broadcast %shift_right_arithmetic3A_286 : i32 to vector<16xi32>
        %shift_right_arithmetic3A_288 = arith.shrsi %shift_right_arithmetic3A_267, %shift_right_arithmetic3A_287 : vector<16xi32>
        %swap3A_289 = arith.constant 32 : index
        %swap3A_290 = tpu.vector_load %arg17[%swap3A_289] {strides = array<i32>} : memref<128xi32, #tpu.memory_space<vmem>>, vector<16xi32>,
        %swap3A_291 = vector.shape_cast %swap3A_290 : vector<16xi32> to vector<16xi32>
        %swap3A_292 = vector.shape_cast %shift_right_arithmetic3A_288 : vector<16xi32> to vector<16xi32>
        tpu.vector_store %arg17[%swap3A_289], %swap3A_292 {strides = array<i32>} : memref<128xi32, #tpu.memory_space<vmem>>, vector<16xi32>,
        %get3A_293 = arith.constant 48 : index
        %get3A_294 = tpu.vector_load %arg9[%get3A_293] {strides = array<i32>} : memref<128xi32, #tpu.memory_space<vmem>>, vector<16xi32>,
        %get3A_295 = vector.shape_cast %get3A_294 : vector<16xi32> to vector<16xi32>
        %shift_right_arithmetic3A_296 = arith.constant 14 : i32
        %shift_right_arithmetic3A_297 = vector.broadcast %shift_right_arithmetic3A_296 : i32 to vector<16xi32>
        %shift_right_arithmetic3A_298 = arith.shrsi %get3A_295, %shift_right_arithmetic3A_297 : vector<16xi32>
        %and3A_299 = arith.constant 16383 : i32
        %and3A_300 = vector.broadcast %and3A_299 : i32 to vector<16xi32>
        %and3A_301 = arith.andi %get3A_295, %and3A_300 : vector<16xi32>
        %mul3A_302 = arith.constant 10000 : i32
        %mul3A_303 = arith.muli %arg0, %mul3A_302 : i32
        %add3A_304 = vector.broadcast %mul3A_303 : i32 to vector<16xi32>
        %add3A_305 = arith.addi %and3A_301, %add3A_304 : vector<16xi32>
        %and3A_306 = arith.constant 1 : i32
        %and3A_307 = vector.broadcast %and3A_306 : i32 to vector<16xi32>
        %and3A_308 = arith.andi %shift_right_arithmetic3A_298, %and3A_307 : vector<16xi32>
        %mul3A_309 = arith.constant 20000 : i32
        %mul3A_310 = vector.broadcast %mul3A_309 : i32 to vector<16xi32>
        %mul3A_311 = arith.muli %and3A_308, %mul3A_310 : vector<16xi32>
        %add3A_312 = arith.addi %add3A_305, %mul3A_311 : vector<16xi32>
        %swap3A_313 = arith.constant 48 : index
        %swap3A_314 = tpu.vector_load %arg13[%swap3A_313] {strides = array<i32>} : memref<128xi32, #tpu.memory_space<vmem>>, vector<16xi32>,
        %swap3A_315 = vector.shape_cast %swap3A_314 : vector<16xi32> to vector<16xi32>
        %swap3A_316 = vector.shape_cast %add3A_312 : vector<16xi32> to vector<16xi32>
        tpu.vector_store %arg13[%swap3A_313], %swap3A_316 {strides = array<i32>} : memref<128xi32, #tpu.memory_space<vmem>>, vector<16xi32>,
        %shift_right_arithmetic3A_317 = arith.constant 1 : i32
        %shift_right_arithmetic3A_318 = vector.broadcast %shift_right_arithmetic3A_317 : i32 to vector<16xi32>
        %shift_right_arithmetic3A_319 = arith.shrsi %shift_right_arithmetic3A_298, %shift_right_arithmetic3A_318 : vector<16xi32>
        %swap3A_320 = arith.constant 48 : index
        %swap3A_321 = tpu.vector_load %arg17[%swap3A_320] {strides = array<i32>} : memref<128xi32, #tpu.memory_space<vmem>>, vector<16xi32>,
        %swap3A_322 = vector.shape_cast %swap3A_321 : vector<16xi32> to vector<16xi32>
        %swap3A_323 = vector.shape_cast %shift_right_arithmetic3A_319 : vector<16xi32> to vector<16xi32>
        tpu.vector_store %arg17[%swap3A_320], %swap3A_323 {strides = array<i32>} : memref<128xi32, #tpu.memory_space<vmem>>, vector<16xi32>,
        %get3A_324 = arith.constant 64 : index
        %get3A_325 = tpu.vector_load %arg9[%get3A_324] {strides = array<i32>} : memref<128xi32, #tpu.memory_space<vmem>>, vector<16xi32>,
        %get3A_326 = vector.shape_cast %get3A_325 : vector<16xi32> to vector<16xi32>
        %shift_right_arithmetic3A_327 = arith.constant 14 : i32
        %shift_right_arithmetic3A_328 = vector.broadcast %shift_right_arithmetic3A_327 : i32 to vector<16xi32>
        %shift_right_arithmetic3A_329 = arith.shrsi %get3A_326, %shift_right_arithmetic3A_328 : vector<16xi32>
        %and3A_330 = arith.constant 16383 : i32
        %and3A_331 = vector.broadcast %and3A_330 : i32 to vector<16xi32>
        %and3A_332 = arith.andi %get3A_326, %and3A_331 : vector<16xi32>
        %mul3A_333 = arith.constant 10000 : i32
        %mul3A_334 = arith.muli %arg0, %mul3A_333 : i32
        %add3A_335 = vector.broadcast %mul3A_334 : i32 to vector<16xi32>
        %add3A_336 = arith.addi %and3A_332, %add3A_335 : vector<16xi32>
        %and3A_337 = arith.constant 1 : i32
        %and3A_338 = vector.broadcast %and3A_337 : i32 to vector<16xi32>
        %and3A_339 = arith.andi %shift_right_arithmetic3A_329, %and3A_338 : vector<16xi32>
        %mul3A_340 = arith.constant 20000 : i32
        %mul3A_341 = vector.broadcast %mul3A_340 : i32 to vector<16xi32>
        %mul3A_342 = arith.muli %and3A_339, %mul3A_341 : vector<16xi32>
        %add3A_343 = arith.addi %add3A_336, %mul3A_342 : vector<16xi32>
        %swap3A_344 = arith.constant 64 : index
        %swap3A_345 = tpu.vector_load %arg13[%swap3A_344] {strides = array<i32>} : memref<128xi32, #tpu.memory_space<vmem>>, vector<16xi32>,
        %swap3A_346 = vector.shape_cast %swap3A_345 : vector<16xi32> to vector<16xi32>
        %swap3A_347 = vector.shape_cast %add3A_343 : vector<16xi32> to vector<16xi32>
        tpu.vector_store %arg13[%swap3A_344], %swap3A_347 {strides = array<i32>} : memref<128xi32, #tpu.memory_space<vmem>>, vector<16xi32>,
        %shift_right_arithmetic3A_348 = arith.constant 1 : i32
        %shift_right_arithmetic3A_349 = vector.broadcast %shift_right_arithmetic3A_348 : i32 to vector<16xi32>
        %shift_right_arithmetic3A_350 = arith.shrsi %shift_right_arithmetic3A_329, %shift_right_arithmetic3A_349 : vector<16xi32>
        %swap3A_351 = arith.constant 64 : index
        %swap3A_352 = tpu.vector_load %arg17[%swap3A_351] {strides = array<i32>} : memref<128xi32, #tpu.memory_space<vmem>>, vector<16xi32>,
        %swap3A_353 = vector.shape_cast %swap3A_352 : vector<16xi32> to vector<16xi32>
        %swap3A_354 = vector.shape_cast %shift_right_arithmetic3A_350 : vector<16xi32> to vector<16xi32>
        tpu.vector_store %arg17[%swap3A_351], %swap3A_354 {strides = array<i32>} : memref<128xi32, #tpu.memory_space<vmem>>, vector<16xi32>,
        %get3A_355 = arith.constant 80 : index
        %get3A_356 = tpu.vector_load %arg9[%get3A_355] {strides = array<i32>} : memref<128xi32, #tpu.memory_space<vmem>>, vector<16xi32>,
        %get3A_357 = vector.shape_cast %get3A_356 : vector<16xi32> to vector<16xi32>
        %shift_right_arithmetic3A_358 = arith.constant 14 : i32
        %shift_right_arithmetic3A_359 = vector.broadcast %shift_right_arithmetic3A_358 : i32 to vector<16xi32>
        %shift_right_arithmetic3A_360 = arith.shrsi %get3A_357, %shift_right_arithmetic3A_359 : vector<16xi32>
        %and3A_361 = arith.constant 16383 : i32
        %and3A_362 = vector.broadcast %and3A_361 : i32 to vector<16xi32>
        %and3A_363 = arith.andi %get3A_357, %and3A_362 : vector<16xi32>
        %mul3A_364 = arith.constant 10000 : i32
        %mul3A_365 = arith.muli %arg0, %mul3A_364 : i32
        %add3A_366 = vector.broadcast %mul3A_365 : i32 to vector<16xi32>
        %add3A_367 = arith.addi %and3A_363, %add3A_366 : vector<16xi32>
        %and3A_368 = arith.constant 1 : i32
        %and3A_369 = vector.broadcast %and3A_368 : i32 to vector<16xi32>
        %and3A_370 = arith.andi %shift_right_arithmetic3A_360, %and3A_369 : vector<16xi32>
        %mul3A_371 = arith.constant 20000 : i32
        %mul3A_372 = vector.broadcast %mul3A_371 : i32 to vector<16xi32>
        %mul3A_373 = arith.muli %and3A_370, %mul3A_372 : vector<16xi32>
        %add3A_374 = arith.addi %add3A_367, %mul3A_373 : vector<16xi32>
        %swap3A_375 = arith.constant 80 : index
        %swap3A_376 = tpu.vector_load %arg13[%swap3A_375] {strides = array<i32>} : memref<128xi32, #tpu.memory_space<vmem>>, vector<16xi32>,
        %swap3A_377 = vector.shape_cast %swap3A_376 : vector<16xi32> to vector<16xi32>
        %swap3A_378 = vector.shape_cast %add3A_374 : vector<16xi32> to vector<16xi32>
        tpu.vector_store %arg13[%swap3A_375], %swap3A_378 {strides = array<i32>} : memref<128xi32, #tpu.memory_space<vmem>>, vector<16xi32>,
        %shift_right_arithmetic3A_379 = arith.constant 1 : i32
        %shift_right_arithmetic3A_380 = vector.broadcast %shift_right_arithmetic3A_379 : i32 to vector<16xi32>
        %shift_right_arithmetic3A_381 = arith.shrsi %shift_right_arithmetic3A_360, %shift_right_arithmetic3A_380 : vector<16xi32>
        %swap3A_382 = arith.constant 80 : index
        %swap3A_383 = tpu.vector_load %arg17[%swap3A_382] {strides = array<i32>} : memref<128xi32, #tpu.memory_space<vmem>>, vector<16xi32>,
        %swap3A_384 = vector.shape_cast %swap3A_383 : vector<16xi32> to vector<16xi32>
        %swap3A_385 = vector.shape_cast %shift_right_arithmetic3A_381 : vector<16xi32> to vector<16xi32>
        tpu.vector_store %arg17[%swap3A_382], %swap3A_385 {strides = array<i32>} : memref<128xi32, #tpu.memory_space<vmem>>, vector<16xi32>,
        %get3A_386 = arith.constant 96 : index
        %get3A_387 = tpu.vector_load %arg9[%get3A_386] {strides = array<i32>} : memref<128xi32, #tpu.memory_space<vmem>>, vector<16xi32>,
        %get3A_388 = vector.shape_cast %get3A_387 : vector<16xi32> to vector<16xi32>
        %shift_right_arithmetic3A_389 = arith.constant 14 : i32
        %shift_right_arithmetic3A_390 = vector.broadcast %shift_right_arithmetic3A_389 : i32 to vector<16xi32>
        %shift_right_arithmetic3A_391 = arith.shrsi %get3A_388, %shift_right_arithmetic3A_390 : vector<16xi32>
        %and3A_392 = arith.constant 16383 : i32
        %and3A_393 = vector.broadcast %and3A_392 : i32 to vector<16xi32>
        %and3A_394 = arith.andi %get3A_388, %and3A_393 : vector<16xi32>
        %mul3A_395 = arith.constant 10000 : i32
        %mul3A_396 = arith.muli %arg0, %mul3A_395 : i32
        %add3A_397 = vector.broadcast %mul3A_396 : i32 to vector<16xi32>
        %add3A_398 = arith.addi %and3A_394, %add3A_397 : vector<16xi32>
        %and3A_399 = arith.constant 1 : i32
        %and3A_400 = vector.broadcast %and3A_399 : i32 to vector<16xi32>
        %and3A_401 = arith.andi %shift_right_arithmetic3A_391, %and3A_400 : vector<16xi32>
        %mul3A_402 = arith.constant 20000 : i32
        %mul3A_403 = vector.broadcast %mul3A_402 : i32 to vector<16xi32>
        %mul3A_404 = arith.muli %and3A_401, %mul3A_403 : vector<16xi32>
        %add3A_405 = arith.addi %add3A_398, %mul3A_404 : vector<16xi32>
        %swap3A_406 = arith.constant 96 : index
        %swap3A_407 = tpu.vector_load %arg13[%swap3A_406] {strides = array<i32>} : memref<128xi32, #tpu.memory_space<vmem>>, vector<16xi32>,
        %swap3A_408 = vector.shape_cast %swap3A_407 : vector<16xi32> to vector<16xi32>
        %swap3A_409 = vector.shape_cast %add3A_405 : vector<16xi32> to vector<16xi32>
        tpu.vector_store %arg13[%swap3A_406], %swap3A_409 {strides = array<i32>} : memref<128xi32, #tpu.memory_space<vmem>>, vector<16xi32>,
        %shift_right_arithmetic3A_410 = arith.constant 1 : i32
        %shift_right_arithmetic3A_411 = vector.broadcast %shift_right_arithmetic3A_410 : i32 to vector<16xi32>
        %shift_right_arithmetic3A_412 = arith.shrsi %shift_right_arithmetic3A_391, %shift_right_arithmetic3A_411 : vector<16xi32>
        %swap3A_413 = arith.constant 96 : index
        %swap3A_414 = tpu.vector_load %arg17[%swap3A_413] {strides = array<i32>} : memref<128xi32, #tpu.memory_space<vmem>>, vector<16xi32>,
        %swap3A_415 = vector.shape_cast %swap3A_414 : vector<16xi32> to vector<16xi32>
        %swap3A_416 = vector.shape_cast %shift_right_arithmetic3A_412 : vector<16xi32> to vector<16xi32>
        tpu.vector_store %arg17[%swap3A_413], %swap3A_416 {strides = array<i32>} : memref<128xi32, #tpu.memory_space<vmem>>, vector<16xi32>,
        %get3A_417 = arith.constant 112 : index
        %get3A_418 = tpu.vector_load %arg9[%get3A_417] {strides = array<i32>} : memref<128xi32, #tpu.memory_space<vmem>>, vector<16xi32>,
        %get3A_419 = vector.shape_cast %get3A_418 : vector<16xi32> to vector<16xi32>
        %shift_right_arithmetic3A_420 = arith.constant 14 : i32
        %shift_right_arithmetic3A_421 = vector.broadcast %shift_right_arithmetic3A_420 : i32 to vector<16xi32>
        %shift_right_arithmetic3A_422 = arith.shrsi %get3A_419, %shift_right_arithmetic3A_421 : vector<16xi32>
        %and3A_423 = arith.constant 16383 : i32
        %and3A_424 = vector.broadcast %and3A_423 : i32 to vector<16xi32>
        %and3A_425 = arith.andi %get3A_419, %and3A_424 : vector<16xi32>
        %mul3A_426 = arith.constant 10000 : i32
        %mul3A_427 = arith.muli %arg0, %mul3A_426 : i32
        %add3A_428 = vector.broadcast %mul3A_427 : i32 to vector<16xi32>
        %add3A_429 = arith.addi %and3A_425, %add3A_428 : vector<16xi32>
        %and3A_430 = arith.constant 1 : i32
        %and3A_431 = vector.broadcast %and3A_430 : i32 to vector<16xi32>
        %and3A_432 = arith.andi %shift_right_arithmetic3A_422, %and3A_431 : vector<16xi32>
        %mul3A_433 = arith.constant 20000 : i32
        %mul3A_434 = vector.broadcast %mul3A_433 : i32 to vector<16xi32>
        %mul3A_435 = arith.muli %and3A_432, %mul3A_434 : vector<16xi32>
        %add3A_436 = arith.addi %add3A_429, %mul3A_435 : vector<16xi32>
        %swap3A_437 = arith.constant 112 : index
        %swap3A_438 = tpu.vector_load %arg13[%swap3A_437] {strides = array<i32>} : memref<128xi32, #tpu.memory_space<vmem>>, vector<16xi32>,
        %swap3A_439 = vector.shape_cast %swap3A_438 : vector<16xi32> to vector<16xi32>
        %swap3A_440 = vector.shape_cast %add3A_436 : vector<16xi32> to vector<16xi32>
        tpu.vector_store %arg13[%swap3A_437], %swap3A_440 {strides = array<i32>} : memref<128xi32, #tpu.memory_space<vmem>>, vector<16xi32>,
        %shift_right_arithmetic3A_441 = arith.constant 1 : i32
        %shift_right_arithmetic3A_442 = vector.broadcast %shift_right_arithmetic3A_441 : i32 to vector<16xi32>
        %shift_right_arithmetic3A_443 = arith.shrsi %shift_right_arithmetic3A_422, %shift_right_arithmetic3A_442 : vector<16xi32>
        %swap3A_444 = arith.constant 112 : index
        %swap3A_445 = tpu.vector_load %arg17[%swap3A_444] {strides = array<i32>} : memref<128xi32, #tpu.memory_space<vmem>>, vector<16xi32>,
        %swap3A_446 = vector.shape_cast %swap3A_445 : vector<16xi32> to vector<16xi32>
        %swap3A_447 = vector.shape_cast %shift_right_arithmetic3A_443 : vector<16xi32> to vector<16xi32>
        tpu.vector_store %arg17[%swap3A_444], %swap3A_447 {strides = array<i32>} : memref<128xi32, #tpu.memory_space<vmem>>, vector<16xi32>,
        %dma_start3A = arith.constant 0 : i32
        %dma_start3A_448 = arith.constant 0 : i32
        %dma_start3A_449 = tpu.memref_slice %arg4[%dma_start3A, %dma_start3A_448] : memref<40000x128xf32, #tpu.memory_space<hbm>> -> memref<40000x128xf32, #tpu.memory_space<hbm>>
        tpu.enqueue_indirect_dma source(%dma_start3A_449 : memref<40000x128xf32, #tpu.memory_space<hbm>>) target(%arg21 : memref<128x128xf32, #tpu.memory_space<vmem>>) offsets(%arg13 : memref<128xi32, #tpu.memory_space<vmem>>) semaphore(%arg26 : memref<!tpu.dma_semaphore, #tpu.memory_space<semaphore_mem>>)
      } else {
      }
      %mul3A_153 = arith.constant 4 : i32
      %mul3A_154 = arith.muli %mul3A_153, %add3A_39 : i32
      %add3A_155 = arith.constant 0 : i32
      %add3A_156 = arith.addi %mul3A_154, %add3A_155 : i32
      %mul3A_157 = arith.constant 16 : i32
      %mul3A_158 = arith.muli %add3A_156, %mul3A_157 : i32
      %add3A_159 = arith.addi %arg1, %mul3A_158 : i32
      %lt3A_160 = arith.constant 2500 : i32
      %lt3A_161 = arith.cmpi slt, %add3A_159, %lt3A_160 : i32
      %convert_element_type3A_162 = arith.extui %lt3A_161 : i1 to i32
      %cond3A_163 = arith.constant 0 : i32
      %cond3A_164 = arith.cmpi ne, %convert_element_type3A_162, %cond3A_163 : i32
      scf.if %cond3A_164 {
        %dma_wait3A = arith.constant 0 : i32
        %dma_wait3A_201 = arith.constant 0 : i32
        %dma_wait3A_202 = tpu.memref_slice %arg4[%dma_wait3A, %dma_wait3A_201] : memref<40000x128xf32, #tpu.memory_space<hbm>> -> memref<40000x128xf32, #tpu.memory_space<hbm>>
        tpu.wait_indirect_dma semaphore(%arg23 : memref<!tpu.dma_semaphore, #tpu.memory_space<semaphore_mem>>) src(%dma_wait3A_202 : memref<40000x128xf32, #tpu.memory_space<hbm>>) dst(%arg18 : memref<128x128xf32, #tpu.memory_space<vmem>>)
        %dma_start3A = arith.constant 0 : i32
        %dma_start3A_203 = arith.constant 0 : i32
        %dma_start3A_204 = tpu.memref_slice %arg22[%dma_start3A, %dma_start3A_203] : memref<5008x128xf32, #tpu.memory_space<vmem_shared>> -> memref<5008x128xf32, #tpu.memory_space<vmem_shared>>
        tpu.enqueue_indirect_dma source(%arg18 : memref<128x128xf32, #tpu.memory_space<vmem>>) target(%dma_start3A_204 : memref<5008x128xf32, #tpu.memory_space<vmem_shared>>) offsets(%arg14 : memref<128xi32, #tpu.memory_space<vmem>>) semaphore(%arg27 : memref<!tpu.dma_semaphore, #tpu.memory_space<semaphore_mem>>) {add = true}
      } else {
      }
      %mul3A_165 = arith.constant 4 : i32
      %mul3A_166 = arith.muli %mul3A_165, %add3A_39 : i32
      %add3A_167 = arith.constant 1 : i32
      %add3A_168 = arith.addi %mul3A_166, %add3A_167 : i32
      %mul3A_169 = arith.constant 16 : i32
      %mul3A_170 = arith.muli %add3A_168, %mul3A_169 : i32
      %add3A_171 = arith.addi %arg1, %mul3A_170 : i32
      %lt3A_172 = arith.constant 2500 : i32
      %lt3A_173 = arith.cmpi slt, %add3A_171, %lt3A_172 : i32
      %convert_element_type3A_174 = arith.extui %lt3A_173 : i1 to i32
      %cond3A_175 = arith.constant 0 : i32
      %cond3A_176 = arith.cmpi ne, %convert_element_type3A_174, %cond3A_175 : i32
      scf.if %cond3A_176 {
        %dma_wait3A = arith.constant 0 : i32
        %dma_wait3A_201 = arith.constant 0 : i32
        %dma_wait3A_202 = tpu.memref_slice %arg4[%dma_wait3A, %dma_wait3A_201] : memref<40000x128xf32, #tpu.memory_space<hbm>> -> memref<40000x128xf32, #tpu.memory_space<hbm>>
        tpu.wait_indirect_dma semaphore(%arg24 : memref<!tpu.dma_semaphore, #tpu.memory_space<semaphore_mem>>) src(%dma_wait3A_202 : memref<40000x128xf32, #tpu.memory_space<hbm>>) dst(%arg19 : memref<128x128xf32, #tpu.memory_space<vmem>>)
        %dma_start3A = arith.constant 0 : i32
        %dma_start3A_203 = arith.constant 0 : i32
        %dma_start3A_204 = tpu.memref_slice %arg22[%dma_start3A, %dma_start3A_203] : memref<5008x128xf32, #tpu.memory_space<vmem_shared>> -> memref<5008x128xf32, #tpu.memory_space<vmem_shared>>
        tpu.enqueue_indirect_dma source(%arg19 : memref<128x128xf32, #tpu.memory_space<vmem>>) target(%dma_start3A_204 : memref<5008x128xf32, #tpu.memory_space<vmem_shared>>) offsets(%arg15 : memref<128xi32, #tpu.memory_space<vmem>>) semaphore(%arg28 : memref<!tpu.dma_semaphore, #tpu.memory_space<semaphore_mem>>) {add = true}
      } else {
      }
      %mul3A_177 = arith.constant 4 : i32
      %mul3A_178 = arith.muli %mul3A_177, %add3A_39 : i32
      %add3A_179 = arith.constant 2 : i32
      %add3A_180 = arith.addi %mul3A_178, %add3A_179 : i32
      %mul3A_181 = arith.constant 16 : i32
      %mul3A_182 = arith.muli %add3A_180, %mul3A_181 : i32
      %add3A_183 = arith.addi %arg1, %mul3A_182 : i32
      %lt3A_184 = arith.constant 2500 : i32
      %lt3A_185 = arith.cmpi slt, %add3A_183, %lt3A_184 : i32
      %convert_element_type3A_186 = arith.extui %lt3A_185 : i1 to i32
      %cond3A_187 = arith.constant 0 : i32
      %cond3A_188 = arith.cmpi ne, %convert_element_type3A_186, %cond3A_187 : i32
      scf.if %cond3A_188 {
        %dma_wait3A = arith.constant 0 : i32
        %dma_wait3A_201 = arith.constant 0 : i32
        %dma_wait3A_202 = tpu.memref_slice %arg4[%dma_wait3A, %dma_wait3A_201] : memref<40000x128xf32, #tpu.memory_space<hbm>> -> memref<40000x128xf32, #tpu.memory_space<hbm>>
        tpu.wait_indirect_dma semaphore(%arg25 : memref<!tpu.dma_semaphore, #tpu.memory_space<semaphore_mem>>) src(%dma_wait3A_202 : memref<40000x128xf32, #tpu.memory_space<hbm>>) dst(%arg20 : memref<128x128xf32, #tpu.memory_space<vmem>>)
        %dma_start3A = arith.constant 0 : i32
        %dma_start3A_203 = arith.constant 0 : i32
        %dma_start3A_204 = tpu.memref_slice %arg22[%dma_start3A, %dma_start3A_203] : memref<5008x128xf32, #tpu.memory_space<vmem_shared>> -> memref<5008x128xf32, #tpu.memory_space<vmem_shared>>
        tpu.enqueue_indirect_dma source(%arg20 : memref<128x128xf32, #tpu.memory_space<vmem>>) target(%dma_start3A_204 : memref<5008x128xf32, #tpu.memory_space<vmem_shared>>) offsets(%arg16 : memref<128xi32, #tpu.memory_space<vmem>>) semaphore(%arg29 : memref<!tpu.dma_semaphore, #tpu.memory_space<semaphore_mem>>) {add = true}
      } else {
      }
      %mul3A_189 = arith.constant 4 : i32
      %mul3A_190 = arith.muli %mul3A_189, %add3A_39 : i32
      %add3A_191 = arith.constant 3 : i32
      %add3A_192 = arith.addi %mul3A_190, %add3A_191 : i32
      %mul3A_193 = arith.constant 16 : i32
      %mul3A_194 = arith.muli %add3A_192, %mul3A_193 : i32
      %add3A_195 = arith.addi %arg1, %mul3A_194 : i32
      %lt3A_196 = arith.constant 2500 : i32
      %lt3A_197 = arith.cmpi slt, %add3A_195, %lt3A_196 : i32
      %convert_element_type3A_198 = arith.extui %lt3A_197 : i1 to i32
      %cond3A_199 = arith.constant 0 : i32
      %cond3A_200 = arith.cmpi ne, %convert_element_type3A_198, %cond3A_199 : i32
      scf.if %cond3A_200 {
        %dma_wait3A = arith.constant 0 : i32
        %dma_wait3A_201 = arith.constant 0 : i32
        %dma_wait3A_202 = tpu.memref_slice %arg4[%dma_wait3A, %dma_wait3A_201] : memref<40000x128xf32, #tpu.memory_space<hbm>> -> memref<40000x128xf32, #tpu.memory_space<hbm>>
        tpu.wait_indirect_dma semaphore(%arg26 : memref<!tpu.dma_semaphore, #tpu.memory_space<semaphore_mem>>) src(%dma_wait3A_202 : memref<40000x128xf32, #tpu.memory_space<hbm>>) dst(%arg21 : memref<128x128xf32, #tpu.memory_space<vmem>>)
        %dma_start3A = arith.constant 0 : i32
        %dma_start3A_203 = arith.constant 0 : i32
        %dma_start3A_204 = tpu.memref_slice %arg22[%dma_start3A, %dma_start3A_203] : memref<5008x128xf32, #tpu.memory_space<vmem_shared>> -> memref<5008x128xf32, #tpu.memory_space<vmem_shared>>
        tpu.enqueue_indirect_dma source(%arg21 : memref<128x128xf32, #tpu.memory_space<vmem>>) target(%dma_start3A_204 : memref<5008x128xf32, #tpu.memory_space<vmem_shared>>) offsets(%arg17 : memref<128xi32, #tpu.memory_space<vmem>>) semaphore(%arg30 : memref<!tpu.dma_semaphore, #tpu.memory_space<semaphore_mem>>) {add = true}
      } else {
      }
    }
    %scan3A_4 = arith.constant 40 : i32
    %add3A = arith.constant 2496 : i32
    %add3A_5 = arith.addi %arg1, %add3A : i32
    %lt3A = arith.constant 2500 : i32
    %lt3A_6 = arith.cmpi slt, %add3A_5, %lt3A : i32
    %convert_element_type3A = arith.extui %lt3A_6 : i1 to i32
    %cond3A = arith.constant 0 : i32
    %cond3A_7 = arith.cmpi ne, %convert_element_type3A, %cond3A : i32
    scf.if %cond3A_7 {
      %dma_wait3A = arith.constant 0 : i32
      %dma_wait3A_35 = arith.constant 0 : i32
      %dma_wait3A_36 = tpu.memref_slice %arg22[%dma_wait3A, %dma_wait3A_35] : memref<5008x128xf32, #tpu.memory_space<vmem_shared>> -> memref<5008x128xf32, #tpu.memory_space<vmem_shared>>
      tpu.wait_indirect_dma semaphore(%arg27 : memref<!tpu.dma_semaphore, #tpu.memory_space<semaphore_mem>>) src(%arg18 : memref<128x128xf32, #tpu.memory_space<vmem>>) dst(%dma_wait3A_36 : memref<5008x128xf32, #tpu.memory_space<vmem_shared>>)
    } else {
    }
    %add3A_8 = arith.constant 2512 : i32
    %add3A_9 = arith.addi %arg1, %add3A_8 : i32
    %lt3A_10 = arith.constant 2500 : i32
    %lt3A_11 = arith.cmpi slt, %add3A_9, %lt3A_10 : i32
    %convert_element_type3A_12 = arith.extui %lt3A_11 : i1 to i32
    %cond3A_13 = arith.constant 0 : i32
    %cond3A_14 = arith.cmpi ne, %convert_element_type3A_12, %cond3A_13 : i32
    scf.if %cond3A_14 {
      %dma_wait3A = arith.constant 0 : i32
      %dma_wait3A_35 = arith.constant 0 : i32
      %dma_wait3A_36 = tpu.memref_slice %arg22[%dma_wait3A, %dma_wait3A_35] : memref<5008x128xf32, #tpu.memory_space<vmem_shared>> -> memref<5008x128xf32, #tpu.memory_space<vmem_shared>>
      tpu.wait_indirect_dma semaphore(%arg28 : memref<!tpu.dma_semaphore, #tpu.memory_space<semaphore_mem>>) src(%arg19 : memref<128x128xf32, #tpu.memory_space<vmem>>) dst(%dma_wait3A_36 : memref<5008x128xf32, #tpu.memory_space<vmem_shared>>)
    } else {
    }
    %add3A_15 = arith.constant 2528 : i32
    %add3A_16 = arith.addi %arg1, %add3A_15 : i32
    %lt3A_17 = arith.constant 2500 : i32
    %lt3A_18 = arith.cmpi slt, %add3A_16, %lt3A_17 : i32
    %convert_element_type3A_19 = arith.extui %lt3A_18 : i1 to i32
    %cond3A_20 = arith.constant 0 : i32
    %cond3A_21 = arith.cmpi ne, %convert_element_type3A_19, %cond3A_20 : i32
    scf.if %cond3A_21 {
      %dma_wait3A = arith.constant 0 : i32
      %dma_wait3A_35 = arith.constant 0 : i32
      %dma_wait3A_36 = tpu.memref_slice %arg22[%dma_wait3A, %dma_wait3A_35] : memref<5008x128xf32, #tpu.memory_space<vmem_shared>> -> memref<5008x128xf32, #tpu.memory_space<vmem_shared>>
      tpu.wait_indirect_dma semaphore(%arg29 : memref<!tpu.dma_semaphore, #tpu.memory_space<semaphore_mem>>) src(%arg20 : memref<128x128xf32, #tpu.memory_space<vmem>>) dst(%dma_wait3A_36 : memref<5008x128xf32, #tpu.memory_space<vmem_shared>>)
    } else {
    }
    %add3A_22 = arith.constant 2544 : i32
    %add3A_23 = arith.addi %arg1, %add3A_22 : i32
    %lt3A_24 = arith.constant 2500 : i32
    %lt3A_25 = arith.cmpi slt, %add3A_23, %lt3A_24 : i32
    %convert_element_type3A_26 = arith.extui %lt3A_25 : i1 to i32
    %cond3A_27 = arith.constant 0 : i32
    %cond3A_28 = arith.cmpi ne, %convert_element_type3A_26, %cond3A_27 : i32
    scf.if %cond3A_28 {
      %dma_wait3A = arith.constant 0 : i32
      %dma_wait3A_35 = arith.constant 0 : i32
      %dma_wait3A_36 = tpu.memref_slice %arg22[%dma_wait3A, %dma_wait3A_35] : memref<5008x128xf32, #tpu.memory_space<vmem_shared>> -> memref<5008x128xf32, #tpu.memory_space<vmem_shared>>
      tpu.wait_indirect_dma semaphore(%arg30 : memref<!tpu.dma_semaphore, #tpu.memory_space<semaphore_mem>>) src(%arg21 : memref<128x128xf32, #tpu.memory_space<vmem>>) dst(%dma_wait3A_36 : memref<5008x128xf32, #tpu.memory_space<vmem_shared>>)
    } else {
    }
    %barrier3A_29 = arith.constant 0 : index
    tpu.barrier barrier_id(%barrier3A_29)
    %mul3A_30 = arith.constant 313 : i32
    %mul3A_31 = arith.muli %arg1, %mul3A_30 : i32
    %mul3A_32 = arith.constant 16 : i32
    %mul3A_33 = arith.muli %arg0, %mul3A_32 : i32
    %add3A_34 = arith.addi %mul3A_33, %arg1 : i32
    "tpu.region"() ({
      %run_scoped3A = tpu.sem_alloc : memref<!tpu.dma_semaphore, #tpu.memory_space<semaphore_mem>>
      %dma_start3A = arith.constant 0 : i32
      %dma_start3A_35 = arith.constant 0 : i32
      %dma_start3A_36 = tpu.memref_slice %arg5[%add3A_34, %dma_start3A, %dma_start3A_35] : memref<32x313x128xf32, #tpu.memory_space<hbm>> -> memref<1x313x128xf32, #tpu.memory_space<hbm>>
      %dma_start3A_37 = tpu.memref_squeeze %dma_start3A_36 : memref<1x313x128xf32, #tpu.memory_space<hbm>> -> memref<313x128xf32, #tpu.memory_space<hbm>>
      %dma_start3A_38 = arith.constant 0 : i32
      %dma_start3A_39 = tpu.memref_slice %arg22[%mul3A_31, %dma_start3A_38] : memref<5008x128xf32, #tpu.memory_space<vmem_shared>> -> memref<313x128xf32, #tpu.memory_space<vmem_shared>>
      tpu.enqueue_dma source(%dma_start3A_39 : memref<313x128xf32, #tpu.memory_space<vmem_shared>>) target(%dma_start3A_37 : memref<313x128xf32, #tpu.memory_space<hbm>>) target_semaphore(%run_scoped3A : memref<!tpu.dma_semaphore, #tpu.memory_space<semaphore_mem>>)
      %dma_wait3A = arith.constant 0 : i32
      %dma_wait3A_40 = arith.constant 0 : i32
      %dma_wait3A_41 = tpu.memref_slice %arg5[%add3A_34, %dma_wait3A, %dma_wait3A_40] : memref<32x313x128xf32, #tpu.memory_space<hbm>> -> memref<1x313x128xf32, #tpu.memory_space<hbm>>
      %dma_wait3A_42 = tpu.memref_squeeze %dma_wait3A_41 : memref<1x313x128xf32, #tpu.memory_space<hbm>> -> memref<313x128xf32, #tpu.memory_space<hbm>>
      %dma_wait3A_43 = arith.constant 0 : i32
      %dma_wait3A_44 = tpu.memref_slice %arg22[%mul3A_31, %dma_wait3A_43] : memref<5008x128xf32, #tpu.memory_space<vmem_shared>> -> memref<313x128xf32, #tpu.memory_space<vmem_shared>>
      tpu.wait_dma2 semaphore(%run_scoped3A : memref<!tpu.dma_semaphore, #tpu.memory_space<semaphore_mem>>) src(%dma_wait3A_44 : memref<313x128xf32, #tpu.memory_space<vmem_shared>>) dst(%dma_wait3A_42 : memref<313x128xf32, #tpu.memory_space<hbm>>)
      tpu.yield
    }) : () -> ()
    return
  }
}

module attributes {stable_mosaic.version = 14 : i64} {
  func.func @_mm_body(%arg0: i32, %arg1: memref<1x10000x128xf32, #tpu.memory_space<vmem>>, %arg2: memref<128x128xf32, #tpu.memory_space<vmem>>, %arg3: memref<10000x128xf32, #tpu.memory_space<vmem>>) attributes {dimension_semantics = [#tpu.dimension_semantics<arbitrary>], iteration_bounds = array<i64: 2>, scalar_prefetch = 0 : i64, scratch_operands = 0 : i64, tpu.core_type = #tpu.core_type<tc>, window_params = [{transform_indices = @transform_0, window_bounds = array<i64: 1, 10000, 128>}, {pipeline_mode = #tpu.pipeline_mode<synchronous>, transform_indices = @transform_1, window_bounds = array<i64: 128, 128>}, {transform_indices = @transform_2, window_bounds = array<i64: 10000, 128>}]} {
    %get3A = arith.constant 0 : index
    %get3A_0 = arith.constant 0 : index
    %get3A_1 = arith.constant 0 : index
    %get3A_2 = vector.load %arg1[%get3A, %get3A_0, %get3A_1] : memref<1x10000x128xf32, #tpu.memory_space<vmem>>, vector<1x10000x128xf32>
    %get3A_3 = vector.shape_cast %get3A_2 : vector<1x10000x128xf32> to vector<10000x128xf32>
    %get3A_4 = arith.constant 0 : index
    %get3A_5 = arith.constant 0 : index
    %get3A_6 = vector.load %arg2[%get3A_4, %get3A_5] : memref<128x128xf32, #tpu.memory_space<vmem>>, vector<128x128xf32>
    %dot_general3A = arith.constant dense<0.000000e+00> : vector<10000x128xf32>
    %dot_general3A_7 = tpu.matmul %get3A_3, %get3A_6, %dot_general3A {dimension_numbers = #tpu.dot_dimension_numbers<[1], [0], [0], [1], [0, 0, 1, 1], [], []>, transpose_lhs_hint = false} : vector<10000x128xf32>, vector<128x128xf32>, vector<10000x128xf32> -> vector<10000x128xf32>
    %swap3A = arith.constant 0 : index
    %swap3A_8 = arith.constant 0 : index
    %swap3A_9 = vector.load %arg3[%swap3A, %swap3A_8] : memref<10000x128xf32, #tpu.memory_space<vmem>>, vector<10000x128xf32>
    tpu.vector_store %arg3[%swap3A, %swap3A_8], %dot_general3A_7 {strides = array<i32>} : memref<10000x128xf32, #tpu.memory_space<vmem>>, vector<10000x128xf32>,
    return
  }
  func.func @transform_0(%arg0: i32) -> (i32, i32, i32) {
    %c0_i32 = arith.constant 0 : i32
    %c0_i32_0 = arith.constant 0 : i32
    %c0_i32_1 = arith.constant 0 : i32
    return %arg0, %c0_i32, %c0_i32_0 : i32, i32, i32
  }
  func.func @transform_1(%arg0: i32) -> (i32, i32) {
    %c0_i32 = arith.constant 0 : i32
    %c0_i32_0 = arith.constant 0 : i32
    %c0_i32_1 = arith.constant 0 : i32
    return %c0_i32, %c0_i32_0 : i32, i32
  }
  func.func @transform_2(%arg0: i32) -> (i32, i32) {
    %c0_i32 = arith.constant 0 : i32
    %c0_i32_0 = arith.constant 0 : i32
    return %arg0, %c0_i32 : i32, i32
  }
}

module attributes {stable_mosaic.version = 14 : i64} {
  func.func @_scale_body(%arg0: i32, %arg1: memref<10000x128xf32, #tpu.memory_space<vmem>>, %arg2: memref<2x10000x16xf32, #tpu.memory_space<vmem>>, %arg3: memref<10000x128xf32, #tpu.memory_space<vmem>>) attributes {dimension_semantics = [#tpu.dimension_semantics<arbitrary>], iteration_bounds = array<i64: 4>, scalar_prefetch = 0 : i64, scratch_operands = 0 : i64, tpu.core_type = #tpu.core_type<tc>, window_params = [{transform_indices = @transform_0, window_bounds = array<i64: 10000, 128>}, {pipeline_mode = #tpu.pipeline_mode<synchronous>, transform_indices = @transform_1, window_bounds = array<i64: 2, 10000, 16>}, {transform_indices = @transform_2, window_bounds = array<i64: 10000, 128>}]} {
    %jit3A = arith.constant 2 : i32
    %div3A = arith.divsi %arg0, %jit3A : i32
    %sign3A = arith.constant 0 : i32
    %sign3A_0 = arith.cmpi sgt, %arg0, %sign3A : i32
    %sign3A_1 = arith.extui %sign3A_0 : i1 to i32
    %sign3A_2 = arith.constant 0 : i32
    %sign3A_3 = arith.cmpi slt, %arg0, %sign3A_2 : i32
    %sign3A_4 = arith.extui %sign3A_3 : i1 to i32
    %sign3A_5 = arith.subi %sign3A_1, %sign3A_4 : i32
    %sign3A_6 = arith.constant 0 : i32
    %sign3A_7 = arith.cmpi sgt, %jit3A, %sign3A_6 : i32
    %sign3A_8 = arith.extui %sign3A_7 : i1 to i32
    %sign3A_9 = arith.constant 0 : i32
    %sign3A_10 = arith.cmpi slt, %jit3A, %sign3A_9 : i32
    %sign3A_11 = arith.extui %sign3A_10 : i1 to i32
    %sign3A_12 = arith.subi %sign3A_8, %sign3A_11 : i32
    %ne3A = arith.cmpi ne, %sign3A_5, %sign3A_12 : i32
    %rem3A = arith.remsi %arg0, %jit3A : i32
    %ne3A_13 = arith.constant 0 : i32
    %ne3A_14 = arith.cmpi ne, %rem3A, %ne3A_13 : i32
    %and3A = arith.andi %ne3A, %ne3A_14 : i1
    %sub3A = arith.constant 1 : i32
    %sub3A_15 = arith.subi %div3A, %sub3A : i32
    %select_n3A = arith.select %and3A, %sub3A_15, %div3A : i32
    %get3A = arith.constant 0 : index
    %get3A_16 = arith.constant 0 : index
    %get3A_17 = arith.constant 0 : index
    %get3A_18 = vector.load %arg2[%get3A, %get3A_16, %get3A_17] : memref<2x10000x16xf32, #tpu.memory_space<vmem>>, vector<1x10000x16xf32>
    %get3A_19 = vector.shape_cast %get3A_18 : vector<1x10000x16xf32> to vector<10000x16xf32>
    %slice3A = vector.extract_strided_slice %get3A_19 {offsets = [0, 0], sizes = [10000, 1], strides = [1, 1]} : vector<10000x16xf32> to vector<10000x1xf32>
    %get3A_20 = arith.constant 1 : index
    %get3A_21 = arith.constant 0 : index
    %get3A_22 = arith.constant 0 : index
    %get3A_23 = vector.load %arg2[%get3A_20, %get3A_21, %get3A_22] : memref<2x10000x16xf32, #tpu.memory_space<vmem>>, vector<1x10000x16xf32>
    %get3A_24 = vector.shape_cast %get3A_23 : vector<1x10000x16xf32> to vector<10000x16xf32>
    %slice3A_25 = vector.extract_strided_slice %get3A_24 {offsets = [0, 0], sizes = [10000, 1], strides = [1, 1]} : vector<10000x16xf32> to vector<10000x1xf32>
    %add3A = arith.addf %slice3A, %slice3A_25 : vector<10000x1xf32>
    %gt3A = arith.constant 0.000000e+00 : f32
    %gt3A_26 = vector.broadcast %gt3A : f32 to vector<10000x1xf32>
    %gt3A_27 = arith.cmpf ogt, %add3A, %gt3A_26 : vector<10000x1xf32>
    %rsqrt3A = math.rsqrt %add3A : vector<10000x1xf32>
    %jit3A_28 = arith.constant 0.000000e+00 : f32
    %broadcast_in_dim3A = vector.broadcast %jit3A_28 : f32 to vector<10000x1xf32>
    %select_n3A_29 = arith.select %gt3A_27, %rsqrt3A, %broadcast_in_dim3A : vector<10000x1xi1>, vector<10000x1xf32>
    %get3A_30 = arith.constant 0 : index
    %get3A_31 = arith.constant 64 : index
    %get3A_32 = vector.load %arg1[%get3A_30, %get3A_31] : memref<10000x128xf32, #tpu.memory_space<vmem>>, vector<10000x64xf32>
    %mul3A = vector.broadcast %select_n3A_29 : vector<10000x1xf32> to vector<10000x64xf32>
    %mul3A_33 = arith.mulf %get3A_32, %mul3A : vector<10000x64xf32>
    %eq3A = arith.constant 0 : i32
    %eq3A_34 = arith.cmpi eq, %select_n3A, %eq3A : i32
    %jit3A_35 = arith.constant 0.000000e+00 : f32
    %broadcast_in_dim3A_36 = vector.broadcast %jit3A_35 : f32 to vector<10000x64xf32>
    %select_n3A_37 = arith.select %eq3A_34, %mul3A_33, %broadcast_in_dim3A_36 : vector<10000x64xf32>
    %swap3A = arith.constant 0 : index
    %swap3A_38 = arith.constant 0 : index
    %swap3A_39 = vector.load %arg3[%swap3A, %swap3A_38] : memref<10000x128xf32, #tpu.memory_space<vmem>>, vector<10000x64xf32>
    tpu.vector_store %arg3[%swap3A, %swap3A_38], %select_n3A_37 {strides = array<i32>} : memref<10000x128xf32, #tpu.memory_space<vmem>>, vector<10000x64xf32>,
    %eq3A_40 = arith.constant 0 : i32
    %eq3A_41 = arith.cmpi eq, %select_n3A, %eq3A_40 : i32
    %jit3A_42 = arith.constant 0.000000e+00 : f32
    %broadcast_in_dim3A_43 = vector.broadcast %jit3A_42 : f32 to vector<10000x64xf32>
    %select_n3A_44 = arith.select %eq3A_41, %broadcast_in_dim3A_43, %mul3A_33 : vector<10000x64xf32>
    %swap3A_45 = arith.constant 0 : index
    %swap3A_46 = arith.constant 64 : index
    %swap3A_47 = vector.load %arg3[%swap3A_45, %swap3A_46] : memref<10000x128xf32, #tpu.memory_space<vmem>>, vector<10000x64xf32>
    tpu.vector_store %arg3[%swap3A_45, %swap3A_46], %select_n3A_44 {strides = array<i32>} : memref<10000x128xf32, #tpu.memory_space<vmem>>, vector<10000x64xf32>,
    return
  }
  func.func @transform_0(%arg0: i32) -> (i32, i32) {
    %jit3A = arith.constant 2 : i32
    %eq3A = arith.constant 0 : i32
    %eq3A_0 = arith.cmpi eq, %jit3A, %eq3A : i32
    %jit3A_1 = arith.constant 1 : i32
    %select_n3A = arith.select %eq3A_0, %jit3A_1, %jit3A : i32
    %rem3A = arith.remsi %arg0, %select_n3A : i32
    %ne3A = arith.constant 0 : i32
    %ne3A_2 = arith.cmpi ne, %rem3A, %ne3A : i32
    %lt3A = arith.constant 0 : i32
    %lt3A_3 = arith.cmpi slt, %rem3A, %lt3A : i32
    %lt3A_4 = arith.constant 0 : i32
    %lt3A_5 = arith.cmpi slt, %select_n3A, %lt3A_4 : i32
    %ne3A_6 = arith.xori %lt3A_3, %lt3A_5 : i1
    %and3A = arith.andi %ne3A_6, %ne3A_2 : i1
    %add3A = arith.addi %rem3A, %select_n3A : i32
    %select_n3A_7 = arith.select %and3A, %add3A, %rem3A : i32
    %c0_i32 = arith.constant 0 : i32
    %c0_i32_8 = arith.constant 0 : i32
    return %select_n3A_7, %c0_i32 : i32, i32
  }
  func.func @transform_1(%arg0: i32) -> (i32, i32, i32) {
    %c0_i32 = arith.constant 0 : i32
    %c0_i32_0 = arith.constant 0 : i32
    %c0_i32_1 = arith.constant 0 : i32
    %c0_i32_2 = arith.constant 0 : i32
    return %c0_i32, %c0_i32_0, %c0_i32_1 : i32, i32, i32
  }
  func.func @transform_2(%arg0: i32) -> (i32, i32) {
    %c0_i32 = arith.constant 0 : i32
    %c0_i32_0 = arith.constant 0 : i32
    return %arg0, %c0_i32 : i32, i32
  }
}

module attributes {stable_mosaic.version = 14 : i64} {
  func.func @_comb_body(%arg0: i32, %arg1: memref<10000x128xf32, #tpu.memory_space<vmem>>, %arg2: memref<10000x64xf32, #tpu.memory_space<vmem>>, %arg3: memref<2x10000x16xf32, #tpu.memory_space<vmem>>, %arg4: memref<1x32xf32, #tpu.memory_space<vmem>>, %arg5: memref<1x32xf32, #tpu.memory_space<vmem>>, %arg6: memref<32x8xf32, #tpu.memory_space<vmem>>, %arg7: memref<1x8xf32, #tpu.memory_space<vmem>>, %arg8: memref<2x8xf32, #tpu.memory_space<vmem>>) attributes {dimension_semantics = [#tpu.dimension_semantics<arbitrary>], iteration_bounds = array<i64: 2>, scalar_prefetch = 0 : i64, scratch_operands = 0 : i64, tpu.core_type = #tpu.core_type<tc>, window_params = [{transform_indices = @transform_0, window_bounds = array<i64: 10000, 128>}, {transform_indices = @transform_1, window_bounds = array<i64: 10000, 64>}, {pipeline_mode = #tpu.pipeline_mode<synchronous>, transform_indices = @transform_2, window_bounds = array<i64: 2, 10000, 16>}, {pipeline_mode = #tpu.pipeline_mode<synchronous>, transform_indices = @transform_3, window_bounds = array<i64: 1, 32>}, {pipeline_mode = #tpu.pipeline_mode<synchronous>, transform_indices = @transform_4, window_bounds = array<i64: 1, 32>}, {pipeline_mode = #tpu.pipeline_mode<synchronous>, transform_indices = @transform_5, window_bounds = array<i64: 32, 8>}, {pipeline_mode = #tpu.pipeline_mode<synchronous>, transform_indices = @transform_6, window_bounds = array<i64: 1, 8>}, {pipeline_mode = #tpu.pipeline_mode<synchronous>, transform_indices = @transform_7, window_bounds = array<i64: 2, 8>}]} {
    %get3A = arith.constant 0 : index
    %get3A_0 = arith.constant 0 : index
    %get3A_1 = arith.constant 0 : index
    %get3A_2 = vector.load %arg3[%get3A, %get3A_0, %get3A_1] : memref<2x10000x16xf32, #tpu.memory_space<vmem>>, vector<1x10000x16xf32>
    %get3A_3 = vector.shape_cast %get3A_2 : vector<1x10000x16xf32> to vector<10000x16xf32>
    %slice3A = vector.extract_strided_slice %get3A_3 {offsets = [0, 0], sizes = [10000, 1], strides = [1, 1]} : vector<10000x16xf32> to vector<10000x1xf32>
    %get3A_4 = arith.constant 1 : index
    %get3A_5 = arith.constant 0 : index
    %get3A_6 = arith.constant 0 : index
    %get3A_7 = vector.load %arg3[%get3A_4, %get3A_5, %get3A_6] : memref<2x10000x16xf32, #tpu.memory_space<vmem>>, vector<1x10000x16xf32>
    %get3A_8 = vector.shape_cast %get3A_7 : vector<1x10000x16xf32> to vector<10000x16xf32>
    %slice3A_9 = vector.extract_strided_slice %get3A_8 {offsets = [0, 0], sizes = [10000, 1], strides = [1, 1]} : vector<10000x16xf32> to vector<10000x1xf32>
    %add3A = arith.addf %slice3A, %slice3A_9 : vector<10000x1xf32>
    %gt3A = arith.constant 0.000000e+00 : f32
    %gt3A_10 = vector.broadcast %gt3A : f32 to vector<10000x1xf32>
    %gt3A_11 = arith.cmpf ogt, %add3A, %gt3A_10 : vector<10000x1xf32>
    %rsqrt3A = math.rsqrt %add3A : vector<10000x1xf32>
    %jit3A = arith.constant 0.000000e+00 : f32
    %broadcast_in_dim3A = vector.broadcast %jit3A : f32 to vector<10000x1xf32>
    %select_n3A = arith.select %gt3A_11, %rsqrt3A, %broadcast_in_dim3A : vector<10000x1xi1>, vector<10000x1xf32>
    %neg3A = arith.constant 0.000000e+00 : f32
    %neg3A_12 = vector.broadcast %neg3A : f32 to vector<10000x1xf32>
    %neg3A_13 = arith.subf %neg3A_12, %select_n3A : vector<10000x1xf32>
    %get3A_14 = arith.constant 0 : index
    %get3A_15 = arith.constant 0 : index
    %get3A_16 = vector.load %arg2[%get3A_14, %get3A_15] : memref<10000x64xf32, #tpu.memory_space<vmem>>, vector<10000x64xf32>
    %mul3A = vector.broadcast %neg3A_13 : vector<10000x1xf32> to vector<10000x64xf32>
    %mul3A_17 = arith.mulf %mul3A, %get3A_16 : vector<10000x64xf32>
    %get3A_18 = arith.constant 0 : index
    %get3A_19 = arith.constant 0 : index
    %get3A_20 = vector.load %arg1[%get3A_18, %get3A_19] : memref<10000x128xf32, #tpu.memory_space<vmem>>, vector<10000x32xf32>
    %slice3A_21 = vector.extract_strided_slice %mul3A_17 {offsets = [0, 0], sizes = [10000, 32], strides = [1, 1]} : vector<10000x64xf32> to vector<10000x32xf32>
    %add3A_22 = arith.addf %get3A_20, %slice3A_21 : vector<10000x32xf32>
    %get3A_23 = arith.constant 0 : index
    %get3A_24 = arith.constant 0 : index
    %get3A_25 = vector.load %arg4[%get3A_23, %get3A_24] : memref<1x32xf32, #tpu.memory_space<vmem>>, vector<1x32xf32>
    %add3A_26 = vector.broadcast %get3A_25 : vector<1x32xf32> to vector<10000x32xf32>
    %add3A_27 = arith.addf %add3A_22, %add3A_26 : vector<10000x32xf32>
    %logistic3A = arith.negf %add3A_27 : vector<10000x32xf32>
    %logistic3A_28 = math.exp %logistic3A : vector<10000x32xf32>
    %logistic3A_29 = arith.constant 1.000000e+00 : f32
    %logistic3A_30 = vector.broadcast %logistic3A_29 : f32 to vector<10000x32xf32>
    %logistic3A_31 = arith.addf %logistic3A_30, %logistic3A_28 : vector<10000x32xf32>
    %logistic3A_32 = arith.divf %logistic3A_30, %logistic3A_31 : vector<10000x32xf32>
    %get3A_33 = arith.constant 0 : index
    %get3A_34 = arith.constant 32 : index
    %get3A_35 = vector.load %arg1[%get3A_33, %get3A_34] : memref<10000x128xf32, #tpu.memory_space<vmem>>, vector<10000x32xf32>
    %slice3A_36 = vector.extract_strided_slice %mul3A_17 {offsets = [0, 32], sizes = [10000, 32], strides = [1, 1]} : vector<10000x64xf32> to vector<10000x32xf32>
    %add3A_37 = arith.addf %get3A_35, %slice3A_36 : vector<10000x32xf32>
    %get3A_38 = arith.constant 0 : index
    %get3A_39 = arith.constant 0 : index
    %get3A_40 = vector.load %arg5[%get3A_38, %get3A_39] : memref<1x32xf32, #tpu.memory_space<vmem>>, vector<1x32xf32>
    %add3A_41 = vector.broadcast %get3A_40 : vector<1x32xf32> to vector<10000x32xf32>
    %add3A_42 = arith.addf %add3A_37, %add3A_41 : vector<10000x32xf32>
    %tanh3A = math.tanh %add3A_42 : vector<10000x32xf32>
    %sub3A = arith.constant 1.000000e+00 : f32
    %sub3A_43 = vector.broadcast %sub3A : f32 to vector<10000x32xf32>
    %sub3A_44 = arith.subf %sub3A_43, %logistic3A_32 : vector<10000x32xf32>
    %mul3A_45 = arith.mulf %sub3A_44, %tanh3A : vector<10000x32xf32>
    %reduce_sum3A = arith.constant dense<0.000000e+00> : vector<32xf32>
    %reduce_sum3A_46 = vector.multi_reduction <add>, %mul3A_45, %reduce_sum3A [0] : vector<10000x32xf32> to vector<32xf32>
    %broadcast_in_dim3A_47 = vector.shape_cast %reduce_sum3A_46 : vector<32xf32> to vector<1x32xf32>
    %mul3A_48 = arith.constant 9.99999974E-5 : f32
    %mul3A_49 = vector.broadcast %mul3A_48 : f32 to vector<1x32xf32>
    %mul3A_50 = arith.mulf %broadcast_in_dim3A_47, %mul3A_49 : vector<1x32xf32>
    %max3A = arith.constant 0.000000e+00 : f32
    %max3A_51 = vector.broadcast %max3A : f32 to vector<1x32xf32>
    %max3A_52 = arith.maximumf %mul3A_50, %max3A_51 : vector<1x32xf32>
    %get3A_53 = arith.constant 0 : index
    %get3A_54 = arith.constant 0 : index
    %get3A_55 = vector.load %arg6[%get3A_53, %get3A_54] : memref<32x8xf32, #tpu.memory_space<vmem>>, vector<32x8xf32>
    %dot_general3A = arith.constant dense<0.000000e+00> : vector<1x8xf32>
    %dot_general3A_56 = tpu.matmul %max3A_52, %get3A_55, %dot_general3A {dimension_numbers = #tpu.dot_dimension_numbers<[1], [0], [0], [1], [0, 0, 1, 1], [], []>, transpose_lhs_hint = false} : vector<1x32xf32>, vector<32x8xf32>, vector<1x8xf32> -> vector<1x8xf32>
    %get3A_57 = arith.constant 0 : index
    %get3A_58 = arith.constant 0 : index
    %get3A_59 = vector.load %arg7[%get3A_57, %get3A_58] : memref<1x8xf32, #tpu.memory_space<vmem>>, vector<1x8xf32>
    %add3A_60 = arith.addf %dot_general3A_56, %get3A_59 : vector<1x8xf32>
    %swap3A = arith.index_cast %arg0 : i32 to index
    %swap3A_61 = arith.constant 0 : index
    %swap3A_62 = vector.load %arg8[%swap3A, %swap3A_61] : memref<2x8xf32, #tpu.memory_space<vmem>>, vector<1x8xf32>
    tpu.vector_store %arg8[%swap3A, %swap3A_61], %add3A_60 {strides = array<i32>} : memref<2x8xf32, #tpu.memory_space<vmem>>, vector<1x8xf32>,
    return
  }
  func.func @transform_0(%arg0: i32) -> (i32, i32) {
    %c0_i32 = arith.constant 0 : i32
    %c0_i32_0 = arith.constant 0 : i32
    return %arg0, %c0_i32 : i32, i32
  }
  func.func @transform_1(%arg0: i32) -> (i32, i32) {
    %c0_i32 = arith.constant 0 : i32
    %c0_i32_0 = arith.constant 0 : i32
    return %arg0, %c0_i32 : i32, i32
  }
  func.func @transform_2(%arg0: i32) -> (i32, i32, i32) {
    %c0_i32 = arith.constant 0 : i32
    %c0_i32_0 = arith.constant 0 : i32
    %c0_i32_1 = arith.constant 0 : i32
    %c0_i32_2 = arith.constant 0 : i32
    return %c0_i32, %c0_i32_0, %c0_i32_1 : i32, i32, i32
  }
  func.func @transform_3(%arg0: i32) -> (i32, i32) {
    %c0_i32 = arith.constant 0 : i32
    %c0_i32_0 = arith.constant 0 : i32
    %c0_i32_1 = arith.constant 0 : i32
    return %c0_i32, %c0_i32_0 : i32, i32
  }
  func.func @transform_4(%arg0: i32) -> (i32, i32) {
    %c0_i32 = arith.constant 0 : i32
    %c0_i32_0 = arith.constant 0 : i32
    %c0_i32_1 = arith.constant 0 : i32
    return %c0_i32, %c0_i32_0 : i32, i32
  }
  func.func @transform_5(%arg0: i32) -> (i32, i32) {
    %c0_i32 = arith.constant 0 : i32
    %c0_i32_0 = arith.constant 0 : i32
    %c0_i32_1 = arith.constant 0 : i32
    return %c0_i32, %c0_i32_0 : i32, i32
  }
  func.func @transform_6(%arg0: i32) -> (i32, i32) {
    %c0_i32 = arith.constant 0 : i32
    %c0_i32_0 = arith.constant 0 : i32
    %c0_i32_1 = arith.constant 0 : i32
    return %c0_i32, %c0_i32_0 : i32, i32
  }
  func.func @transform_7(%arg0: i32) -> (i32, i32) {
    %c0_i32 = arith.constant 0 : i32
    %c0_i32_0 = arith.constant 0 : i32
    %c0_i32_1 = arith.constant 0 : i32
    return %c0_i32, %c0_i32_0 : i32, i32
  }
}

</mosaic_0001>

<sc_bundles>
// kernel: _run.10.cloned.1.call-start
scs
__scs_entry_jumppad:
0x0: {  	(pc) =	sbr.rel $0x88, $3  }
0x1: {  	(tag) =	ssettag $0x0;
	lr =	simm.s32 $0x1  }
0x2: {  	[smem:$0x3F95] =	sst lr;
	_ =	strace $0xD0000000  }
0x3: {  	_ = 	snop  }
0x4: {  	_ = 	snop  }
0x5: {  	_ = 	snop  }
0x6: {  	_ = 	snop  }
0x7: {  	_ = 	snop  }
__scs_overlays_trampoline_lowered:
0x8: {  	[smem:$0x3FA4] =	sst s0  }
0x9: {  	[smem:$0x3FA5] =	sst s1  }
0xa: {  	[smem:$0x3FA6] =	sst s2  }
0xb: {  	[smem:$0x3FA7] =	sst s3  }
0xc: {  	[smem:$0x3FA8] =	sst s4  }
0xd: {  	[smem:$0x3FA9] =	sst s5  }
0xe: {  	[smem:$0x3FAA] =	sst s6  }
0xf: {  	[smem:$0x3FAB] =	sst s7  }
0x10: {  	[smem:$0x3FAC] =	sst s8  }
0x11: {  	[smem:$0x3FAD] =	sst s9;
	s0 =	simm.s32 @!p0 $0x0  }
0x12: {  	s1 =	sld [smem:$0x3F93];
	s0 =	simm.s32 @p0 $0x1  }
0x13: {  	[smem:$0x3FAE] =	sst s0;
	s0 =	simm.s32 @!p1 $0x0  }
0x14: {  	s2 =	sld [smem:$0x3F92];
	s0 =	simm.s32 @p1 $0x1  }
0x15: {  	[smem:$0x3FAF] =	sst s0;
	s0 =	simm.s32 @!p2 $0x0  }
0x16: {  	s3 =	sld [smem:$0x3FDB];
	s0 =	simm.s32 @p2 $0x1  }
0x17: {  	s4 =	simm.s32 $0x1BF5;
	[smem:$0x3FB1] =	sst s0  }
0x18: {  	s0 =	sld [smem:$0x3F94];
	_ =	swait.ge [sflag:s4], $0x0  }
0x19: {  	s7 =	sld [smem:$0x3F95]  }
0x1a: {  	s8 =	sadd.s32 $0xFFFFE003, lr  }
0x1b: {  	s9 =	sadd.s32 $0xFFFFFEF7, lr;
	s5 =	simm.s32 $0xFFFFFFFF;
	p2 =	slt.u32 s8, $0xFFFFF086  }
0x1c: {  	p1 =	slt.u32 s9, $0xF7A;
	s5 =	simm.s32 @!p2 $0x0  }
0x1d: {  	s5 =	simm.s32 @p1 $0x1;
	p0 =	seq.s32 s7, s2  }
0x1e: {  	s7 =	smul.u32 @!p0 $0xF7A, s2;
	p2 =	seq.s32 @!p0 s5, $0x0  }
0x1f: {  	s9 =	smul.u32 $0xF7A, s1;
	s8 =	simm.s32 @!p0 $0x1BF5;
	p2 =	por !p2, p0  }
0x20: {  	[sflag:s8] =	ssyncset.s32 @!p0 $0xFFFFF086;
	s6 =	sadd.s32 @!p0 s3, s7;
	s7 =	simm.s32 @!p0 $0x108  }
0x21: {  	s3 =	sadd.s32 s3, s9;
	s6 =	sadd.s32 @!p0 $0x88, s6;
	s7 =	simm.s32 @p2 $0x1082  }
0x22: {  	[simem:s7], [sflag:s8] =	dma.local @!p0 [hbm:s6], $0xF7A  }
0x23: {  	s9 =	sor.u32 $0xD0000000, s2;
	s6 =	simm.s32 $0x108;
	_ =	swait.ge @!p0 [sflag:s8], $0x0  }
0x24: {  	s3 =	sadd.s32 $0x88, s3;
	s6 =	simm.s32 @!p1 $0x1082;
	[sflag:s4] =	ssyncset.s32 $0xFFFFF086  }
0x25: {  	[simem:s6], [sflag:s4] =	dma.local [hbm:s3], $0xF7A  }
0x26: {  	[smem:$0x3F95] =	sst s1;
	(tag) =	ssettag s2;
	_ =	strace s9  }
0x27: {  	s1 =	sld [smem:$0x3FA5]  }
0x28: {  	s2 =	sld [smem:$0x3FA6]  }
0x29: {  	s4 =	sld [smem:$0x3FA8]  }
0x2a: {  	p0 =	seq.s32 s5, $0x0;
	s5 =	sld [smem:$0x3FA9]  }
0x2b: {  	s6 =	sld [smem:$0x3FAA]  }
0x2c: {  	s7 =	sld [smem:$0x3FAB]  }
0x2d: {  	s3 =	simm.s32 $0x108;
	s8 =	sld [smem:$0x3FAC]  }
0x2e: {  	s3 =	simm.s32 @!p0 $0x1082;
	s9 =	sld [smem:$0x3FAD]  }
0x2f: {  	lr =	sadd.s32 s0, s3;
	s0 =	sld [smem:$0x3FA4]  }
0x30: {  	s3 =	sld [smem:$0x3FA7]  }
0x31: {  	[smem:$0x3FB0] =	sst s10  }
0x32: {  	s10 =	sld [smem:$0x3FAE];
	_ =	sdelay $0x3  }
0x33: {  	p0 =	seq.s32 s10, $0x1;
	s10 =	sld [smem:$0x3FB0];
	_ =	sdelay $0x3  }
0x34: {  	[smem:$0x3FB0] =	sst s10  }
0x35: {  	s10 =	sld [smem:$0x3FAF];
	_ =	sdelay $0x3  }
0x36: {  	p1 =	seq.s32 s10, $0x1;
	s10 =	sld [smem:$0x3FB0];
	_ =	sdelay $0x3  }
0x37: {  	[smem:$0x3FB0] =	sst s10  }
0x38: {  	s10 =	sld [smem:$0x3FB1]  }
0x39: {  	_ = 	snop;
	(pc) =	sbr.ind lr, $3  }
0x3a: {  	_ = 	snop  }
0x3b: {  	_ = 	snop  }
0x3c: {  	p2 =	seq.s32 s10, $0x1;
	s10 =	sld [smem:$0x3FB0]  }
0x3d: {  	_ =	shalt  }
0x3e: {  	_ =	shalt  }
0x3f: {  	_ =	shalt  }
0x40: {  	_ =	shalt  }
0x41: {  	_ =	shalt  }
0x42: {  	_ =	shalt  }
0x43: {  	_ =	shalt  }
0x44: {  	_ =	shalt  }
0x45: {  	_ =	shalt  }
0x46: {  	_ =	shalt  }
0x47: {  	_ =	shalt  }
0x48: {  	_ =	shalt  }
0x49: {  	_ =	shalt  }
0x4a: {  	_ =	shalt  }
0x4b: {  	_ =	shalt  }
0x4c: {  	_ =	shalt  }
0x4d: {  	_ =	shalt  }
0x4e: {  	_ =	shalt  }
0x4f: {  	_ =	shalt  }
0x50: {  	_ =	shalt  }
0x51: {  	_ =	shalt  }
0x52: {  	_ =	shalt  }
0x53: {  	_ =	shalt  }
0x54: {  	_ =	shalt  }
0x55: {  	_ =	shalt  }
0x56: {  	_ =	shalt  }
0x57: {  	_ =	shalt  }
0x58: {  	_ =	shalt  }
0x59: {  	_ =	shalt  }
0x5a: {  	_ =	shalt  }
0x5b: {  	_ =	shalt  }
0x5c: {  	_ =	shalt  }
0x5d: {  	_ =	shalt  }
0x5e: {  	_ =	shalt  }
0x5f: {  	_ =	shalt  }
0x60: {  	_ =	shalt  }
0x61: {  	_ =	shalt  }
0x62: {  	_ =	shalt  }
0x63: {  	_ =	shalt  }
0x64: {  	_ =	shalt  }
0x65: {  	_ =	shalt  }
0x66: {  	_ =	shalt  }
0x67: {  	_ =	shalt  }
0x68: {  	_ =	shalt  }
0x69: {  	_ =	shalt  }
0x6a: {  	_ =	shalt  }
0x6b: {  	_ =	shalt  }
0x6c: {  	_ =	shalt  }
0x6d: {  	_ =	shalt  }
0x6e: {  	_ =	shalt  }
0x6f: {  	_ =	shalt  }
0x70: {  	_ =	shalt  }
0x71: {  	_ =	shalt  }
0x72: {  	_ =	shalt  }
0x73: {  	_ =	shalt  }
0x74: {  	_ =	shalt  }
0x75: {  	_ =	shalt  }
0x76: {  	_ =	shalt  }
0x77: {  	_ =	shalt  }
0x78: {  	_ =	shalt  }
0x79: {  	_ =	shalt  }
0x7a: {  	_ =	shalt  }
0x7b: {  	_ =	shalt  }
0x7c: {  	_ =	shalt  }
0x7d: {  	_ =	shalt  }
0x7e: {  	_ =	shalt  }
0x7f: {  	_ =	shalt  }
0x80: {  	_ =	shalt  }
0x81: {  	_ =	shalt  }
0x82: {  	_ =	shalt  }
0x83: {  	_ =	shalt  }
0x84: {  	_ =	shalt  }
0x85: {  	_ =	shalt  }
0x86: {  	_ =	shalt  }
0x87: {  	_ =	shalt  }
.Lfunc_end0:
.L_simem_size_0:
called_computation.1_lowered:
.L_overlay_start_0:
0x88: {  	s2 =	sld [smem:$0x3FD9]  }
0x89: {  	s3 =	sld [smem:$0x3FFE];
	_ =	sdelay $0x1  }
0x8a: {  	s1 =	srdreg.scid  }
0x8b: {  	s0 =	sand.u32 $0x1, s1  }
0x8c: {  	s16 =	sshll.u32 s0, $0xA;
	s2 =	sadd.s32 s3, s2  }
0x8d: {  	s2 =	sadd.s32 s2, s16  }
0x8e: {  	[smem:$0x3FBC] =	sst s2  }
0x8f: {  	_ = 	snop  }
0x90: {  	(tm) =	ssettm $0x1  }
0x91: {  	s17 =	sld [smem:$0x3FFB];
	_ =	sdelay $0x3  }
0x92: {  	_ =	strace s17  }
0x93: {  	s2 =	sld [smem:$0x3FFC];
	_ =	sdelay $0x3  }
0x94: {  	_ =	strace s2  }
0x95: {  	s2 =	sld [smem:$0x3FFD];
	_ =	sdelay $0x3  }
0x96: {  	_ =	strace s2  }
0x97: {  	_ =	strace $0x8FFFFFFF  }
0x98: {  	s18 =	sld [smem:$0x3FDB];
	_ =	sdelay $0x1  }
0x99: {  	s19 =	simm.s32 $_scs_section_size  }
0x9a: {  	s4 =	simm.s32 $_size__tile_overlayer_lowered;
	s5 =	simm.s32 $_tile_overlayer_lowered  }
0x9b: {  	s22 =	simm.s32 $0x1BFF;
	s21 =	sshll.u32 s5, $0x1;
	s2 =	sadd.s32 s19, s18  }
0x9c: {  	s6 =	simm.s32 $0x0;
	s20 =	sshll.u32 s4, $0x1;
	s4 =	sadd.s32 s21, s2  }
0x9d: {  	[timem:s6], [sflag:s22] =	dma.local [hbm:s4], s20  }
0x9e: {  	_ =	swait.ge [sflag:s22], s20  }
0x9f: {  	s3 =	ssub.s32 $0x0, s20;
	[sflag:s22] =	ssyncset.done $0x0  }
0xa0: {  	[sflag:s22] =	ssyncadd.s32 s3;
	_ =	sdelay $0x1  }
0xa1: {  	s23 =	simm.s32 $0x1B8B  }
0xa2: {  	_ =	swait.ge [sflag:s23], $0x1  }
0xa3: {  	[sflag:s23] =	ssyncset.done $0x0  }
0xa4: {  	s25 =	simm.s32 $0x1B8E;
	s24 =	sld [smem:$0x3FFE];
	[sflag:s23] =	ssyncadd.s32 $0xFFFFFFFF  }
0xa5: {  	s26 =	simm.s32 $execute0_lowered;
	[smem:$0x3FD2] =	sst s25  }
0xa6: {  	s4 =	sshll.u32 s26, $0x1;
	_ =	strace $0x80000049;
	[dreg:$0x1] =	wrdreg $0xFFFFFFFF  }
0xa7: {  	s28 =	simm.s32 $_size_execute0_lowered;
	s2 =	sadd.s32 s2, s4;
	[dreg:$0x0] =	wrdreg $0x0  }
0xa8: {  	s4 =	sshll.u32 s28, $0x1;
	[dreg:$0x2] =	wrdreg s2  }
0xa9: {  	[dreg:$0x3] =	wrdreg s4  }
0xaa: {  	[dreg:$0x4] =	wrdreg $0xC0  }
0xab: {  	_ =	task [dreg:s6], $0x5FFFF  }
0xac: {  	[dreg:$0x1] =	wrdreg $0xFFFFFFFF  }
0xad: {  	[dreg:$0x0] =	wrdreg $0x60  }
0xae: {  	[dreg:$0x2] =	wrdreg s24  }
0xaf: {  	[dreg:$0x3] =	wrdreg $0x106000  }
0xb0: {  	[dreg:$0x4] =	wrdreg $0x9  }
0xb1: {  	_ =	task.clear_ibuf [dreg:s6], $0x5FFFF;
	_ =	strace $0x90000049  }
0xb2: {  	s29 =	simm.s32 $0x9;
	_ =	strace $0x8000004B  }
0xb3: {  	_ =	swait.ge [sflag:s29], $0x1  }
0xb4: {  	[sflag:s29] =	ssyncadd.s32 $0xFFFFFFFF  }
0xb5: {  	_ =	strace $0x9000004B  }
0xb6: {  	_ =	sfence  }
0xb7: {  	s30 =	sld [smem:$0x0];
	_ =	sdelay $0x2  }
0xb8: {  	s31 =	sshll.u32 s1, $0xD;
	s1 =	sshrl.u32 s1, $0x2  }
0xb9: {  	s3 =	sand.u32 $0x4000, s31;
	s1 =	sadd.s32 s1, s30  }
0xba: {  	s0 =	sor.u32 s3, s0;
	s1 =	sshll.u32 s1, $0x11  }
0xbb: {  	s0 =	sor.u32 s1, s0  }
0xbc: {  	s0 =	sadd.s32 $0x8F2B, s0  }
0xbd: {  	[sflag:s0] =	ssyncadd.remote.s32 $0x1  }
0xbe: {  	_ =	sfence.sel $0xFFFF  }
0xbf: {  	[dreg:$0x0] =	wrdreg $0xFFFFFFFF;
	(pc) =	sbr.abs _section_cstart, $3  }
0xc0: {  	[dreg:$0x1] =	wrdreg $0xFFFFFFFF  }
0xc1: {  	_ =	task.clear_ibuf [dreg:s6], $0x2FFFF;
	_ =	strace $0x9FFFFFFF  }
0xc2: {  	(tm) =	ssettm $0x7FFFFFFF  }
0xc3: {  	_ =	shalt  }
tec
execute0_lowered:
.L_overlay_start_1:
0x0: {  	(tag) =	ssettag $0x1  }
0x1: {  	s0 =	srdreg.scid;
	s6 =	rddreg [dreg:$0x0]  }
0x2: {  	s2 =	rddreg [dreg:$0x1];
	s1 =	stileid.u32  }
0x3: {  	s3 =	simm.s32 $0x0;
	s13 =	simm.s32 $0x80;
	s14 =	simm.s32 $0x200  }
0x4: {  	s15 =	simm.s32 $0x600;
	s16 =	simm.s32 $0x280;
	s17 =	simm.s32 $0x4600  }
0x5: {  	s18 =	simm.s32 $0x100;
	s19 =	simm.s32 $0x300;
	s20 =	simm.s32 $0x8600  }
0x6: {  	s21 =	simm.s32 $0x180;
	s7 =	sand.u32 $0x1, s0;
	s0 =	rddreg [dreg:$0x2]  }
0x7: {  	s22 =	simm.s32 $0x380;
	s24 =	simm.s32 $0x0;
	[smem:$0x7FF] =	sst s3  }
0x8: {  	s5 =	sshll.u32 s1, $0x4;
	s10 =	smul.u32 $0x27200, s1;
	s31 =	sshll.u32 s1, $0x6  }
0x9: {  	p0 =	sgt.u32 s1, $0x3;
	s4 =	sshll.u32 s7, $0x4;
	_ =	strace $0x8000004A  }
0xa: {  	s9 =	sadd.s32 s5, s6;
	s23 =	smul.u32 $0x2710, s7;
	s4 =	sor.u32 s1, s4  }
0xb: {  	s5 =	sadd.s32 $0x59E00, s6;
	s11 =	ssub.s32 $0x2, s7;
	s8 =	smul.u32 $0x1400, s4  }
.Ltmp0:
0xc: {  	s30 =	sshrl.u32 s11, $0x1;
	s10 =	sshrl.u32 s10, $0x2;
	(pc) =	sbr.rel .LBB2_1-.Ltmp0, $4  }
0xd: {  	s9 =	sadd.s32 $0x1E00, s9;
	s4 =	sadd.s32 $0xF6200, s6;
	s11 =	ssub.s32 s11, s30  }
0xe: {  	s12 =	sadd.s32 s10, s2;
	s10 =	sor.u32 $0x30, s1;
	s8 =	sadd.s32 s8, s6  }
0xf: {  	v0 =	vmov s23;
	s23 =	simm.s32 $0xC600;
	s6 =	sor.u32 $0x1C09, s31;
	s7 =	sadd.s32 $0xF7600, s8  }
0x10: {  	v1 =	vimm.s32 $0x4E20;
	s8 =	smax.u32 s11, $0x1;
	s11 =	sshrl.u32 s12, $0x3;
	s12 =	simm.s32 $0x9  }
.LBB2_11:
0x11: {  	s25 =	simm.s32 @!p0 $0x5  }
0x12: {  	_ =	swait.ge @!p0 [sflag:s25], $0x4000  }
0x13: {  	s24 =	sadd.s32 $0x1, s24;
	[sflag:s25] =	ssyncset.done @!p0 $0x0  }
0x14: {  	p1 =	sne.s32 s24, s8;
	[sflag:s25] =	ssyncadd.s32 @!p0 $0xFFFFC000  }
.Ltmp1:
0x15: {  	[bflag:$0x0] =	sbarrier.arrive $0xFFFF;
	(pc) =	sbr.rel @!p1 .LBB2_12-.Ltmp1, $4  }
0x16: {  	[hbm:s7], [sflag:s6] =	dma.local [spmem:s11], $0x1390  }
0x17: {  	_ =	swait.ge [sflag:s12], $0x1390  }
0x18: {  	[sflag:s12] =	ssyncset.done $0x0  }
0x19: {  	[sflag:s12] =	ssyncadd.s32 $0xFFFFEC70  }
.LBB2_1:
0x1a: {  	[spmem:s11], [sflag:s6] =	dma.local [hbm:s4], $0x1390  }
.Ltmp2:
0x1b: {  	_ =	swait.ge [sflag:s12], $0x1390;
	(pc) =	sbr.rel .LBB2_2-.Ltmp2, $4  }
0x1c: {  	[sflag:s12] =	ssyncset.done $0x0  }
0x1d: {  	[sflag:s12] =	ssyncadd.s32 $0xFFFFEC70  }
0x1e: {  	[bflag:$0x0] =	sbarrier.arrive $0xFFFF  }
0x1f: {  	s25 =	smov.u32 s10;
	s26 =	simm.s32 $0x0  }
.LBB2_10:
0x20: {  	s28 =	simm.s32 @!p1 $0x1  }
0x21: {  	p2 =	sgt.u32 @!p1 s29, $0x9C3;
	_ =	swait.ge @!p1 [sflag:s28], $0x4000  }
0x22: {  	s29 =	simm.s32 @!p1 $0x400;
	s31 =	simm.s32 @!p1 $0x600;
	[sflag:s28] =	ssyncset.done @!p1 $0x0  }
0x23: {  	p2 =	por p2, p1;
	[sflag:s28] =	ssyncadd.s32 @!p1 $0xFFFFC000;
	s28 =	simm.s32 @!p1 $0x80  }
0x24: {  	[spmem:s2] =	stream.indirect.scatter.add.f32 @!p1 [tilespmem:s31], [sflag:$0x5], $0x80, s29, s28, $0xb8;
	[tilespmem:$0x1A280] =	vst v63  }
0x25: {  	s28 =	simm.s32 @!p2 $0x2  }
0x26: {  	_ =	swait.ge @!p2 [sflag:s28], $0x4000  }
0x27: {  	s29 =	simm.s32 @!p2 $0x480;
	[sflag:s28] =	ssyncset.done @!p2 $0x0  }
0x28: {  	s31 =	simm.s32 @!p2 $0x4600;
	[sflag:s28] =	ssyncadd.s32 @!p2 $0xFFFFC000;
	s28 =	simm.s32 @!p2 $0x80  }
0x29: {  	[spmem:s2] =	stream.indirect.scatter.add.f32 @!p2 [tilespmem:s31], [sflag:$0x6], $0x80, s29, s28, $0xb8;
	[tilespmem:$0x1A280] =	vst v63  }
0x2a: {  	p2 =	sgt.u32 @!p1 s30, $0x9C3  }
0x2b: {  	p2 =	por p2, p1  }
0x2c: {  	s28 =	simm.s32 @!p2 $0x3  }
0x2d: {  	_ =	swait.ge @!p2 [sflag:s28], $0x4000  }
0x2e: {  	s29 =	simm.s32 @!p2 $0x500;
	[sflag:s28] =	ssyncset.done @!p2 $0x0  }
0x2f: {  	s30 =	simm.s32 @!p2 $0x8600;
	[sflag:s28] =	ssyncadd.s32 @!p2 $0xFFFFC000;
	s28 =	simm.s32 @!p2 $0x80  }
0x30: {  	[spmem:s2] =	stream.indirect.scatter.add.f32 @!p2 [tilespmem:s30], [sflag:$0x7], $0x80, s29, s28, $0xb8;
	[tilespmem:$0x1A280] =	vst v63  }
0x31: {  	p2 =	sgt.u32 @!p1 s25, $0x9C3  }
0x32: {  	p1 =	por p2, p1  }
0x33: {  	s28 =	simm.s32 @!p1 $0x4  }
0x34: {  	_ =	swait.ge @!p1 [sflag:s28], $0x4000  }
0x35: {  	s26 =	sadd.s32 $0x400, s26;
	s29 =	simm.s32 @!p1 $0x580;
	[sflag:s28] =	ssyncset.done @!p1 $0x0  }
0x36: {  	s30 =	simm.s32 @!p1 $0xC600;
	[sflag:s28] =	ssyncadd.s32 @!p1 $0xFFFFC000;
	s28 =	simm.s32 @!p1 $0x80  }
0x37: {  	[spmem:s2] =	stream.indirect.scatter.add.f32 @!p1 [tilespmem:s30], [sflag:$0x8], $0x80, s29, s28, $0xb8;
	[tilespmem:$0x1A280] =	vst v63  }
0x38: {  	p1 =	sne.s32 s26, $0xA000  }
.Ltmp3:
0x39: {  	_ = 	snop;
	(pc) =	sbr.rel @!p1 .LBB2_11-.Ltmp3, $2  }
0x3a: {  	_ =	sdelay $0x2  }
0x3b: {  	s25 =	sadd.s32 $0x40, s25  }
.LBB2_2:
0x3c: {  	s29 =	sadd.s32 $0xFFFFFFD0, s25  }
0x3d: {  	p1 =	sgt.u32 s29, $0x9C3  }
.Ltmp4:
0x3e: {  	p2 =	seq.s32 s26, $0x0;
	(pc) =	sbr.rel @p1 .LBB2_4-.Ltmp4, $4  }
0x3f: {  	s28 =	simm.s32 @!p2 $0x5  }
0x40: {  	_ =	swait.ge @!p2 [sflag:s28], $0x4000  }
0x41: {  	[sflag:s28] =	ssyncset.done @!p2 $0x0  }
0x42: {  	[sflag:s28] =	ssyncadd.s32 @!p2 $0xFFFFC000;
	s28 =	sadd.s32 s26, s9  }
0x43: {  	[tilespmem:s3], [sflag:$0x9] =	stream.linear.gather [hbm4b:s28+s3], $0x80, $0x38;
	[tilespmem:$0x1A280] =	vst v63  }
0x44: {  	_ =	swait.ge [sflag:s12], $0x80  }
0x45: {  	[sflag:s12] =	ssyncset.done $0x0  }
0x46: {  	[sflag:s12] =	ssyncadd.s32 $0xFFFFFF80  }
0x47: {  	v2 =	vld [tilespmem:$0x0]  }
0x48: {  	v3 =	vld [tilespmem:$0x10]  }
0x49: {  	v5 =	vld [tilespmem:$0x20]  }
0x4a: {  	v43 =	vld [tilespmem:$0x30]  }
0x4b: {  	v9 =	vld [tilespmem:$0x40]  }
0x4c: {  	v10 =	vld [tilespmem:$0x50]  }
0x4d: {  	v4 =	vand.u32 $0x4000, v2;
	v6 =	vand.u32 $0x3FFF, v2;
	v8 =	vand.u32 $0x4000, v3  }
0x4e: {  	v44 =	vand.u32 $0x3FFF, v3;
	v2 =	vshra.s32 v2, $0xF;
	v3 =	vshra.s32 v3, $0xF  }
0x4f: {  	v45 =	vand.u32 $0x4000, v5;
	v46 =	vand.u32 $0x3FFF, v5;
	v47 =	vand.u32 $0x4000, v43  }
0x50: {  	v48 =	vand.u32 $0x3FFF, v43;
	v53 =	vand.u32 $0x3FFF, v9;
	v54 =	vand.u32 $0x4000, v9  }
0x51: {  	v55 =	vand.u32 $0x4000, v10;
	v58 =	vand.u32 $0x3FFF, v10;
	vm0 =	veq.s32 v4, $0x0  }
0x52: {  	v52 =	vld [tilespmem:$0x60];
	v6 =	vadd.s32 v0, v6;
	vm9 =	veq.s32 v8, $0x0;
	vm10 =	veq.s32 v45, $0x0;
	[tilespmem:$0x400] =	vst v2  }
0x53: {  	vm11 =	veq.s32 v47, $0x0;
	[tilespmem:$0x410] =	vst v3;
	v3 =	vshra.s32 v5, $0xF;
	v7 =	vsel vm0, $0x0, v1  }
0x54: {  	v49 =	vadd.s32 v0, v48;
	v50 =	vsel vm11, $0x0, v1;
	[tilespmem:$0x420] =	vst v3;
	v6 =	vadd.s32 v7, v6  }
0x55: {  	v8 =	vsel vm9, $0x0, v1;
	v7 =	vadd.s32 v0, v44;
	v51 =	vadd.s32 v50, v49;
	[tilespmem:$0x200] =	vst v6  }
0x56: {  	v56 =	vld [tilespmem:$0x70];
	v2 =	vsel vm10, $0x0, v1;
	v7 =	vadd.s32 v8, v7;
	v6 =	vadd.s32 v0, v46;
	[tilespmem:$0x230] =	vst v51  }
0x57: {  	v60 =	vand.u32 $0x4000, v52;
	vm12 =	veq.s32 v54, $0x0;
	[tilespmem:$0x210] =	vst v7;
	v2 =	vadd.s32 v2, v6  }
0x58: {  	v3 =	vadd.s32 v0, v53;
	v57 =	vsel vm12, $0x0, v1;
	[tilespmem:$0x220] =	vst v2;
	v2 =	vshra.s32 v43, $0xF  }
0x59: {  	v61 =	vand.u32 $0x3FFF, v52;
	vm13 =	veq.s32 v55, $0x0;
	[tilespmem:$0x430] =	vst v2;
	v2 =	vadd.s32 v57, v3  }
0x5a: {  	v59 =	vsel vm13, $0x0, v1;
	v3 =	vadd.s32 v0, v58;
	[tilespmem:$0x240] =	vst v2;
	v2 =	vshra.s32 v9, $0xF  }
0x5b: {  	v62 =	vand.u32 $0x4000, v56;
	vm14 =	veq.s32 v60, $0x0;
	v3 =	vadd.s32 v59, v3;
	[tilespmem:$0x440] =	vst v2  }
0x5c: {  	v4 =	vsel vm14, $0x0, v1;
	v2 =	vshra.s32 v10, $0xF;
	[tilespmem:$0x250] =	vst v3;
	v3 =	vadd.s32 v0, v61  }
0x5d: {  	vm15 =	veq.s32 v62, $0x0;
	[tilespmem:$0x450] =	vst v2;
	v2 =	vadd.s32 v4, v3;
	v3 =	vand.u32 $0x3FFF, v56  }
0x5e: {  	v63 =	vsel vm15, $0x0, v1;
	[tilespmem:$0x260] =	vst v2;
	v2 =	vshra.s32 v52, $0xF;
	v3 =	vadd.s32 v0, v3  }
0x5f: {  	[tilespmem:$0x460] =	vst v2;
	v2 =	vadd.s32 v63, v3  }
0x60: {  	[tilespmem:$0x270] =	vst v2;
	v2 =	vshra.s32 v56, $0xF  }
0x61: {  	[tilespmem:$0x470] =	vst v2  }
0x62: {  	[tilespmem:s15], [sflag:$0x1] =	stream.indirect.gather [hbm4b:s5+s13], $0x80, s14, s13, $0xb8;
	[tilespmem:$0x1A280] =	vst v63  }
.LBB2_4:
0x63: {  	s29 =	sadd.s32 $0xFFFFFFE0, s25  }
0x64: {  	p3 =	sgt.u32 s29, $0x9C3  }
.Ltmp5:
0x65: {  	_ = 	snop;
	(pc) =	sbr.rel @p3 .LBB2_6-.Ltmp5, $4  }
0x66: {  	s30 =	simm.s32 @!p2 $0x6  }
0x67: {  	_ =	swait.ge @!p2 [sflag:s30], $0x4000  }
0x68: {  	[sflag:s30] =	ssyncset.done @!p2 $0x0  }
0x69: {  	[sflag:s30] =	ssyncadd.s32 @!p2 $0xFFFFC000  }
0x6a: {  	s30 =	sadd.s32 $0x100, s28  }
0x6b: {  	[tilespmem:s13], [sflag:$0x9] =	stream.linear.gather [hbm4b:s30+s3], $0x80, $0x38;
	[tilespmem:$0x1A280] =	vst v63  }
0x6c: {  	_ =	swait.ge [sflag:s12], $0x80  }
0x6d: {  	[sflag:s12] =	ssyncset.done $0x0  }
0x6e: {  	[sflag:s12] =	ssyncadd.s32 $0xFFFFFF80  }
0x6f: {  	v2 =	vld [tilespmem:$0x80]  }
0x70: {  	v3 =	vld [tilespmem:$0x90]  }
0x71: {  	v5 =	vld [tilespmem:$0xA0]  }
0x72: {  	v43 =	vld [tilespmem:$0xB0]  }
0x73: {  	v9 =	vld [tilespmem:$0xC0]  }
0x74: {  	v10 =	vld [tilespmem:$0xD0]  }
0x75: {  	v4 =	vand.u32 $0x4000, v2;
	v6 =	vand.u32 $0x3FFF, v2;
	v8 =	vand.u32 $0x4000, v3  }
0x76: {  	v44 =	vand.u32 $0x3FFF, v3;
	v2 =	vshra.s32 v2, $0xF;
	v3 =	vshra.s32 v3, $0xF  }
0x77: {  	v45 =	vand.u32 $0x4000, v5;
	v46 =	vand.u32 $0x3FFF, v5;
	v47 =	vand.u32 $0x4000, v43  }
0x78: {  	v48 =	vand.u32 $0x3FFF, v43;
	v53 =	vand.u32 $0x3FFF, v9;
	v54 =	vand.u32 $0x4000, v9  }
0x79: {  	v55 =	vand.u32 $0x4000, v10;
	v58 =	vand.u32 $0x3FFF, v10;
	vm0 =	veq.s32 v4, $0x0  }
0x7a: {  	v52 =	vld [tilespmem:$0xE0];
	v6 =	vadd.s32 v0, v6;
	vm9 =	veq.s32 v8, $0x0;
	vm10 =	veq.s32 v45, $0x0;
	[tilespmem:$0x480] =	vst v2  }
0x7b: {  	vm11 =	veq.s32 v47, $0x0;
	[tilespmem:$0x490] =	vst v3;
	v3 =	vshra.s32 v5, $0xF;
	v7 =	vsel vm0, $0x0, v1  }
0x7c: {  	v49 =	vadd.s32 v0, v48;
	v50 =	vsel vm11, $0x0, v1;
	[tilespmem:$0x4A0] =	vst v3;
	v6 =	vadd.s32 v7, v6  }
0x7d: {  	v8 =	vsel vm9, $0x0, v1;
	v7 =	vadd.s32 v0, v44;
	v51 =	vadd.s32 v50, v49;
	[tilespmem:$0x280] =	vst v6  }
0x7e: {  	v56 =	vld [tilespmem:$0xF0];
	v2 =	vsel vm10, $0x0, v1;
	v7 =	vadd.s32 v8, v7;
	v6 =	vadd.s32 v0, v46;
	[tilespmem:$0x2B0] =	vst v51  }
0x7f: {  	v60 =	vand.u32 $0x4000, v52;
	vm12 =	veq.s32 v54, $0x0;
	[tilespmem:$0x290] =	vst v7;
	v2 =	vadd.s32 v2, v6  }
0x80: {  	v3 =	vadd.s32 v0, v53;
	v57 =	vsel vm12, $0x0, v1;
	[tilespmem:$0x2A0] =	vst v2;
	v2 =	vshra.s32 v43, $0xF  }
0x81: {  	v61 =	vand.u32 $0x3FFF, v52;
	vm13 =	veq.s32 v55, $0x0;
	[tilespmem:$0x4B0] =	vst v2;
	v2 =	vadd.s32 v57, v3  }
0x82: {  	v59 =	vsel vm13, $0x0, v1;
	v3 =	vadd.s32 v0, v58;
	[tilespmem:$0x2C0] =	vst v2;
	v2 =	vshra.s32 v9, $0xF  }
0x83: {  	v62 =	vand.u32 $0x4000, v56;
	vm14 =	veq.s32 v60, $0x0;
	v3 =	vadd.s32 v59, v3;
	[tilespmem:$0x4C0] =	vst v2  }
0x84: {  	v4 =	vsel vm14, $0x0, v1;
	v2 =	vshra.s32 v10, $0xF;
	[tilespmem:$0x2D0] =	vst v3;
	v3 =	vadd.s32 v0, v61  }
0x85: {  	vm15 =	veq.s32 v62, $0x0;
	[tilespmem:$0x4D0] =	vst v2;
	v2 =	vadd.s32 v4, v3;
	v3 =	vand.u32 $0x3FFF, v56  }
0x86: {  	v63 =	vsel vm15, $0x0, v1;
	[tilespmem:$0x2E0] =	vst v2;
	v2 =	vshra.s32 v52, $0xF;
	v3 =	vadd.s32 v0, v3  }
0x87: {  	[tilespmem:$0x4E0] =	vst v2;
	v2 =	vadd.s32 v63, v3  }
0x88: {  	[tilespmem:$0x2F0] =	vst v2;
	v2 =	vshra.s32 v56, $0xF  }
0x89: {  	[tilespmem:$0x4F0] =	vst v2  }
0x8a: {  	[tilespmem:s17], [sflag:$0x2] =	stream.indirect.gather [hbm4b:s5+s13], $0x80, s16, s13, $0xb8;
	[tilespmem:$0x1A280] =	vst v63  }
.LBB2_6:
0x8b: {  	s30 =	sadd.s32 $0xFFFFFFF0, s25  }
0x8c: {  	p3 =	sgt.u32 s30, $0x9C3  }
.Ltmp6:
0x8d: {  	_ = 	snop;
	(pc) =	sbr.rel @p3 .LBB2_8-.Ltmp6, $4  }
0x8e: {  	s31 =	simm.s32 @!p2 $0x7  }
0x8f: {  	_ =	swait.ge @!p2 [sflag:s31], $0x4000  }
0x90: {  	[sflag:s31] =	ssyncset.done @!p2 $0x0  }
0x91: {  	[sflag:s31] =	ssyncadd.s32 @!p2 $0xFFFFC000  }
0x92: {  	s31 =	sadd.s32 $0x200, s28  }
0x93: {  	[tilespmem:s18], [sflag:$0x9] =	stream.linear.gather [hbm4b:s31+s3], $0x80, $0x38;
	[tilespmem:$0x1A280] =	vst v63  }
0x94: {  	_ =	swait.ge [sflag:s12], $0x80  }
0x95: {  	[sflag:s12] =	ssyncset.done $0x0  }
0x96: {  	[sflag:s12] =	ssyncadd.s32 $0xFFFFFF80  }
0x97: {  	v2 =	vld [tilespmem:$0x100]  }
0x98: {  	v3 =	vld [tilespmem:$0x110]  }
0x99: {  	v5 =	vld [tilespmem:$0x120]  }
0x9a: {  	v43 =	vld [tilespmem:$0x130]  }
0x9b: {  	v9 =	vld [tilespmem:$0x140]  }
0x9c: {  	v10 =	vld [tilespmem:$0x150]  }
0x9d: {  	v4 =	vand.u32 $0x4000, v2;
	v6 =	vand.u32 $0x3FFF, v2;
	v8 =	vand.u32 $0x4000, v3  }
0x9e: {  	v44 =	vand.u32 $0x3FFF, v3;
	v2 =	vshra.s32 v2, $0xF;
	v3 =	vshra.s32 v3, $0xF  }
0x9f: {  	v45 =	vand.u32 $0x4000, v5;
	v46 =	vand.u32 $0x3FFF, v5;
	v47 =	vand.u32 $0x4000, v43  }
0xa0: {  	v48 =	vand.u32 $0x3FFF, v43;
	v53 =	vand.u32 $0x3FFF, v9;
	v54 =	vand.u32 $0x4000, v9  }
0xa1: {  	v55 =	vand.u32 $0x4000, v10;
	v58 =	vand.u32 $0x3FFF, v10;
	vm0 =	veq.s32 v4, $0x0  }
0xa2: {  	v52 =	vld [tilespmem:$0x160];
	v6 =	vadd.s32 v0, v6;
	vm9 =	veq.s32 v8, $0x0;
	vm10 =	veq.s32 v45, $0x0;
	[tilespmem:$0x500] =	vst v2  }
0xa3: {  	vm11 =	veq.s32 v47, $0x0;
	[tilespmem:$0x510] =	vst v3;
	v3 =	vshra.s32 v5, $0xF;
	v7 =	vsel vm0, $0x0, v1  }
0xa4: {  	v49 =	vadd.s32 v0, v48;
	v50 =	vsel vm11, $0x0, v1;
	[tilespmem:$0x520] =	vst v3;
	v6 =	vadd.s32 v7, v6  }
0xa5: {  	v8 =	vsel vm9, $0x0, v1;
	v7 =	vadd.s32 v0, v44;
	v51 =	vadd.s32 v50, v49;
	[tilespmem:$0x300] =	vst v6  }
0xa6: {  	v56 =	vld [tilespmem:$0x170];
	v2 =	vsel vm10, $0x0, v1;
	v7 =	vadd.s32 v8, v7;
	v6 =	vadd.s32 v0, v46;
	[tilespmem:$0x330] =	vst v51  }
0xa7: {  	v60 =	vand.u32 $0x4000, v52;
	vm12 =	veq.s32 v54, $0x0;
	[tilespmem:$0x310] =	vst v7;
	v2 =	vadd.s32 v2, v6  }
0xa8: {  	v3 =	vadd.s32 v0, v53;
	v57 =	vsel vm12, $0x0, v1;
	[tilespmem:$0x320] =	vst v2;
	v2 =	vshra.s32 v43, $0xF  }
0xa9: {  	v61 =	vand.u32 $0x3FFF, v52;
	vm13 =	veq.s32 v55, $0x0;
	[tilespmem:$0x530] =	vst v2;
	v2 =	vadd.s32 v57, v3  }
0xaa: {  	v59 =	vsel vm13, $0x0, v1;
	v3 =	vadd.s32 v0, v58;
	[tilespmem:$0x340] =	vst v2;
	v2 =	vshra.s32 v9, $0xF  }
0xab: {  	v62 =	vand.u32 $0x4000, v56;
	vm14 =	veq.s32 v60, $0x0;
	v3 =	vadd.s32 v59, v3;
	[tilespmem:$0x540] =	vst v2  }
0xac: {  	v4 =	vsel vm14, $0x0, v1;
	v2 =	vshra.s32 v10, $0xF;
	[tilespmem:$0x350] =	vst v3;
	v3 =	vadd.s32 v0, v61  }
0xad: {  	vm15 =	veq.s32 v62, $0x0;
	[tilespmem:$0x550] =	vst v2;
	v2 =	vadd.s32 v4, v3;
	v3 =	vand.u32 $0x3FFF, v56  }
0xae: {  	v63 =	vsel vm15, $0x0, v1;
	[tilespmem:$0x360] =	vst v2;
	v2 =	vshra.s32 v52, $0xF;
	v3 =	vadd.s32 v0, v3  }
0xaf: {  	[tilespmem:$0x560] =	vst v2;
	v2 =	vadd.s32 v63, v3  }
0xb0: {  	[tilespmem:$0x370] =	vst v2;
	v2 =	vshra.s32 v56, $0xF  }
0xb1: {  	[tilespmem:$0x570] =	vst v2  }
0xb2: {  	[tilespmem:s20], [sflag:$0x3] =	stream.indirect.gather [hbm4b:s5+s13], $0x80, s19, s13, $0xb8;
	[tilespmem:$0x1A280] =	vst v63  }
.LBB2_8:
0xb3: {  	p3 =	sgt.u32 s25, $0x9C3  }
.Ltmp7:
0xb4: {  	_ = 	snop;
	(pc) =	sbr.rel @p3 .LBB2_10-.Ltmp7, $4  }
0xb5: {  	s31 =	simm.s32 @!p2 $0x8  }
0xb6: {  	_ =	swait.ge @!p2 [sflag:s31], $0x4000  }
0xb7: {  	[sflag:s31] =	ssyncset.done @!p2 $0x0  }
0xb8: {  	[sflag:s31] =	ssyncadd.s32 @!p2 $0xFFFFC000  }
0xb9: {  	s28 =	sadd.s32 $0x300, s28  }
0xba: {  	[tilespmem:s21], [sflag:$0x9] =	stream.linear.gather [hbm4b:s28+s3], $0x80, $0x38;
	[tilespmem:$0x1A280] =	vst v63  }
0xbb: {  	_ =	swait.ge [sflag:s12], $0x80  }
0xbc: {  	[sflag:s12] =	ssyncset.done $0x0  }
0xbd: {  	[sflag:s12] =	ssyncadd.s32 $0xFFFFFF80  }
0xbe: {  	v2 =	vld [tilespmem:$0x180]  }
0xbf: {  	v3 =	vld [tilespmem:$0x190]  }
0xc0: {  	v5 =	vld [tilespmem:$0x1A0]  }
0xc1: {  	v43 =	vld [tilespmem:$0x1B0]  }
0xc2: {  	v9 =	vld [tilespmem:$0x1C0]  }
0xc3: {  	v10 =	vld [tilespmem:$0x1D0]  }
0xc4: {  	v4 =	vand.u32 $0x4000, v2;
	v6 =	vand.u32 $0x3FFF, v2;
	v8 =	vand.u32 $0x4000, v3  }
0xc5: {  	v44 =	vand.u32 $0x3FFF, v3;
	v2 =	vshra.s32 v2, $0xF;
	v3 =	vshra.s32 v3, $0xF  }
0xc6: {  	v45 =	vand.u32 $0x4000, v5;
	v46 =	vand.u32 $0x3FFF, v5;
	v47 =	vand.u32 $0x4000, v43  }
0xc7: {  	v48 =	vand.u32 $0x3FFF, v43;
	v53 =	vand.u32 $0x3FFF, v9;
	v54 =	vand.u32 $0x4000, v9  }
0xc8: {  	v55 =	vand.u32 $0x4000, v10;
	v58 =	vand.u32 $0x3FFF, v10;
	vm0 =	veq.s32 v4, $0x0  }
0xc9: {  	v52 =	vld [tilespmem:$0x1E0];
	v6 =	vadd.s32 v0, v6;
	vm9 =	veq.s32 v8, $0x0;
	vm10 =	veq.s32 v45, $0x0;
	[tilespmem:$0x580] =	vst v2  }
0xca: {  	vm11 =	veq.s32 v47, $0x0;
	[tilespmem:$0x590] =	vst v3;
	v3 =	vshra.s32 v5, $0xF;
	v7 =	vsel vm0, $0x0, v1  }
0xcb: {  	v49 =	vadd.s32 v0, v48;
	v50 =	vsel vm11, $0x0, v1;
	[tilespmem:$0x5A0] =	vst v3;
	v6 =	vadd.s32 v7, v6  }
0xcc: {  	v8 =	vsel vm9, $0x0, v1;
	v7 =	vadd.s32 v0, v44;
	v51 =	vadd.s32 v50, v49;
	[tilespmem:$0x380] =	vst v6  }
0xcd: {  	v56 =	vld [tilespmem:$0x1F0];
	v2 =	vsel vm10, $0x0, v1;
	v7 =	vadd.s32 v8, v7;
	v6 =	vadd.s32 v0, v46;
	[tilespmem:$0x3B0] =	vst v51  }
0xce: {  	v60 =	vand.u32 $0x4000, v52;
	vm12 =	veq.s32 v54, $0x0;
	[tilespmem:$0x390] =	vst v7;
	v2 =	vadd.s32 v2, v6  }
0xcf: {  	v3 =	vadd.s32 v0, v53;
	v57 =	vsel vm12, $0x0, v1;
	[tilespmem:$0x3A0] =	vst v2;
	v2 =	vshra.s32 v43, $0xF  }
0xd0: {  	v61 =	vand.u32 $0x3FFF, v52;
	vm13 =	veq.s32 v55, $0x0;
	[tilespmem:$0x5B0] =	vst v2;
	v2 =	vadd.s32 v57, v3  }
0xd1: {  	v59 =	vsel vm13, $0x0, v1;
	v3 =	vadd.s32 v0, v58;
	[tilespmem:$0x3C0] =	vst v2;
	v2 =	vshra.s32 v9, $0xF  }
0xd2: {  	v62 =	vand.u32 $0x4000, v56;
	vm14 =	veq.s32 v60, $0x0;
	v3 =	vadd.s32 v59, v3;
	[tilespmem:$0x5C0] =	vst v2  }
0xd3: {  	v4 =	vsel vm14, $0x0, v1;
	v2 =	vshra.s32 v10, $0xF;
	[tilespmem:$0x3D0] =	vst v3;
	v3 =	vadd.s32 v0, v61  }
0xd4: {  	vm15 =	veq.s32 v62, $0x0;
	[tilespmem:$0x5D0] =	vst v2;
	v2 =	vadd.s32 v4, v3;
	v3 =	vand.u32 $0x3FFF, v56  }
.Ltmp8:
0xd5: {  	v63 =	vsel vm15, $0x0, v1;
	[tilespmem:$0x3E0] =	vst v2;
	v2 =	vshra.s32 v52, $0xF;
	v3 =	vadd.s32 v0, v3;
	(pc) =	sbr.rel .LBB2_10-.Ltmp8, $4  }
0xd6: {  	[tilespmem:$0x5E0] =	vst v2;
	v2 =	vadd.s32 v63, v3  }
0xd7: {  	[tilespmem:$0x3F0] =	vst v2;
	v2 =	vshra.s32 v56, $0xF  }
0xd8: {  	[tilespmem:$0x5F0] =	vst v2  }
0xd9: {  	[tilespmem:s23], [sflag:$0x4] =	stream.indirect.gather [hbm4b:s5+s13], $0x80, s22, s13, $0xb8;
	[tilespmem:$0x1A280] =	vst v63  }
.LBB2_12:
0xda: {  	_ =	sfence.sel $0x180000  }
0xdb: {  	[bflag:$0x0] =	sbarrier.arrive $0xFFFF  }
0xdc: {  	p0 =	sne.s32 s1, $0x0;
	_ =	strace $0x9000004A  }
0xdd: {  	s0 =	sadd.s32 @!p0 $0x100000, s0;
	[bflag:$0x2] =	sbarrier.arrive $0xFFFF  }
0xde: {  	[sflag:s0] =	ssyncadd.tile.s32 @!p0 $0x1;
	_ =	shalt  }
.Lfunc_end2:
_tile_overlayer_lowered:
.L_overlay_start_2:
0xdf: {  	(tag) =	ssettag $0x2  }
0xe0: {  	s0 =	rddreg [dreg:$0x0];
	s2 =	stileid.u32  }
0xe1: {  	s1 =	rddreg [dreg:$0x1];
	p0 =	sne.s32 s2, $0x0  }
0xe2: {  	s3 =	rddreg [dreg:$0x2];
	[bflag:$0x3] =	sbarrier.arrive $0xFFFF;
	s2 =	simm.s32 @!p0 $0x1C09  }
0xe3: {  	[timem:s3], [sflag:s2] =	dma.local @!p0 [hbm:s0], s1  }
0xe4: {  	s0 =	simm.s32 @!p0 $0x9  }
0xe5: {  	_ =	swait.ge @!p0 [sflag:s0], s1  }
0xe6: {  	s1 =	ssub.s32 @!p0 $0x0, s1;
	[sflag:s0] =	ssyncset.done @!p0 $0x0  }
0xe7: {  	[sflag:s0] =	ssyncadd.s32 @!p0 s1  }
0xe8: {  	[bflag:$0x3] =	sbarrier.arrive $0xFFFF  }
0xe9: {  	_ =	shalt  }

// kernel: _run.7.cloned.1.call-start
scs
__scs_entry_jumppad:
0x0: {  	(pc) =	sbr.rel $0x88, $3  }
0x1: {  	(tag) =	ssettag $0x0;
	lr =	simm.s32 $0x1  }
0x2: {  	[smem:$0x3F95] =	sst lr;
	_ =	strace $0xD0000000  }
0x3: {  	_ = 	snop  }
0x4: {  	_ = 	snop  }
0x5: {  	_ = 	snop  }
0x6: {  	_ = 	snop  }
0x7: {  	_ = 	snop  }
__scs_overlays_trampoline_lowered:
0x8: {  	[smem:$0x3FA4] =	sst s0  }
0x9: {  	[smem:$0x3FA5] =	sst s1  }
0xa: {  	[smem:$0x3FA6] =	sst s2  }
0xb: {  	[smem:$0x3FA7] =	sst s3  }
0xc: {  	[smem:$0x3FA8] =	sst s4  }
0xd: {  	[smem:$0x3FA9] =	sst s5  }
0xe: {  	[smem:$0x3FAA] =	sst s6  }
0xf: {  	[smem:$0x3FAB] =	sst s7  }
0x10: {  	[smem:$0x3FAC] =	sst s8  }
0x11: {  	[smem:$0x3FAD] =	sst s9;
	s0 =	simm.s32 @!p0 $0x0  }
0x12: {  	s1 =	sld [smem:$0x3F93];
	s0 =	simm.s32 @p0 $0x1  }
0x13: {  	[smem:$0x3FAE] =	sst s0;
	s0 =	simm.s32 @!p1 $0x0  }
0x14: {  	s2 =	sld [smem:$0x3F92];
	s0 =	simm.s32 @p1 $0x1  }
0x15: {  	[smem:$0x3FAF] =	sst s0;
	s0 =	simm.s32 @!p2 $0x0  }
0x16: {  	s3 =	sld [smem:$0x3FDB];
	s0 =	simm.s32 @p2 $0x1  }
0x17: {  	s4 =	simm.s32 $0x1BF5;
	[smem:$0x3FB1] =	sst s0  }
0x18: {  	s0 =	sld [smem:$0x3F94];
	_ =	swait.ge [sflag:s4], $0x0  }
0x19: {  	s7 =	sld [smem:$0x3F95]  }
0x1a: {  	s8 =	sadd.s32 $0xFFFFE003, lr  }
0x1b: {  	s9 =	sadd.s32 $0xFFFFFEF7, lr;
	s5 =	simm.s32 $0xFFFFFFFF;
	p2 =	slt.u32 s8, $0xFFFFF086  }
0x1c: {  	p1 =	slt.u32 s9, $0xF7A;
	s5 =	simm.s32 @!p2 $0x0  }
0x1d: {  	s5 =	simm.s32 @p1 $0x1;
	p0 =	seq.s32 s7, s2  }
0x1e: {  	s7 =	smul.u32 @!p0 $0xF7A, s2;
	p2 =	seq.s32 @!p0 s5, $0x0  }
0x1f: {  	s9 =	smul.u32 $0xF7A, s1;
	s8 =	simm.s32 @!p0 $0x1BF5;
	p2 =	por !p2, p0  }
0x20: {  	[sflag:s8] =	ssyncset.s32 @!p0 $0xFFFFF086;
	s6 =	sadd.s32 @!p0 s3, s7;
	s7 =	simm.s32 @!p0 $0x108  }
0x21: {  	s3 =	sadd.s32 s3, s9;
	s6 =	sadd.s32 @!p0 $0x88, s6;
	s7 =	simm.s32 @p2 $0x1082  }
0x22: {  	[simem:s7], [sflag:s8] =	dma.local @!p0 [hbm:s6], $0xF7A  }
0x23: {  	s9 =	sor.u32 $0xD0000000, s2;
	s6 =	simm.s32 $0x108;
	_ =	swait.ge @!p0 [sflag:s8], $0x0  }
0x24: {  	s3 =	sadd.s32 $0x88, s3;
	s6 =	simm.s32 @!p1 $0x1082;
	[sflag:s4] =	ssyncset.s32 $0xFFFFF086  }
0x25: {  	[simem:s6], [sflag:s4] =	dma.local [hbm:s3], $0xF7A  }
0x26: {  	[smem:$0x3F95] =	sst s1;
	(tag) =	ssettag s2;
	_ =	strace s9  }
0x27: {  	s1 =	sld [smem:$0x3FA5]  }
0x28: {  	s2 =	sld [smem:$0x3FA6]  }
0x29: {  	s4 =	sld [smem:$0x3FA8]  }
0x2a: {  	p0 =	seq.s32 s5, $0x0;
	s5 =	sld [smem:$0x3FA9]  }
0x2b: {  	s6 =	sld [smem:$0x3FAA]  }
0x2c: {  	s7 =	sld [smem:$0x3FAB]  }
0x2d: {  	s3 =	simm.s32 $0x108;
	s8 =	sld [smem:$0x3FAC]  }
0x2e: {  	s3 =	simm.s32 @!p0 $0x1082;
	s9 =	sld [smem:$0x3FAD]  }
0x2f: {  	lr =	sadd.s32 s0, s3;
	s0 =	sld [smem:$0x3FA4]  }
0x30: {  	s3 =	sld [smem:$0x3FA7]  }
0x31: {  	[smem:$0x3FB0] =	sst s10  }
0x32: {  	s10 =	sld [smem:$0x3FAE];
	_ =	sdelay $0x3  }
0x33: {  	p0 =	seq.s32 s10, $0x1;
	s10 =	sld [smem:$0x3FB0];
	_ =	sdelay $0x3  }
0x34: {  	[smem:$0x3FB0] =	sst s10  }
0x35: {  	s10 =	sld [smem:$0x3FAF];
	_ =	sdelay $0x3  }
0x36: {  	p1 =	seq.s32 s10, $0x1;
	s10 =	sld [smem:$0x3FB0];
	_ =	sdelay $0x3  }
0x37: {  	[smem:$0x3FB0] =	sst s10  }
0x38: {  	s10 =	sld [smem:$0x3FB1]  }
0x39: {  	_ = 	snop;
	(pc) =	sbr.ind lr, $3  }
0x3a: {  	_ = 	snop  }
0x3b: {  	_ = 	snop  }
0x3c: {  	p2 =	seq.s32 s10, $0x1;
	s10 =	sld [smem:$0x3FB0]  }
0x3d: {  	_ =	shalt  }
0x3e: {  	_ =	shalt  }
0x3f: {  	_ =	shalt  }
0x40: {  	_ =	shalt  }
0x41: {  	_ =	shalt  }
0x42: {  	_ =	shalt  }
0x43: {  	_ =	shalt  }
0x44: {  	_ =	shalt  }
0x45: {  	_ =	shalt  }
0x46: {  	_ =	shalt  }
0x47: {  	_ =	shalt  }
0x48: {  	_ =	shalt  }
0x49: {  	_ =	shalt  }
0x4a: {  	_ =	shalt  }
0x4b: {  	_ =	shalt  }
0x4c: {  	_ =	shalt  }
0x4d: {  	_ =	shalt  }
0x4e: {  	_ =	shalt  }
0x4f: {  	_ =	shalt  }
0x50: {  	_ =	shalt  }
0x51: {  	_ =	shalt  }
0x52: {  	_ =	shalt  }
0x53: {  	_ =	shalt  }
0x54: {  	_ =	shalt  }
0x55: {  	_ =	shalt  }
0x56: {  	_ =	shalt  }
0x57: {  	_ =	shalt  }
0x58: {  	_ =	shalt  }
0x59: {  	_ =	shalt  }
0x5a: {  	_ =	shalt  }
0x5b: {  	_ =	shalt  }
0x5c: {  	_ =	shalt  }
0x5d: {  	_ =	shalt  }
0x5e: {  	_ =	shalt  }
0x5f: {  	_ =	shalt  }
0x60: {  	_ =	shalt  }
0x61: {  	_ =	shalt  }
0x62: {  	_ =	shalt  }
0x63: {  	_ =	shalt  }
0x64: {  	_ =	shalt  }
0x65: {  	_ =	shalt  }
0x66: {  	_ =	shalt  }
0x67: {  	_ =	shalt  }
0x68: {  	_ =	shalt  }
0x69: {  	_ =	shalt  }
0x6a: {  	_ =	shalt  }
0x6b: {  	_ =	shalt  }
0x6c: {  	_ =	shalt  }
0x6d: {  	_ =	shalt  }
0x6e: {  	_ =	shalt  }
0x6f: {  	_ =	shalt  }
0x70: {  	_ =	shalt  }
0x71: {  	_ =	shalt  }
0x72: {  	_ =	shalt  }
0x73: {  	_ =	shalt  }
0x74: {  	_ =	shalt  }
0x75: {  	_ =	shalt  }
0x76: {  	_ =	shalt  }
0x77: {  	_ =	shalt  }
0x78: {  	_ =	shalt  }
0x79: {  	_ =	shalt  }
0x7a: {  	_ =	shalt  }
0x7b: {  	_ =	shalt  }
0x7c: {  	_ =	shalt  }
0x7d: {  	_ =	shalt  }
0x7e: {  	_ =	shalt  }
0x7f: {  	_ =	shalt  }
0x80: {  	_ =	shalt  }
0x81: {  	_ =	shalt  }
0x82: {  	_ =	shalt  }
0x83: {  	_ =	shalt  }
0x84: {  	_ =	shalt  }
0x85: {  	_ =	shalt  }
0x86: {  	_ =	shalt  }
0x87: {  	_ =	shalt  }
.Lfunc_end0:
.L_simem_size_0:
called_computation_lowered:
.L_overlay_start_0:
0x88: {  	s2 =	sld [smem:$0x3FD9]  }
0x89: {  	s3 =	sld [smem:$0x3FFE];
	_ =	sdelay $0x1  }
0x8a: {  	s1 =	srdreg.scid  }
0x8b: {  	s0 =	sand.u32 $0x1, s1  }
0x8c: {  	s16 =	sshll.u32 s0, $0xA;
	s2 =	sadd.s32 s3, s2  }
0x8d: {  	s2 =	sadd.s32 s2, s16  }
0x8e: {  	[smem:$0x3FBC] =	sst s2  }
0x8f: {  	_ = 	snop  }
0x90: {  	(tm) =	ssettm $0x1  }
0x91: {  	s17 =	sld [smem:$0x3FFB];
	_ =	sdelay $0x3  }
0x92: {  	_ =	strace s17  }
0x93: {  	s2 =	sld [smem:$0x3FFC];
	_ =	sdelay $0x3  }
0x94: {  	_ =	strace s2  }
0x95: {  	s2 =	sld [smem:$0x3FFD];
	_ =	sdelay $0x3  }
0x96: {  	_ =	strace s2  }
0x97: {  	_ =	strace $0x8FFFFFFF  }
0x98: {  	s18 =	sld [smem:$0x3FDB];
	_ =	sdelay $0x1  }
0x99: {  	s19 =	simm.s32 $_scs_section_size  }
0x9a: {  	s4 =	simm.s32 $_size__tile_overlayer_lowered;
	s5 =	simm.s32 $_tile_overlayer_lowered  }
0x9b: {  	s22 =	simm.s32 $0x1BFF;
	s21 =	sshll.u32 s5, $0x1;
	s2 =	sadd.s32 s19, s18  }
0x9c: {  	s6 =	simm.s32 $0x0;
	s20 =	sshll.u32 s4, $0x1;
	s4 =	sadd.s32 s21, s2  }
0x9d: {  	[timem:s6], [sflag:s22] =	dma.local [hbm:s4], s20  }
0x9e: {  	_ =	swait.ge [sflag:s22], s20  }
0x9f: {  	s3 =	ssub.s32 $0x0, s20;
	[sflag:s22] =	ssyncset.done $0x0  }
0xa0: {  	[sflag:s22] =	ssyncadd.s32 s3;
	_ =	sdelay $0x1  }
0xa1: {  	s23 =	simm.s32 $0x1B8B  }
0xa2: {  	_ =	swait.ge [sflag:s23], $0x1  }
0xa3: {  	[sflag:s23] =	ssyncset.done $0x0  }
0xa4: {  	s25 =	simm.s32 $0x1B8E;
	s24 =	sld [smem:$0x3FFE];
	[sflag:s23] =	ssyncadd.s32 $0xFFFFFFFF  }
0xa5: {  	s26 =	simm.s32 $execute0_lowered;
	[smem:$0x3FD2] =	sst s25  }
0xa6: {  	s4 =	sshll.u32 s26, $0x1;
	_ =	strace $0x80000046;
	[dreg:$0x1] =	wrdreg $0xFFFFFFFF  }
0xa7: {  	s28 =	simm.s32 $_size_execute0_lowered;
	s2 =	sadd.s32 s2, s4;
	[dreg:$0x0] =	wrdreg $0x0  }
0xa8: {  	s4 =	sshll.u32 s28, $0x1;
	[dreg:$0x2] =	wrdreg s2  }
0xa9: {  	[dreg:$0x3] =	wrdreg s4  }
0xaa: {  	[dreg:$0x4] =	wrdreg $0xC0  }
0xab: {  	_ =	task [dreg:s6], $0x5FFFF  }
0xac: {  	[dreg:$0x1] =	wrdreg $0xFFFFFFFF  }
0xad: {  	[dreg:$0x0] =	wrdreg $0x60  }
0xae: {  	[dreg:$0x2] =	wrdreg s24  }
0xaf: {  	[dreg:$0x3] =	wrdreg $0x42000  }
0xb0: {  	[dreg:$0x4] =	wrdreg $0x9  }
0xb1: {  	_ =	task.clear_ibuf [dreg:s6], $0x5FFFF;
	_ =	strace $0x90000046  }
0xb2: {  	s29 =	simm.s32 $0x9;
	_ =	strace $0x80000048  }
0xb3: {  	_ =	swait.ge [sflag:s29], $0x1  }
0xb4: {  	[sflag:s29] =	ssyncadd.s32 $0xFFFFFFFF  }
0xb5: {  	_ =	strace $0x90000048  }
0xb6: {  	_ =	sfence  }
0xb7: {  	s30 =	sld [smem:$0x0];
	_ =	sdelay $0x2  }
0xb8: {  	s31 =	sshll.u32 s1, $0xD;
	s1 =	sshrl.u32 s1, $0x2  }
0xb9: {  	s3 =	sand.u32 $0x4000, s31;
	s1 =	sadd.s32 s1, s30  }
0xba: {  	s0 =	sor.u32 s3, s0;
	s1 =	sshll.u32 s1, $0x11  }
0xbb: {  	s0 =	sor.u32 s1, s0  }
0xbc: {  	s0 =	sadd.s32 $0x8F2B, s0  }
0xbd: {  	[sflag:s0] =	ssyncadd.remote.s32 $0x1  }
0xbe: {  	_ =	sfence.sel $0xFFFF  }
0xbf: {  	[dreg:$0x0] =	wrdreg $0xFFFFFFFF;
	(pc) =	sbr.abs _section_cstart, $3  }
0xc0: {  	[dreg:$0x1] =	wrdreg $0xFFFFFFFF  }
0xc1: {  	_ =	task.clear_ibuf [dreg:s6], $0x2FFFF;
	_ =	strace $0x9FFFFFFF  }
0xc2: {  	(tm) =	ssettm $0x7FFFFFFF  }
0xc3: {  	_ =	shalt  }
tec
execute0_lowered:
.L_overlay_start_1:
0x0: {  	(tag) =	ssettag $0x1  }
0x1: {  	s6 =	rddreg [dreg:$0x0]  }
0x2: {  	s1 =	rddreg [dreg:$0x1]  }
0x3: {  	s2 =	srdreg.scid;
	s0 =	rddreg [dreg:$0x2]  }
0x4: {  	s3 =	simm.s32 $0x0;
	s7 =	sand.u32 $0x1, s2;
	s2 =	stileid.u32  }
0x5: {  	s15 =	simm.s32 $0x0;
	[smem:$0x7FF] =	sst s3;
	s5 =	smul.u32 $0x4E20, s7  }
0x6: {  	s4 =	sshll.u32 s7, $0x5;
	_ =	strace $0x80000047;
	s10 =	smul.u32 $0x29000, s2  }
0x7: {  	s7 =	ssub.s32 $0x2, s7;
	s11 =	smul.u32 $0x28000, s2;
	s30 =	sshll.u32 s2, $0x4  }
0x8: {  	s31 =	sshll.u32 s2, $0x6;
	p0 =	sgt.u32 s2, $0x1;
	s4 =	sor.u32 s2, s4  }
0x9: {  	s28 =	sshrl.u32 s7, $0x1;
	s8 =	smul.u32 $0x1400, s4;
	s9 =	sadd.s32 s5, s6  }
0xa: {  	s4 =	sadd.s32 $0xBC00, s6;
	s5 =	sadd.s32 $0xD200, s6;
	s10 =	sshrl.u32 s10, $0x2  }
0xb: {  	s12 =	ssub.s32 s7, s28;
	s29 =	sshrl.u32 s11, $0x2;
	s11 =	simm.s32 $0x3  }
0xc: {  	s13 =	sadd.s32 s10, s1;
	s14 =	sadd.s32 s29, s1;
	s9 =	sadd.s32 s30, s9  }
0xd: {  	s10 =	sor.u32 $0x10, s2;
	s8 =	sadd.s32 s8, s6;
	s9 =	sadd.s32 $0x1E00, s9  }
0xe: {  	s13 =	sshrl.u32 s13, $0x3;
	s14 =	sshrl.u32 s14, $0x3;
	s6 =	sadd.s32 $0xDA00, s8  }
0xf: {  	s7 =	sadd.s32 $0x21A00, s8;
	s8 =	smax.u32 s12, $0x1;
	s12 =	sor.u32 $0x1C03, s31  }
.LBB2_1:
0x10: {  	[tilespmem:s3], [sflag:$0x3] =	stream.linear.gather [hbm4b:s5+s3], $0x4000, $0x38;
	[tilespmem:$0xE600] =	vst v63  }
0x11: {  	_ =	swait.ge [sflag:s11], $0x4000  }
0x12: {  	[sflag:s11] =	ssyncset.done $0x0  }
0x13: {  	[sflag:s11] =	ssyncadd.s32 $0xFFFFC000  }
0x14: {  	[spmem:s13], [sflag:s12] =	dma.local [hbm:s4], $0x1480  }
0x15: {  	_ =	swait.ge [sflag:s11], $0x1480  }
0x16: {  	[sflag:s11] =	ssyncset.done $0x0  }
0x17: {  	p1 =	por $0x1, $0x1;
	s17 =	sadd.s32 $0xFFFFFFF0, s10;
	[sflag:s11] =	ssyncadd.s32 $0xFFFFEB80  }
0x18: {  	s16 =	simm.s32 @!p1 $0x1;
	p2 =	por p1, p1;
	[bflag:$0x0] =	sbarrier.arrive $0xFFFF  }
0x19: {  	p1 =	sgt.u32 s17, $0x4E1;
	_ =	swait.ge @!p2 [sflag:s16], $0x4000  }
0x1a: {  	s17 =	sadd.s32 @!p1 $0x0, s9;
	s18 =	simm.s32 @!p1 $0x0;
	[sflag:s16] =	ssyncset.done @!p2 $0x0  }
0x1b: {  	s19 =	simm.s32 @!p1 $0x4000;
	[sflag:s16] =	ssyncadd.s32 @!p2 $0xFFFFC000;
	s16 =	simm.s32 @!p1 $0x3  }
0x1c: {  	[tilespmem:s19], [sflag:$0x3] =	stream.linear.gather @!p1 [hbm4b:s17+s18], $0x80, $0x38;
	[tilespmem:$0xE600] =	vst v63  }
0x1d: {  	_ =	swait.ge @!p1 [sflag:s16], $0x80  }
0x1e: {  	[sflag:s16] =	ssyncset.done @!p1 $0x0  }
0x1f: {  	[sflag:s16] =	ssyncadd.s32 @!p1 $0xFFFFFF80  }
0x20: {  	v0 =	vld @!p1 [tilespmem:$0x4020]  }
0x21: {  	v1 =	vld @!p1 [tilespmem:$0x4010]  }
0x22: {  	v2 =	vld @!p1 [tilespmem:$0x4030]  }
0x23: {  	v3 =	vld @!p1 [tilespmem:$0x4070]  }
0x24: {  	v4 =	vld @!p1 [tilespmem:$0x4040]  }
0x25: {  	v5 =	vlaneseq.u32 @!p1;
	v6 =	vld @!p1 [tilespmem:$0x4050];
	v0 =	vand.u32 @!p1 $0x3FFF, v0  }
0x26: {  	v5 =	vor.u32 @!p1 $0x1400, v5;
	v7 =	vld @!p1 [tilespmem:$0x4000];
	v1 =	vand.u32 @!p1 $0x3FFF, v1;
	vm0 =	vlt.u32 @!p1 v0, $0x1400  }
0x27: {  	v8 =	vld @!p1 [tilespmem:$0x4060];
	v2 =	vand.u32 @!p1 $0x3FFF, v2;
	vm1 =	vlt.u32 @!p1 v1, $0x1400;
	v0 =	vsel @!p1 vm0, v0, v5  }
0x28: {  	v3 =	vand.u32 @!p1 $0x3FFF, v3;
	v1 =	vsel @!p1 vm1, v1, v5;
	vm0 =	vlt.u32 @!p1 v2, $0x1400;
	[tilespmem:$0x4120] =	vst @!p1 v0  }
0x29: {  	[tilespmem:$0x4110] =	vst @!p1 v1;
	v0 =	vsel @!p1 vm0, v2, v5;
	v1 =	vand.u32 @!p1 $0x3FFF, v4;
	vm0 =	vlt.u32 @!p1 v3, $0x1400  }
0x2a: {  	[tilespmem:$0x4130] =	vst @!p1 v0;
	vm1 =	vlt.u32 @!p1 v1, $0x1400;
	v0 =	vand.u32 @!p1 $0x3FFF, v6;
	v2 =	vsel @!p1 vm0, v3, v5  }
0x2b: {  	v3 =	vand.u32 @!p1 $0x3FFF, v7;
	v1 =	vsel @!p1 vm1, v1, v5;
	vm0 =	vlt.u32 @!p1 v0, $0x1400;
	[tilespmem:$0x4170] =	vst @!p1 v2  }
0x2c: {  	vm1 =	vlt.u32 @!p1 v3, $0x1400;
	[tilespmem:$0x4140] =	vst @!p1 v1;
	v0 =	vsel @!p1 vm0, v0, v5;
	v1 =	vand.u32 @!p1 $0x3FFF, v8  }
0x2d: {  	v2 =	vsel @!p1 vm1, v3, v5;
	[tilespmem:$0x4150] =	vst @!p1 v0;
	vm0 =	vlt.u32 @!p1 v1, $0x1400  }
0x2e: {  	p3 =	sgt.u32 s10, $0x4E1;
	[tilespmem:$0x4100] =	vst @!p1 v2;
	v0 =	vsel @!p1 vm0, v1, v5  }
0x2f: {  	s17 =	simm.s32 @!p1 $0x4100;
	s19 =	simm.s32 @!p2 $0x2;
	s16 =	simm.s32 @!p1 $0x80;
	[tilespmem:$0x4160] =	vst @!p1 v0  }
0x30: {  	[spmem:s1] =	stream.indirect.scatter.add.f32 @!p1 [tilespmem:s18], [sflag:$0x1], $0x80, s17, s16, $0xb8;
	[tilespmem:$0xE600] =	vst v63  }
0x31: {  	s22 =	simm.s32 @!p3 $0x0;
	_ =	swait.ge @!p2 [sflag:s19], $0x4000  }
0x32: {  	s16 =	sadd.s32 @!p3 $0x0, s9;
	s17 =	simm.s32 @!p3 $0x4080;
	[sflag:s19] =	ssyncset.done @!p2 $0x0  }
0x33: {  	s18 =	simm.s32 @!p3 $0x3;
	s16 =	sadd.s32 @!p3 $0x100, s16;
	[sflag:s19] =	ssyncadd.s32 @!p2 $0xFFFFC000  }
0x34: {  	[tilespmem:s17], [sflag:$0x3] =	stream.linear.gather @!p3 [hbm4b:s16+s22], $0x80, $0x38;
	[tilespmem:$0xE600] =	vst v63  }
0x35: {  	_ =	swait.ge @!p3 [sflag:s18], $0x80  }
0x36: {  	[sflag:s18] =	ssyncset.done @!p3 $0x0  }
0x37: {  	[sflag:s18] =	ssyncadd.s32 @!p3 $0xFFFFFF80  }
0x38: {  	v1 =	vld @!p3 [tilespmem:$0x4090]  }
0x39: {  	v2 =	vld @!p3 [tilespmem:$0x40F0]  }
0x3a: {  	v3 =	vld @!p3 [tilespmem:$0x40A0]  }
0x3b: {  	v4 =	vld @!p3 [tilespmem:$0x40B0]  }
0x3c: {  	v5 =	vld @!p3 [tilespmem:$0x40C0];
	_ =	sdelay $0x1  }
0x3d: {  	v0 =	vlaneseq.u32 @!p3;
	v6 =	vld @!p3 [tilespmem:$0x4080]  }
0x3e: {  	v0 =	vor.u32 @!p3 $0x1400, v0;
	v7 =	vand.u32 @!p3 $0x3FFF, v1;
	v1 =	vand.u32 @!p3 $0x3FFF, v2;
	v2 =	vld @!p3 [tilespmem:$0x40E0]  }
0x3f: {  	v3 =	vand.u32 @!p3 $0x3FFF, v3;
	v8 =	vand.u32 @!p3 $0x3FFF, v4;
	v4 =	vld @!p3 [tilespmem:$0x40D0];
	vm1 =	vlt.u32 @!p3 v7, $0x1400  }
0x40: {  	s20 =	simm.s32 $0x400;
	p2 =	por $0x0, $0x0;
	v5 =	vand.u32 @!p3 $0x3FFF, v5;
	v7 =	vsel @!p3 vm1, v7, v0;
	vm1 =	vlt.u32 @!p3 v3, $0x1400  }
0x41: {  	s17 =	simm.s32 $0x200;
	s16 =	sadd.s32 $0x20, s10;
	s19 =	simm.s32 @!p2 $0x1;
	vm0 =	vlt.u32 @!p3 v1, $0x1400;
	[tilespmem:$0x4190] =	vst @!p3 v7;
	v7 =	vsel @!p3 vm1, v3, v0;
	vm1 =	vlt.u32 @!p3 v8, $0x1400  }
0x42: {  	p2 =	por p2, p2;
	s21 =	sadd.s32 $0x20, s16;
	s18 =	smov.u32 s16;
	v3 =	vand.u32 @!p3 $0x3FFF, v6;
	[tilespmem:$0x41A0] =	vst @!p3 v7;
	v6 =	vsel @!p3 vm1, v8, v0;
	vm1 =	vlt.u32 @!p3 v5, $0x1400  }
.LBB2_2:
0x43: {  	s24 =	sadd.s32 $0xFFFFFFF0, s18;
	v5 =	vsel @!p3 vm1, v5, v0;
	v2 =	vand.u32 @!p3 $0x3FFF, v2;
	v1 =	vsel @!p3 vm0, v1, v0;
	s23 =	smov.u32 s20;
	s20 =	sadd.s32 $0x200, s20  }
0x44: {  	vm0 =	vlt.u32 @!p3 v3, $0x1400;
	p4 =	sne.s32 s20, $0x5000;
	p5 =	sgt.u32 s24, $0x4E1;
	[tilespmem:$0x41B0] =	vst @!p3 v6;
	v4 =	vand.u32 @!p3 $0x3FFF, v4;
	vm1 =	vlt.u32 @!p3 v2, $0x1400  }
0x45: {  	v6 =	vlaneseq.u32 @!p5;
	[tilespmem:$0x41C0] =	vst @!p3 v5;
	vm2 =	vlt.u32 @!p3 v4, $0x1400;
	v2 =	vsel @!p3 vm1, v2, v0  }
0x46: {  	v3 =	vsel @!p3 vm0, v3, v0;
	v0 =	vsel @!p3 vm2, v4, v0;
	[tilespmem:$0x41F0] =	vst @!p3 v1  }
0x47: {  	[tilespmem:$0x41D0] =	vst @!p3 v0  }
0x48: {  	s25 =	simm.s32 @!p3 $0x4180;
	s24 =	simm.s32 @!p3 $0x80;
	[tilespmem:$0x41E0] =	vst @!p3 v2  }
0x49: {  	[tilespmem:$0x4180] =	vst @!p3 v3  }
0x4a: {  	[spmem:s1] =	stream.indirect.scatter.add.f32 @!p3 [tilespmem:s22], [sflag:$0x2], $0x80, s25, s24, $0xb8;
	[tilespmem:$0xE600] =	vst v63  }
0x4b: {  	s22 =	sadd.s32 @!p5 s17, s9;
	s24 =	simm.s32 @!p5 $0x0;
	_ =	swait.ge @!p2 [sflag:s19], $0x4000  }
0x4c: {  	s25 =	simm.s32 @!p5 $0x4000;
	[sflag:s19] =	ssyncset.done @!p2 $0x0  }
0x4d: {  	[sflag:s19] =	ssyncadd.s32 @!p2 $0xFFFFC000;
	s19 =	simm.s32 @!p5 $0x3  }
0x4e: {  	[tilespmem:s25], [sflag:$0x3] =	stream.linear.gather @!p5 [hbm4b:s22+s24], $0x80, $0x38;
	[tilespmem:$0xE600] =	vst v63  }
0x4f: {  	_ =	swait.ge @!p5 [sflag:s19], $0x80  }
0x50: {  	[sflag:s19] =	ssyncset.done @!p5 $0x0  }
0x51: {  	[sflag:s19] =	ssyncadd.s32 @!p5 $0xFFFFFF80  }
0x52: {  	v0 =	vor.u32 @!p5 $0x1400, v6;
	v1 =	vld @!p5 [tilespmem:$0x4020]  }
0x53: {  	p6 =	seq.s32 s23, $0x0;
	v2 =	vld @!p5 [tilespmem:$0x4030]  }
0x54: {  	s19 =	simm.s32 @!p6 $0x1;
	v3 =	vld @!p5 [tilespmem:$0x4010]  }
0x55: {  	v4 =	vld @!p5 [tilespmem:$0x4070]  }
0x56: {  	v5 =	vld @!p5 [tilespmem:$0x4000]  }
0x57: {  	v6 =	vld @!p5 [tilespmem:$0x4040]  }
0x58: {  	v1 =	vand.u32 @!p5 $0x3FFF, v1;
	v2 =	vand.u32 @!p5 $0x3FFF, v2;
	v7 =	vld @!p5 [tilespmem:$0x4050]  }
0x59: {  	vm0 =	vlt.u32 @!p5 v1, $0x1400;
	v3 =	vand.u32 @!p5 $0x3FFF, v3;
	v8 =	vld @!p5 [tilespmem:$0x4060]  }
0x5a: {  	v1 =	vsel @!p5 vm0, v1, v0;
	vm1 =	vlt.u32 @!p5 v3, $0x1400;
	v4 =	vand.u32 @!p5 $0x3FFF, v4  }
0x5b: {  	vm0 =	vlt.u32 @!p5 v2, $0x1400;
	v5 =	vand.u32 @!p5 $0x3FFF, v5;
	v3 =	vsel @!p5 vm1, v3, v0;
	[tilespmem:$0x4120] =	vst @!p5 v1  }
0x5c: {  	s26 =	simm.s32 @!p5 $0x4100;
	s25 =	simm.s32 @!p5 $0x80;
	v1 =	vsel @!p5 vm0, v2, v0;
	vm0 =	vlt.u32 @!p5 v4, $0x1400;
	[tilespmem:$0x4110] =	vst @!p5 v3;
	v2 =	vand.u32 @!p5 $0x3FFF, v6  }
0x5d: {  	v3 =	vsel @!p5 vm0, v4, v0;
	[tilespmem:$0x4130] =	vst @!p5 v1;
	vm1 =	vlt.u32 @!p5 v2, $0x1400;
	v1 =	vand.u32 @!p5 $0x3FFF, v7  }
0x5e: {  	s28 =	simm.s32 @!p2 $0x2;
	vm0 =	vlt.u32 @!p5 v5, $0x1400;
	v2 =	vsel @!p5 vm1, v2, v0;
	vm1 =	vlt.u32 @!p5 v1, $0x1400;
	[tilespmem:$0x4170] =	vst @!p5 v3  }
0x5f: {  	v3 =	vsel @!p5 vm0, v5, v0;
	[tilespmem:$0x4140] =	vst @!p5 v2;
	v1 =	vsel @!p5 vm1, v1, v0;
	v2 =	vand.u32 @!p5 $0x3FFF, v8  }
0x60: {  	p3 =	sgt.u32 s18, $0x4E1;
	s18 =	smov.u32 s21;
	[tilespmem:$0x4150] =	vst @!p5 v1;
	vm0 =	vlt.u32 @!p5 v2, $0x1400  }
0x61: {  	s29 =	sadd.s32 @!p3 s17, s9;
	s17 =	smov.u32 s23;
	s22 =	simm.s32 @!p3 $0x0;
	v1 =	vlaneseq.u32 @!p3;
	[tilespmem:$0x4100] =	vst @!p5 v3;
	v0 =	vsel @!p5 vm0, v2, v0  }
0x62: {  	s23 =	sadd.s32 @!p3 $0x100, s29;
	s29 =	simm.s32 @!p3 $0x4080;
	[tilespmem:$0x4160] =	vst @!p5 v0  }
0x63: {  	[spmem:s1] =	stream.indirect.scatter.add.f32 @!p5 [tilespmem:s24], [sflag:$0x1], $0x80, s26, s25, $0xb8;
	[tilespmem:$0xE600] =	vst v63  }
0x64: {  	s24 =	simm.s32 @!p3 $0x3;
	_ =	swait.ge @!p2 [sflag:s28], $0x4000  }
0x65: {  	[sflag:s28] =	ssyncset.done @!p2 $0x0  }
0x66: {  	[sflag:s28] =	ssyncadd.s32 @!p2 $0xFFFFC000;
	p2 =	por p6, p6  }
0x67: {  	[tilespmem:s29], [sflag:$0x3] =	stream.linear.gather @!p3 [hbm4b:s23+s22], $0x80, $0x38;
	[tilespmem:$0xE600] =	vst v63  }
0x68: {  	_ =	swait.ge @!p3 [sflag:s24], $0x80  }
0x69: {  	[sflag:s24] =	ssyncset.done @!p3 $0x0  }
0x6a: {  	[sflag:s24] =	ssyncadd.s32 @!p3 $0xFFFFFF80  }
0x6b: {  	v2 =	vld @!p3 [tilespmem:$0x4090]  }
0x6c: {  	v3 =	vld @!p3 [tilespmem:$0x40F0]  }
0x6d: {  	v4 =	vld @!p3 [tilespmem:$0x40A0]  }
0x6e: {  	v5 =	vld @!p3 [tilespmem:$0x40B0]  }
0x6f: {  	v6 =	vld @!p3 [tilespmem:$0x40C0]  }
0x70: {  	v7 =	vld @!p3 [tilespmem:$0x4080]  }
.Ltmp0:
0x71: {  	v0 =	vor.u32 @!p3 $0x1400, v1;
	v8 =	vand.u32 @!p3 $0x3FFF, v2;
	v2 =	vld @!p3 [tilespmem:$0x40E0];
	v1 =	vand.u32 @!p3 $0x3FFF, v3;
	(pc) =	sbr.rel @p4 .LBB2_2-.Ltmp0, $4  }
0x72: {  	vm1 =	vlt.u32 @!p3 v8, $0x1400;
	v3 =	vand.u32 @!p3 $0x3FFF, v4;
	v4 =	vld @!p3 [tilespmem:$0x40D0];
	vm0 =	vlt.u32 @!p3 v1, $0x1400  }
0x73: {  	v8 =	vsel @!p3 vm1, v8, v0;
	vm1 =	vlt.u32 @!p3 v3, $0x1400;
	v9 =	vand.u32 @!p3 $0x3FFF, v5  }
0x74: {  	s21 =	sadd.s32 $0x20, s21;
	[tilespmem:$0x4190] =	vst @!p3 v8;
	v8 =	vsel @!p3 vm1, v3, v0;
	vm1 =	vlt.u32 @!p3 v9, $0x1400;
	v5 =	vand.u32 @!p3 $0x3FFF, v6  }
0x75: {  	v3 =	vand.u32 @!p3 $0x3FFF, v7;
	[tilespmem:$0x41A0] =	vst @!p3 v8;
	v6 =	vsel @!p3 vm1, v9, v0;
	vm1 =	vlt.u32 @!p3 v5, $0x1400  }
0x76: {  	v5 =	vsel @!p3 vm1, v5, v0;
	[tilespmem:$0x41B0] =	vst @!p3 v6;
	v2 =	vand.u32 @!p3 $0x3FFF, v2  }
0x77: {  	v1 =	vsel @!p3 vm0, v1, v0;
	v4 =	vand.u32 @!p3 $0x3FFF, v4;
	[tilespmem:$0x41C0] =	vst @!p3 v5;
	vm1 =	vlt.u32 @!p3 v2, $0x1400  }
0x78: {  	[tilespmem:$0x41F0] =	vst @!p3 v1;
	vm0 =	vlt.u32 @!p3 v4, $0x1400;
	v1 =	vsel @!p3 vm1, v2, v0  }
0x79: {  	v4 =	vsel @!p3 vm0, v4, v0;
	vm0 =	vlt.u32 @!p3 v3, $0x1400;
	[tilespmem:$0x41E0] =	vst @!p3 v1  }
0x7a: {  	[tilespmem:$0x41D0] =	vst @!p3 v4;
	v0 =	vsel @!p3 vm0, v3, v0  }
0x7b: {  	s20 =	sadd.s32 $0xFFFFFFF0, s18;
	s21 =	simm.s32 @!p3 $0x80;
	s23 =	simm.s32 @!p3 $0x4180;
	[tilespmem:$0x4180] =	vst @!p3 v0  }
0x7c: {  	[spmem:s1] =	stream.indirect.scatter.add.f32 @!p3 [tilespmem:s22], [sflag:$0x2], $0x80, s23, s21, $0xb8;
	[tilespmem:$0xE600] =	vst v63  }
0x7d: {  	p4 =	sgt.u32 s20, $0x4E1;
	_ =	swait.ge @!p2 [sflag:s19], $0x4000  }
0x7e: {  	s20 =	sadd.s32 @!p4 s17, s9;
	s21 =	simm.s32 @!p4 $0x0;
	[sflag:s19] =	ssyncset.done @!p2 $0x0  }
0x7f: {  	s22 =	simm.s32 @!p4 $0x4000;
	[sflag:s19] =	ssyncadd.s32 @!p2 $0xFFFFC000;
	s19 =	simm.s32 @!p4 $0x3  }
0x80: {  	[tilespmem:s22], [sflag:$0x3] =	stream.linear.gather @!p4 [hbm4b:s20+s21], $0x80, $0x38;
	[tilespmem:$0xE600] =	vst v63  }
0x81: {  	_ =	swait.ge @!p4 [sflag:s19], $0x80  }
0x82: {  	[sflag:s19] =	ssyncset.done @!p4 $0x0  }
0x83: {  	[sflag:s19] =	ssyncadd.s32 @!p4 $0xFFFFFF80  }
0x84: {  	v0 =	vld @!p4 [tilespmem:$0x4020]  }
0x85: {  	v1 =	vld @!p4 [tilespmem:$0x4010]  }
0x86: {  	v2 =	vld @!p4 [tilespmem:$0x4030]  }
0x87: {  	v3 =	vld @!p4 [tilespmem:$0x4070]  }
0x88: {  	v4 =	vld @!p4 [tilespmem:$0x4040]  }
0x89: {  	v5 =	vlaneseq.u32 @!p4;
	v6 =	vld @!p4 [tilespmem:$0x4050];
	v0 =	vand.u32 @!p4 $0x3FFF, v0  }
0x8a: {  	v5 =	vor.u32 @!p4 $0x1400, v5;
	v7 =	vld @!p4 [tilespmem:$0x4000];
	v1 =	vand.u32 @!p4 $0x3FFF, v1;
	vm0 =	vlt.u32 @!p4 v0, $0x1400  }
0x8b: {  	v8 =	vld @!p4 [tilespmem:$0x4060];
	v2 =	vand.u32 @!p4 $0x3FFF, v2;
	vm1 =	vlt.u32 @!p4 v1, $0x1400;
	v0 =	vsel @!p4 vm0, v0, v5  }
0x8c: {  	v3 =	vand.u32 @!p4 $0x3FFF, v3;
	v1 =	vsel @!p4 vm1, v1, v5;
	vm0 =	vlt.u32 @!p4 v2, $0x1400;
	[tilespmem:$0x4120] =	vst @!p4 v0  }
0x8d: {  	[tilespmem:$0x4110] =	vst @!p4 v1;
	v0 =	vsel @!p4 vm0, v2, v5;
	v1 =	vand.u32 @!p4 $0x3FFF, v4;
	vm0 =	vlt.u32 @!p4 v3, $0x1400  }
0x8e: {  	[tilespmem:$0x4130] =	vst @!p4 v0;
	vm1 =	vlt.u32 @!p4 v1, $0x1400;
	v0 =	vand.u32 @!p4 $0x3FFF, v6;
	v2 =	vsel @!p4 vm0, v3, v5  }
0x8f: {  	v3 =	vand.u32 @!p4 $0x3FFF, v7;
	v1 =	vsel @!p4 vm1, v1, v5;
	vm0 =	vlt.u32 @!p4 v0, $0x1400;
	[tilespmem:$0x4170] =	vst @!p4 v2  }
0x90: {  	vm1 =	vlt.u32 @!p4 v3, $0x1400;
	[tilespmem:$0x4140] =	vst @!p4 v1;
	v0 =	vsel @!p4 vm0, v0, v5;
	v1 =	vand.u32 @!p4 $0x3FFF, v8  }
0x91: {  	v2 =	vsel @!p4 vm1, v3, v5;
	[tilespmem:$0x4150] =	vst @!p4 v0;
	vm0 =	vlt.u32 @!p4 v1, $0x1400  }
0x92: {  	p3 =	sgt.u32 s18, $0x4E1;
	[tilespmem:$0x4100] =	vst @!p4 v2;
	v0 =	vsel @!p4 vm0, v1, v5  }
0x93: {  	s20 =	simm.s32 @!p4 $0x4100;
	s22 =	simm.s32 @!p2 $0x2;
	s19 =	simm.s32 @!p4 $0x80;
	[tilespmem:$0x4160] =	vst @!p4 v0  }
0x94: {  	[spmem:s1] =	stream.indirect.scatter.add.f32 @!p4 [tilespmem:s21], [sflag:$0x1], $0x80, s20, s19, $0xb8;
	[tilespmem:$0xE600] =	vst v63  }
0x95: {  	s17 =	sadd.s32 @!p3 s17, s9;
	_ =	swait.ge @!p2 [sflag:s22], $0x4000  }
0x96: {  	s18 =	simm.s32 @!p3 $0x0;
	s17 =	sadd.s32 @!p3 $0x100, s17;
	[sflag:s22] =	ssyncset.done @!p2 $0x0  }
0x97: {  	s19 =	simm.s32 @!p3 $0x4080;
	s20 =	simm.s32 @!p3 $0x3;
	[sflag:s22] =	ssyncadd.s32 @!p2 $0xFFFFC000  }
0x98: {  	[tilespmem:s19], [sflag:$0x3] =	stream.linear.gather @!p3 [hbm4b:s17+s18], $0x80, $0x38;
	[tilespmem:$0xE600] =	vst v63  }
0x99: {  	_ =	swait.ge @!p3 [sflag:s20], $0x80  }
0x9a: {  	[sflag:s20] =	ssyncset.done @!p3 $0x0  }
0x9b: {  	[sflag:s20] =	ssyncadd.s32 @!p3 $0xFFFFFF80  }
0x9c: {  	v0 =	vld @!p3 [tilespmem:$0x4090]  }
0x9d: {  	v1 =	vld @!p3 [tilespmem:$0x40A0]  }
0x9e: {  	v2 =	vld @!p3 [tilespmem:$0x40B0]  }
0x9f: {  	v3 =	vld @!p3 [tilespmem:$0x40C0]  }
0xa0: {  	v4 =	vld @!p3 [tilespmem:$0x40F0]  }
0xa1: {  	v5 =	vlaneseq.u32 @!p3;
	v7 =	vld @!p3 [tilespmem:$0x40E0];
	v0 =	vand.u32 @!p3 $0x3FFF, v0  }
0xa2: {  	v5 =	vor.u32 @!p3 $0x1400, v5;
	v6 =	vld @!p3 [tilespmem:$0x40D0];
	v1 =	vand.u32 @!p3 $0x3FFF, v1;
	vm0 =	vlt.u32 @!p3 v0, $0x1400  }
0xa3: {  	v8 =	vld @!p3 [tilespmem:$0x4080];
	v2 =	vand.u32 @!p3 $0x3FFF, v2;
	v0 =	vsel @!p3 vm0, v0, v5;
	vm0 =	vlt.u32 @!p3 v1, $0x1400  }
0xa4: {  	[tilespmem:$0x4190] =	vst @!p3 v0;
	v0 =	vsel @!p3 vm0, v1, v5;
	vm0 =	vlt.u32 @!p3 v2, $0x1400;
	v1 =	vand.u32 @!p3 $0x3FFF, v3  }
0xa5: {  	v3 =	vand.u32 @!p3 $0x3FFF, v4;
	[tilespmem:$0x41A0] =	vst @!p3 v0;
	v0 =	vsel @!p3 vm0, v2, v5;
	vm0 =	vlt.u32 @!p3 v1, $0x1400  }
0xa6: {  	vm1 =	vlt.u32 @!p3 v3, $0x1400;
	v2 =	vand.u32 @!p3 $0x3FFF, v7;
	v1 =	vsel @!p3 vm0, v1, v5;
	[tilespmem:$0x41B0] =	vst @!p3 v0  }
0xa7: {  	v0 =	vand.u32 @!p3 $0x3FFF, v6;
	v3 =	vsel @!p3 vm1, v3, v5;
	vm1 =	vlt.u32 @!p3 v2, $0x1400;
	[tilespmem:$0x41C0] =	vst @!p3 v1  }
0xa8: {  	vm0 =	vlt.u32 @!p3 v0, $0x1400;
	v1 =	vand.u32 @!p3 $0x3FFF, v8;
	[tilespmem:$0x41F0] =	vst @!p3 v3;
	v2 =	vsel @!p3 vm1, v2, v5  }
0xa9: {  	v0 =	vsel @!p3 vm0, v0, v5;
	vm0 =	vlt.u32 @!p3 v1, $0x1400;
	[tilespmem:$0x41E0] =	vst @!p3 v2  }
0xaa: {  	[tilespmem:$0x41D0] =	vst @!p3 v0;
	v0 =	vsel @!p3 vm0, v1, v5  }
0xab: {  	s17 =	simm.s32 @!p3 $0x80;
	s19 =	simm.s32 @!p3 $0x4180;
	[tilespmem:$0x4180] =	vst @!p3 v0  }
0xac: {  	[spmem:s1] =	stream.indirect.scatter.add.f32 @!p3 [tilespmem:s18], [sflag:$0x2], $0x80, s19, s17, $0xb8;
	[tilespmem:$0xE600] =	vst v63  }
0xad: {  	s17 =	simm.s32 @!p0 $0x1  }
0xae: {  	_ =	swait.ge @!p0 [sflag:s17], $0x4000  }
0xaf: {  	[sflag:s17] =	ssyncset.done @!p0 $0x0  }
0xb0: {  	[sflag:s17] =	ssyncadd.s32 @!p0 $0xFFFFC000  }
0xb1: {  	[bflag:$0x0] =	sbarrier.arrive $0xFFFF  }
0xb2: {  	[hbm:s6], [sflag:s12] =	dma.local [spmem:s14], $0x1400  }
0xb3: {  	_ =	swait.ge [sflag:s11], $0x1400  }
0xb4: {  	[sflag:s11] =	ssyncset.done $0x0  }
0xb5: {  	[sflag:s11] =	ssyncadd.s32 $0xFFFFEC00  }
0xb6: {  	[bflag:$0x0] =	sbarrier.arrive $0xFFFF  }
0xb7: {  	[spmem:s13], [sflag:s12] =	dma.local [hbm:s4], $0x1480  }
0xb8: {  	_ =	swait.ge [sflag:s11], $0x1480  }
0xb9: {  	[sflag:s11] =	ssyncset.done $0x0  }
0xba: {  	p2 =	por $0x1, $0x1;
	[sflag:s11] =	ssyncadd.s32 $0xFFFFEB80  }
0xbb: {  	p3 =	por p2, p2;
	s17 =	simm.s32 @!p2 $0x1;
	[bflag:$0x0] =	sbarrier.arrive $0xFFFF  }
0xbc: {  	_ =	swait.ge @!p3 [sflag:s17], $0x4000  }
0xbd: {  	s21 =	simm.s32 @!p1 $0x0;
	s20 =	sadd.s32 @!p1 $0x0, s9;
	[sflag:s17] =	ssyncset.done @!p3 $0x0  }
0xbe: {  	s18 =	simm.s32 @!p1 $0x4000;
	s19 =	simm.s32 @!p1 $0x3;
	[sflag:s17] =	ssyncadd.s32 @!p3 $0xFFFFC000  }
0xbf: {  	[tilespmem:s18], [sflag:$0x3] =	stream.linear.gather @!p1 [hbm4b:s20+s21], $0x80, $0x38;
	[tilespmem:$0xE600] =	vst v63  }
0xc0: {  	_ =	swait.ge @!p1 [sflag:s19], $0x80  }
0xc1: {  	[sflag:s19] =	ssyncset.done @!p1 $0x0  }
0xc2: {  	[sflag:s19] =	ssyncadd.s32 @!p1 $0xFFFFFF80  }
0xc3: {  	v0 =	vld @!p1 [tilespmem:$0x4020]  }
0xc4: {  	v1 =	vld @!p1 [tilespmem:$0x4060]  }
0xc5: {  	v2 =	vld @!p1 [tilespmem:$0x4070]  }
0xc6: {  	v3 =	vld @!p1 [tilespmem:$0x4000]  }
0xc7: {  	v4 =	vld @!p1 [tilespmem:$0x4030]  }
0xc8: {  	v6 =	vld @!p1 [tilespmem:$0x4010];
	_ =	sdelay $0x1  }
0xc9: {  	v5 =	vlaneseq.u32 @!p1  }
0xca: {  	v5 =	vor.u32 @!p1 $0x1400, v5;
	v1 =	vand.u32 @!p1 $0x3FFF, v1;
	v2 =	vand.u32 @!p1 $0x3FFF, v2  }
0xcb: {  	v7 =	vld @!p1 [tilespmem:$0x4040];
	v3 =	vand.u32 @!p1 $0x3FFF, v3;
	v0 =	vand.u32 @!p1 $0x3FFF, v0;
	v4 =	vand.u32 @!p1 $0x3FFF, v4  }
0xcc: {  	v8 =	vld @!p1 [tilespmem:$0x4050];
	v6 =	vand.u32 @!p1 $0x3FFF, v6;
	v2 =	vadd.s32 @!p1 $0xFFFFEC00, v2;
	v0 =	vadd.s32 @!p1 $0xFFFFEC00, v0  }
0xcd: {  	v1 =	vadd.s32 @!p1 $0xFFFFEC00, v1;
	v4 =	vadd.s32 @!p1 $0xFFFFEC00, v4;
	vm0 =	vlt.u32 @!p1 v2, $0x1400  }
0xce: {  	vm1 =	vlt.u32 @!p1 v0, $0x1400;
	v2 =	vsel @!p1 vm0, v2, v5;
	vm0 =	vlt.u32 @!p1 v1, $0x1400  }
0xcf: {  	v0 =	vsel @!p1 vm1, v0, v5;
	vm1 =	vlt.u32 @!p1 v4, $0x1400;
	[tilespmem:$0x4170] =	vst @!p1 v2;
	v2 =	vadd.s32 @!p1 $0xFFFFEC00, v3  }
0xd0: {  	v1 =	vsel @!p1 vm0, v1, v5;
	[tilespmem:$0x4120] =	vst @!p1 v0;
	v0 =	vsel @!p1 vm1, v4, v5;
	v3 =	vadd.s32 @!p1 $0xFFFFEC00, v6  }
0xd1: {  	v4 =	vand.u32 @!p1 $0x3FFF, v8;
	vm0 =	vlt.u32 @!p1 v2, $0x1400;
	[tilespmem:$0x4130] =	vst @!p1 v0;
	v0 =	vand.u32 @!p1 $0x3FFF, v7  }
0xd2: {  	[tilespmem:$0x4160] =	vst @!p1 v1;
	v2 =	vsel @!p1 vm0, v2, v5;
	vm0 =	vlt.u32 @!p1 v3, $0x1400;
	v0 =	vadd.s32 @!p1 $0xFFFFEC00, v0  }
0xd3: {  	v1 =	vsel @!p1 vm0, v3, v5;
	v3 =	vadd.s32 @!p1 $0xFFFFEC00, v4;
	[tilespmem:$0x4100] =	vst @!p1 v2;
	vm0 =	vlt.u32 @!p1 v0, $0x1400  }
0xd4: {  	vm1 =	vlt.u32 @!p1 v3, $0x1400;
	[tilespmem:$0x4110] =	vst @!p1 v1;
	v0 =	vsel @!p1 vm0, v0, v5  }
0xd5: {  	p2 =	sgt.u32 s10, $0x4E1;
	v1 =	vsel @!p1 vm1, v3, v5;
	[tilespmem:$0x4140] =	vst @!p1 v0  }
0xd6: {  	s17 =	simm.s32 @!p1 $0x80;
	s18 =	simm.s32 @!p1 $0x4100;
	s19 =	simm.s32 @!p3 $0x2;
	[tilespmem:$0x4150] =	vst @!p1 v1  }
0xd7: {  	[spmem:s1] =	stream.indirect.scatter.add.f32 @!p1 [tilespmem:s21], [sflag:$0x1], $0x80, s18, s17, $0xb8;
	[tilespmem:$0xE600] =	vst v63  }
0xd8: {  	s20 =	simm.s32 @!p2 $0x0;
	_ =	swait.ge @!p3 [sflag:s19], $0x4000  }
0xd9: {  	s17 =	sadd.s32 @!p2 $0x0, s9;
	s18 =	simm.s32 @!p2 $0x4080;
	[sflag:s19] =	ssyncset.done @!p3 $0x0  }
0xda: {  	s21 =	simm.s32 @!p2 $0x3;
	s17 =	sadd.s32 @!p2 $0x100, s17;
	[sflag:s19] =	ssyncadd.s32 @!p3 $0xFFFFC000  }
0xdb: {  	[tilespmem:s18], [sflag:$0x3] =	stream.linear.gather @!p2 [hbm4b:s17+s20], $0x80, $0x38;
	[tilespmem:$0xE600] =	vst v63  }
0xdc: {  	_ =	swait.ge @!p2 [sflag:s21], $0x80  }
0xdd: {  	[sflag:s21] =	ssyncset.done @!p2 $0x0  }
0xde: {  	[sflag:s21] =	ssyncadd.s32 @!p2 $0xFFFFFF80  }
0xdf: {  	v0 =	vld @!p2 [tilespmem:$0x4080]  }
0xe0: {  	v2 =	vld @!p2 [tilespmem:$0x4090]  }
0xe1: {  	v3 =	vld @!p2 [tilespmem:$0x40A0]  }
0xe2: {  	v4 =	vld @!p2 [tilespmem:$0x40B0]  }
0xe3: {  	v5 =	vld @!p2 [tilespmem:$0x40C0];
	_ =	sdelay $0x1  }
0xe4: {  	v9 =	vld @!p2 [tilespmem:$0x40D0];
	v0 =	vand.u32 @!p2 $0x3FFF, v0  }
0xe5: {  	v6 =	vlaneseq.u32 @!p2;
	v3 =	vand.u32 @!p2 $0x3FFF, v3;
	v1 =	vadd.s32 @!p2 $0xFFFFEC00, v0  }
0xe6: {  	v0 =	vor.u32 @!p2 $0x1400, v6;
	v7 =	vadd.s32 @!p2 $0xFFFFEC00, v3;
	v3 =	vand.u32 @!p2 $0x3FFF, v4;
	v6 =	vld @!p2 [tilespmem:$0x40E0]  }
0xe7: {  	v2 =	vand.u32 @!p2 $0x3FFF, v2;
	v8 =	vadd.s32 @!p2 $0xFFFFEC00, v3;
	v3 =	vand.u32 @!p2 $0x3FFF, v5;
	v5 =	vld @!p2 [tilespmem:$0x40F0]  }
0xe8: {  	v2 =	vadd.s32 @!p2 $0xFFFFEC00, v2  }
0xe9: {  	p1 =	por $0x0, $0x0;
	s19 =	sadd.s32 $0x20, s16;
	s17 =	simm.s32 $0x200;
	v4 =	vand.u32 @!p2 $0x3FFF, v9;
	vm0 =	vlt.u32 @!p2 v1, $0x1400;
	vm1 =	vlt.u32 @!p2 v2, $0x1400  }
0xea: {  	s18 =	simm.s32 $0x400;
	s21 =	simm.s32 @!p1 $0x1;
	p1 =	por p1, p1;
	vm2 =	vlt.u32 @!p2 v7, $0x1400;
	vm3 =	vlt.u32 @!p2 v8, $0x1400;
	v3 =	vadd.s32 @!p2 $0xFFFFEC00, v3  }
.LBB2_4:
0xeb: {  	v7 =	vsel @!p2 vm2, v7, v0;
	v8 =	vsel @!p2 vm3, v8, v0;
	v6 =	vand.u32 @!p2 $0x3FFF, v6;
	s22 =	smov.u32 s18;
	s18 =	sadd.s32 $0x200, s18  }
0xec: {  	s23 =	sadd.s32 $0xFFFFFFF0, s16;
	vm2 =	vlt.u32 @!p2 v3, $0x1400;
	p3 =	sne.s32 s18, $0x5000;
	[tilespmem:$0x41B0] =	vst @!p2 v8;
	v6 =	vadd.s32 @!p2 $0xFFFFEC00, v6;
	v5 =	vand.u32 @!p2 $0x3FFF, v5  }
0xed: {  	v2 =	vsel @!p2 vm1, v2, v0;
	p4 =	sgt.u32 s23, $0x4E1;
	[tilespmem:$0x41A0] =	vst @!p2 v7;
	vm1 =	vlt.u32 @!p2 v6, $0x1400;
	v5 =	vadd.s32 @!p2 $0xFFFFEC00, v5  }
0xee: {  	[tilespmem:$0x4190] =	vst @!p2 v2;
	v2 =	vsel @!p2 vm2, v3, v0;
	v3 =	vsel @!p2 vm1, v6, v0;
	vm1 =	vlt.u32 @!p2 v5, $0x1400  }
0xef: {  	v4 =	vadd.s32 @!p2 $0xFFFFEC00, v4;
	v6 =	vlaneseq.u32 @!p4;
	[tilespmem:$0x41E0] =	vst @!p2 v3;
	v3 =	vsel @!p2 vm1, v5, v0  }
0xf0: {  	v1 =	vsel @!p2 vm0, v1, v0;
	vm0 =	vlt.u32 @!p2 v4, $0x1400;
	[tilespmem:$0x41F0] =	vst @!p2 v3  }
0xf1: {  	v0 =	vsel @!p2 vm0, v4, v0;
	[tilespmem:$0x4180] =	vst @!p2 v1  }
0xf2: {  	s24 =	simm.s32 @!p2 $0x4180;
	s23 =	simm.s32 @!p2 $0x80;
	[tilespmem:$0x41D0] =	vst @!p2 v0  }
0xf3: {  	[tilespmem:$0x41C0] =	vst @!p2 v2  }
0xf4: {  	[spmem:s1] =	stream.indirect.scatter.add.f32 @!p2 [tilespmem:s20], [sflag:$0x2], $0x80, s24, s23, $0xb8;
	[tilespmem:$0xE600] =	vst v63  }
0xf5: {  	s20 =	simm.s32 @!p4 $0x4000;
	s24 =	simm.s32 @!p4 $0x3;
	_ =	swait.ge @!p1 [sflag:s21], $0x4000  }
0xf6: {  	s25 =	sadd.s32 @!p4 s17, s9;
	s23 =	simm.s32 @!p4 $0x0;
	[sflag:s21] =	ssyncset.done @!p1 $0x0  }
0xf7: {  	[sflag:s21] =	ssyncadd.s32 @!p1 $0xFFFFC000  }
0xf8: {  	[tilespmem:s20], [sflag:$0x3] =	stream.linear.gather @!p4 [hbm4b:s25+s23], $0x80, $0x38;
	[tilespmem:$0xE600] =	vst v63  }
0xf9: {  	_ =	swait.ge @!p4 [sflag:s24], $0x80  }
0xfa: {  	[sflag:s24] =	ssyncset.done @!p4 $0x0  }
0xfb: {  	[sflag:s24] =	ssyncadd.s32 @!p4 $0xFFFFFF80  }
0xfc: {  	v0 =	vor.u32 @!p4 $0x1400, v6;
	v1 =	vld @!p4 [tilespmem:$0x4020]  }
0xfd: {  	v2 =	vld @!p4 [tilespmem:$0x4060]  }
0xfe: {  	v3 =	vld @!p4 [tilespmem:$0x4070]  }
0xff: {  	p5 =	seq.s32 s22, $0x0;
	v4 =	vld @!p4 [tilespmem:$0x4000]  }
0x100: {  	v5 =	vld @!p4 [tilespmem:$0x4030]  }
0x101: {  	v6 =	vld @!p4 [tilespmem:$0x4010]  }
0x102: {  	v7 =	vld @!p4 [tilespmem:$0x4040]  }
0x103: {  	v2 =	vand.u32 @!p4 $0x3FFF, v2;
	v8 =	vld @!p4 [tilespmem:$0x4050];
	v3 =	vand.u32 @!p4 $0x3FFF, v3  }
0x104: {  	v1 =	vand.u32 @!p4 $0x3FFF, v1;
	v4 =	vand.u32 @!p4 $0x3FFF, v4;
	v3 =	vadd.s32 @!p4 $0xFFFFEC00, v3  }
0x105: {  	v1 =	vadd.s32 @!p4 $0xFFFFEC00, v1;
	v5 =	vand.u32 @!p4 $0x3FFF, v5;
	vm0 =	vlt.u32 @!p4 v3, $0x1400  }
0x106: {  	vm1 =	vlt.u32 @!p4 v1, $0x1400;
	v2 =	vadd.s32 @!p4 $0xFFFFEC00, v2;
	v3 =	vsel @!p4 vm0, v3, v0  }
0x107: {  	v6 =	vand.u32 @!p4 $0x3FFF, v6;
	v5 =	vadd.s32 @!p4 $0xFFFFEC00, v5;
	vm0 =	vlt.u32 @!p4 v2, $0x1400;
	[tilespmem:$0x4170] =	vst @!p4 v3  }
0x108: {  	v1 =	vsel @!p4 vm1, v1, v0;
	v3 =	vadd.s32 @!p4 $0xFFFFEC00, v4;
	v2 =	vsel @!p4 vm0, v2, v0  }
0x109: {  	s26 =	simm.s32 @!p1 $0x2;
	s25 =	simm.s32 @!p4 $0x4100;
	s24 =	simm.s32 @!p4 $0x80;
	v4 =	vadd.s32 @!p4 $0xFFFFEC00, v6;
	vm1 =	vlt.u32 @!p4 v5, $0x1400;
	vm0 =	vlt.u32 @!p4 v3, $0x1400;
	[tilespmem:$0x4120] =	vst @!p4 v1  }
0x10a: {  	v1 =	vsel @!p4 vm0, v3, v0;
	vm0 =	vlt.u32 @!p4 v4, $0x1400;
	v3 =	vsel @!p4 vm1, v5, v0  }
0x10b: {  	p2 =	sgt.u32 s16, $0x4E1;
	s16 =	smov.u32 s19;
	v5 =	vand.u32 @!p4 $0x3FFF, v8;
	v4 =	vsel @!p4 vm0, v4, v0;
	[tilespmem:$0x4130] =	vst @!p4 v3;
	v3 =	vand.u32 @!p4 $0x3FFF, v7  }
0x10c: {  	s21 =	sadd.s32 @!p2 s17, s9;
	s17 =	smov.u32 s22;
	s20 =	simm.s32 @!p2 $0x0;
	v5 =	vadd.s32 @!p4 $0xFFFFEC00, v5;
	v3 =	vadd.s32 @!p4 $0xFFFFEC00, v3;
	[tilespmem:$0x4160] =	vst @!p4 v2;
	v2 =	vlaneseq.u32 @!p2  }
0x10d: {  	s28 =	simm.s32 @!p2 $0x4080;
	s22 =	sadd.s32 @!p2 $0x100, s21;
	vm1 =	vlt.u32 @!p4 v5, $0x1400;
	[tilespmem:$0x4100] =	vst @!p4 v1;
	vm0 =	vlt.u32 @!p4 v3, $0x1400  }
0x10e: {  	[tilespmem:$0x4110] =	vst @!p4 v4;
	v1 =	vsel @!p4 vm0, v3, v0;
	v0 =	vsel @!p4 vm1, v5, v0  }
0x10f: {  	s29 =	simm.s32 @!p2 $0x3;
	[tilespmem:$0x4140] =	vst @!p4 v1  }
0x110: {  	s21 =	simm.s32 @!p5 $0x1;
	[tilespmem:$0x4150] =	vst @!p4 v0  }
0x111: {  	[spmem:s1] =	stream.indirect.scatter.add.f32 @!p4 [tilespmem:s23], [sflag:$0x1], $0x80, s25, s24, $0xb8;
	[tilespmem:$0xE600] =	vst v63  }
0x112: {  	_ =	swait.ge @!p1 [sflag:s26], $0x4000  }
0x113: {  	[sflag:s26] =	ssyncset.done @!p1 $0x0  }
0x114: {  	[sflag:s26] =	ssyncadd.s32 @!p1 $0xFFFFC000;
	p1 =	por p5, p5  }
0x115: {  	[tilespmem:s28], [sflag:$0x3] =	stream.linear.gather @!p2 [hbm4b:s22+s20], $0x80, $0x38;
	[tilespmem:$0xE600] =	vst v63  }
0x116: {  	_ =	swait.ge @!p2 [sflag:s29], $0x80  }
0x117: {  	[sflag:s29] =	ssyncset.done @!p2 $0x0  }
0x118: {  	[sflag:s29] =	ssyncadd.s32 @!p2 $0xFFFFFF80  }
0x119: {  	v0 =	vld @!p2 [tilespmem:$0x4080]  }
0x11a: {  	v3 =	vld @!p2 [tilespmem:$0x4090]  }
0x11b: {  	v4 =	vld @!p2 [tilespmem:$0x40A0]  }
0x11c: {  	v8 =	vld @!p2 [tilespmem:$0x40B0]  }
0x11d: {  	v9 =	vld @!p2 [tilespmem:$0x40C0]  }
0x11e: {  	v0 =	vand.u32 @!p2 $0x3FFF, v0;
	v10 =	vld @!p2 [tilespmem:$0x40D0]  }
.Ltmp1:
0x11f: {  	v1 =	vadd.s32 @!p2 $0xFFFFEC00, v0;
	v0 =	vor.u32 @!p2 $0x1400, v2;
	v2 =	vand.u32 @!p2 $0x3FFF, v3;
	v6 =	vld @!p2 [tilespmem:$0x40E0];
	(pc) =	sbr.rel @p3 .LBB2_4-.Ltmp1, $4  }
0x120: {  	vm0 =	vlt.u32 @!p2 v1, $0x1400;
	v2 =	vadd.s32 @!p2 $0xFFFFEC00, v2;
	v3 =	vand.u32 @!p2 $0x3FFF, v4;
	v5 =	vld @!p2 [tilespmem:$0x40F0]  }
0x121: {  	vm1 =	vlt.u32 @!p2 v2, $0x1400;
	v7 =	vadd.s32 @!p2 $0xFFFFEC00, v3;
	v3 =	vand.u32 @!p2 $0x3FFF, v8  }
0x122: {  	vm2 =	vlt.u32 @!p2 v7, $0x1400;
	v8 =	vadd.s32 @!p2 $0xFFFFEC00, v3;
	v3 =	vand.u32 @!p2 $0x3FFF, v9  }
0x123: {  	s19 =	sadd.s32 $0x20, s19;
	vm3 =	vlt.u32 @!p2 v8, $0x1400;
	v3 =	vadd.s32 @!p2 $0xFFFFEC00, v3;
	v4 =	vand.u32 @!p2 $0x3FFF, v10  }
0x124: {  	v8 =	vsel @!p2 vm3, v8, v0  }
0x125: {  	v6 =	vand.u32 @!p2 $0x3FFF, v6;
	v7 =	vsel @!p2 vm2, v7, v0;
	[tilespmem:$0x41B0] =	vst @!p2 v8  }
0x126: {  	v2 =	vsel @!p2 vm1, v2, v0;
	v4 =	vadd.s32 @!p2 $0xFFFFEC00, v4;
	v1 =	vsel @!p2 vm0, v1, v0;
	[tilespmem:$0x41A0] =	vst @!p2 v7  }
0x127: {  	v6 =	vadd.s32 @!p2 $0xFFFFEC00, v6;
	v5 =	vand.u32 @!p2 $0x3FFF, v5;
	[tilespmem:$0x4190] =	vst @!p2 v2;
	vm0 =	vlt.u32 @!p2 v4, $0x1400  }
0x128: {  	[tilespmem:$0x4180] =	vst @!p2 v1;
	vm1 =	vlt.u32 @!p2 v6, $0x1400;
	v5 =	vadd.s32 @!p2 $0xFFFFEC00, v5;
	v1 =	vsel @!p2 vm0, v4, v0  }
0x129: {  	v2 =	vsel @!p2 vm1, v6, v0;
	vm1 =	vlt.u32 @!p2 v5, $0x1400;
	[tilespmem:$0x41D0] =	vst @!p2 v1  }
0x12a: {  	[tilespmem:$0x41E0] =	vst @!p2 v2;
	v2 =	vsel @!p2 vm1, v5, v0;
	vm1 =	vlt.u32 @!p2 v3, $0x1400  }
0x12b: {  	[tilespmem:$0x41F0] =	vst @!p2 v2;
	v0 =	vsel @!p2 vm1, v3, v0  }
0x12c: {  	s18 =	sadd.s32 $0xFFFFFFF0, s16;
	s19 =	simm.s32 @!p2 $0x80;
	s22 =	simm.s32 @!p2 $0x4180;
	[tilespmem:$0x41C0] =	vst @!p2 v0  }
0x12d: {  	[spmem:s1] =	stream.indirect.scatter.add.f32 @!p2 [tilespmem:s20], [sflag:$0x2], $0x80, s22, s19, $0xb8;
	[tilespmem:$0xE600] =	vst v63  }
0x12e: {  	p3 =	sgt.u32 s18, $0x4E1;
	_ =	swait.ge @!p1 [sflag:s21], $0x4000  }
0x12f: {  	s18 =	simm.s32 @!p3 $0x4000;
	s19 =	simm.s32 @!p3 $0x3;
	[sflag:s21] =	ssyncset.done @!p1 $0x0  }
0x130: {  	s20 =	sadd.s32 @!p3 s17, s9;
	s22 =	simm.s32 @!p3 $0x0;
	[sflag:s21] =	ssyncadd.s32 @!p1 $0xFFFFC000  }
0x131: {  	[tilespmem:s18], [sflag:$0x3] =	stream.linear.gather @!p3 [hbm4b:s20+s22], $0x80, $0x38;
	[tilespmem:$0xE600] =	vst v63  }
0x132: {  	_ =	swait.ge @!p3 [sflag:s19], $0x80  }
0x133: {  	[sflag:s19] =	ssyncset.done @!p3 $0x0  }
0x134: {  	[sflag:s19] =	ssyncadd.s32 @!p3 $0xFFFFFF80  }
0x135: {  	v0 =	vld @!p3 [tilespmem:$0x4020]  }
0x136: {  	v1 =	vld @!p3 [tilespmem:$0x4060]  }
0x137: {  	v2 =	vld @!p3 [tilespmem:$0x4070]  }
0x138: {  	v3 =	vld @!p3 [tilespmem:$0x4000]  }
0x139: {  	v4 =	vld @!p3 [tilespmem:$0x4030]  }
0x13a: {  	v6 =	vld @!p3 [tilespmem:$0x4010];
	_ =	sdelay $0x1  }
0x13b: {  	v5 =	vlaneseq.u32 @!p3  }
0x13c: {  	v5 =	vor.u32 @!p3 $0x1400, v5;
	v1 =	vand.u32 @!p3 $0x3FFF, v1;
	v2 =	vand.u32 @!p3 $0x3FFF, v2  }
0x13d: {  	v7 =	vld @!p3 [tilespmem:$0x4040];
	v3 =	vand.u32 @!p3 $0x3FFF, v3;
	v0 =	vand.u32 @!p3 $0x3FFF, v0;
	v4 =	vand.u32 @!p3 $0x3FFF, v4  }
0x13e: {  	v8 =	vld @!p3 [tilespmem:$0x4050];
	v6 =	vand.u32 @!p3 $0x3FFF, v6;
	v2 =	vadd.s32 @!p3 $0xFFFFEC00, v2;
	v0 =	vadd.s32 @!p3 $0xFFFFEC00, v0  }
0x13f: {  	v1 =	vadd.s32 @!p3 $0xFFFFEC00, v1;
	v4 =	vadd.s32 @!p3 $0xFFFFEC00, v4;
	vm0 =	vlt.u32 @!p3 v2, $0x1400  }
0x140: {  	vm1 =	vlt.u32 @!p3 v0, $0x1400;
	v2 =	vsel @!p3 vm0, v2, v5;
	vm0 =	vlt.u32 @!p3 v1, $0x1400  }
0x141: {  	v0 =	vsel @!p3 vm1, v0, v5;
	vm1 =	vlt.u32 @!p3 v4, $0x1400;
	[tilespmem:$0x4170] =	vst @!p3 v2;
	v2 =	vadd.s32 @!p3 $0xFFFFEC00, v3  }
0x142: {  	v1 =	vsel @!p3 vm0, v1, v5;
	[tilespmem:$0x4120] =	vst @!p3 v0;
	v0 =	vsel @!p3 vm1, v4, v5;
	v3 =	vadd.s32 @!p3 $0xFFFFEC00, v6  }
0x143: {  	v4 =	vand.u32 @!p3 $0x3FFF, v8;
	vm0 =	vlt.u32 @!p3 v2, $0x1400;
	[tilespmem:$0x4130] =	vst @!p3 v0;
	v0 =	vand.u32 @!p3 $0x3FFF, v7  }
0x144: {  	[tilespmem:$0x4160] =	vst @!p3 v1;
	v2 =	vsel @!p3 vm0, v2, v5;
	vm0 =	vlt.u32 @!p3 v3, $0x1400;
	v0 =	vadd.s32 @!p3 $0xFFFFEC00, v0  }
0x145: {  	v1 =	vsel @!p3 vm0, v3, v5;
	v3 =	vadd.s32 @!p3 $0xFFFFEC00, v4;
	[tilespmem:$0x4100] =	vst @!p3 v2;
	vm0 =	vlt.u32 @!p3 v0, $0x1400  }
0x146: {  	vm1 =	vlt.u32 @!p3 v3, $0x1400;
	[tilespmem:$0x4110] =	vst @!p3 v1;
	v0 =	vsel @!p3 vm0, v0, v5  }
0x147: {  	p2 =	sgt.u32 s16, $0x4E1;
	v1 =	vsel @!p3 vm1, v3, v5;
	[tilespmem:$0x4140] =	vst @!p3 v0  }
0x148: {  	s18 =	simm.s32 @!p3 $0x80;
	s20 =	simm.s32 @!p1 $0x2;
	s19 =	simm.s32 @!p3 $0x4100;
	[tilespmem:$0x4150] =	vst @!p3 v1  }
0x149: {  	[spmem:s1] =	stream.indirect.scatter.add.f32 @!p3 [tilespmem:s22], [sflag:$0x1], $0x80, s19, s18, $0xb8;
	[tilespmem:$0xE600] =	vst v63  }
0x14a: {  	s16 =	sadd.s32 @!p2 s17, s9;
	_ =	swait.ge @!p1 [sflag:s20], $0x4000  }
0x14b: {  	s17 =	simm.s32 @!p2 $0x0;
	s16 =	sadd.s32 @!p2 $0x100, s16;
	[sflag:s20] =	ssyncset.done @!p1 $0x0  }
0x14c: {  	s18 =	simm.s32 @!p2 $0x4080;
	s19 =	simm.s32 @!p2 $0x3;
	[sflag:s20] =	ssyncadd.s32 @!p1 $0xFFFFC000  }
0x14d: {  	[tilespmem:s18], [sflag:$0x3] =	stream.linear.gather @!p2 [hbm4b:s16+s17], $0x80, $0x38;
	[tilespmem:$0xE600] =	vst v63  }
0x14e: {  	_ =	swait.ge @!p2 [sflag:s19], $0x80  }
0x14f: {  	[sflag:s19] =	ssyncset.done @!p2 $0x0  }
0x150: {  	[sflag:s19] =	ssyncadd.s32 @!p2 $0xFFFFFF80  }
0x151: {  	v0 =	vld @!p2 [tilespmem:$0x4080]  }
0x152: {  	v1 =	vld @!p2 [tilespmem:$0x4090]  }
0x153: {  	v2 =	vld @!p2 [tilespmem:$0x40B0]  }
0x154: {  	v3 =	vld @!p2 [tilespmem:$0x40A0]  }
0x155: {  	v5 =	vld @!p2 [tilespmem:$0x40E0];
	_ =	sdelay $0x2  }
0x156: {  	v4 =	vlaneseq.u32 @!p2  }
0x157: {  	v4 =	vor.u32 @!p2 $0x1400, v4;
	v0 =	vand.u32 @!p2 $0x3FFF, v0;
	v1 =	vand.u32 @!p2 $0x3FFF, v1  }
0x158: {  	v6 =	vld @!p2 [tilespmem:$0x40F0];
	v2 =	vand.u32 @!p2 $0x3FFF, v2;
	v3 =	vand.u32 @!p2 $0x3FFF, v3;
	v5 =	vand.u32 @!p2 $0x3FFF, v5  }
0x159: {  	v7 =	vld @!p2 [tilespmem:$0x40D0];
	v0 =	vadd.s32 @!p2 $0xFFFFEC00, v0;
	v1 =	vadd.s32 @!p2 $0xFFFFEC00, v1;
	v2 =	vadd.s32 @!p2 $0xFFFFEC00, v2  }
0x15a: {  	v8 =	vld @!p2 [tilespmem:$0x40C0];
	v3 =	vadd.s32 @!p2 $0xFFFFEC00, v3;
	vm0 =	vlt.u32 @!p2 v0, $0x1400;
	vm2 =	vlt.u32 @!p2 v2, $0x1400  }
0x15b: {  	vm1 =	vlt.u32 @!p2 v1, $0x1400;
	vm3 =	vlt.u32 @!p2 v3, $0x1400;
	v2 =	vsel @!p2 vm2, v2, v4  }
0x15c: {  	v3 =	vsel @!p2 vm3, v3, v4;
	v1 =	vsel @!p2 vm1, v1, v4;
	[tilespmem:$0x41B0] =	vst @!p2 v2;
	v2 =	vadd.s32 @!p2 $0xFFFFEC00, v5  }
0x15d: {  	v0 =	vsel @!p2 vm0, v0, v4;
	v5 =	vand.u32 @!p2 $0x3FFF, v6;
	[tilespmem:$0x41A0] =	vst @!p2 v3;
	vm1 =	vlt.u32 @!p2 v2, $0x1400  }
0x15e: {  	[tilespmem:$0x4190] =	vst @!p2 v1;
	v3 =	vadd.s32 @!p2 $0xFFFFEC00, v5;
	v5 =	vand.u32 @!p2 $0x3FFF, v7;
	v1 =	vsel @!p2 vm1, v2, v4  }
0x15f: {  	[tilespmem:$0x4180] =	vst @!p2 v0;
	vm1 =	vlt.u32 @!p2 v3, $0x1400;
	v2 =	vand.u32 @!p2 $0x3FFF, v8;
	v5 =	vadd.s32 @!p2 $0xFFFFEC00, v5  }
0x160: {  	[tilespmem:$0x41E0] =	vst @!p2 v1;
	v1 =	vsel @!p2 vm1, v3, v4;
	v2 =	vadd.s32 @!p2 $0xFFFFEC00, v2;
	vm0 =	vlt.u32 @!p2 v5, $0x1400  }
0x161: {  	[tilespmem:$0x41F0] =	vst @!p2 v1;
	vm1 =	vlt.u32 @!p2 v2, $0x1400;
	v0 =	vsel @!p2 vm0, v5, v4  }
0x162: {  	v1 =	vsel @!p2 vm1, v2, v4;
	[tilespmem:$0x41D0] =	vst @!p2 v0  }
0x163: {  	s16 =	simm.s32 @!p2 $0x80;
	s18 =	simm.s32 @!p2 $0x4180;
	[tilespmem:$0x41C0] =	vst @!p2 v1  }
0x164: {  	[spmem:s1] =	stream.indirect.scatter.add.f32 @!p2 [tilespmem:s17], [sflag:$0x2], $0x80, s18, s16, $0xb8;
	[tilespmem:$0xE600] =	vst v63  }
0x165: {  	s16 =	simm.s32 @!p0 $0x1  }
0x166: {  	_ =	swait.ge @!p0 [sflag:s16], $0x4000  }
0x167: {  	[sflag:s16] =	ssyncset.done @!p0 $0x0  }
0x168: {  	s15 =	sadd.s32 $0x1, s15;
	[sflag:s16] =	ssyncadd.s32 @!p0 $0xFFFFC000  }
0x169: {  	p1 =	sne.s32 s15, s8;
	[bflag:$0x0] =	sbarrier.arrive $0xFFFF  }
0x16a: {  	[hbm:s7], [sflag:s12] =	dma.local [spmem:s14], $0x1400  }
.Ltmp2:
0x16b: {  	_ =	swait.ge [sflag:s11], $0x1400;
	(pc) =	sbr.rel @p1 .LBB2_1-.Ltmp2, $3  }
0x16c: {  	[sflag:s11] =	ssyncset.done $0x0  }
0x16d: {  	[sflag:s11] =	ssyncadd.s32 $0xFFFFEC00  }
0x16e: {  	[bflag:$0x0] =	sbarrier.arrive $0xFFFF;
	_ =	sdelay $0x1  }
0x16f: {  	_ =	sfence.sel $0x180000  }
0x170: {  	[bflag:$0x0] =	sbarrier.arrive $0xFFFF  }
0x171: {  	p0 =	sne.s32 s2, $0x0;
	_ =	strace $0x90000047  }
0x172: {  	s0 =	sadd.s32 @!p0 $0x100000, s0;
	[bflag:$0x2] =	sbarrier.arrive $0xFFFF  }
0x173: {  	[sflag:s0] =	ssyncadd.tile.s32 @!p0 $0x1;
	_ =	shalt  }
.Lfunc_end2:
_tile_overlayer_lowered:
.L_overlay_start_2:
0x174: {  	(tag) =	ssettag $0x2  }
0x175: {  	s0 =	rddreg [dreg:$0x0];
	s2 =	stileid.u32  }
0x176: {  	s1 =	rddreg [dreg:$0x1];
	p0 =	sne.s32 s2, $0x0  }
0x177: {  	s3 =	rddreg [dreg:$0x2];
	[bflag:$0x3] =	sbarrier.arrive $0xFFFF;
	s2 =	simm.s32 @!p0 $0x1C03  }
0x178: {  	[timem:s3], [sflag:s2] =	dma.local @!p0 [hbm:s0], s1  }
0x179: {  	s0 =	simm.s32 @!p0 $0x3  }
0x17a: {  	_ =	swait.ge @!p0 [sflag:s0], s1  }
0x17b: {  	s1 =	ssub.s32 @!p0 $0x0, s1;
	[sflag:s0] =	ssyncset.done @!p0 $0x0  }
0x17c: {  	[sflag:s0] =	ssyncadd.s32 @!p0 s1  }
0x17d: {  	[bflag:$0x3] =	sbarrier.arrive $0xFFFF  }
0x17e: {  	_ =	shalt  }

</sc_bundles>
